<compile_context>
chip_gen: v7x
topology: tpu7x:2x2x1
jax: 0.10.2.dev20260603
libtpu: 0.0.44.dev20260713+nightly
codegen_flags: <defaults>
</compile_context>

<pallas_src>
import functools

import jax
import jax.numpy as jnp
from jax import lax
from jax.experimental import pallas as pl
from jax.experimental.pallas import tpu as pltpu
from jax.experimental.pallas import tpu_sc as plsc

DIM = 64
MARGIN = 0.1
B = 4096
_L = 16

_INFO = plsc.get_sparse_core_info()
_NC = _INFO.num_cores
_NS = _INFO.num_subcores
_NW = _NC * _NS
_RPW = B // _NW
_C = 64
_NCHUNK = _RPW // _C


def _sc_body(nf1a_h, nf1b_h, nf2a_h, nf2b_h, nf2c_h, nf3a_h, nf3b_h, nf3c_h,
             ce_h, bu_h, rh_h, rt_h,
             s1_h, p2_h, q2_h, e1_h, e2_h,
             i1a, i1b, i2a, i2b, i2c, i3a, i3b, i3c, i3ah, i3ch,
             g1a, g1b, g2a, g2b, g2c, g3a, g3b, gba, gbb, grh, grt,
             o1, o2p, o2q, o3a, o3b, sem):
    wid = lax.axis_index("s") * _NC + lax.axis_index("c")

    for chunk in range(_NCHUNK):
        base = wid * _RPW + chunk * _C
        sl = pl.ds(base, _C)
        pltpu.sync_copy(nf1a_h.at[sl], i1a)
        pltpu.sync_copy(nf1b_h.at[sl], i1b)
        pltpu.sync_copy(nf2a_h.at[sl], i2a)
        pltpu.sync_copy(nf2b_h.at[sl], i2b)
        pltpu.sync_copy(nf2c_h.at[sl], i2c)
        pltpu.sync_copy(nf3a_h.at[sl], i3a)
        pltpu.sync_copy(nf3b_h.at[sl], i3b)
        pltpu.sync_copy(nf3c_h.at[sl], i3c)
        for k in range(_C // _L):
            ks = pl.ds(k * _L, _L)
            i3ah[ks] = lax.shift_right_logical(i3a[ks], 1)
            i3ch[ks] = lax.shift_right_logical(i3c[ks], 1)

        cps = [
            pltpu.async_copy(ce_h.at[i1a], g1a, sem),
            pltpu.async_copy(ce_h.at[i1b], g1b, sem),
            pltpu.async_copy(ce_h.at[i2a], g2a, sem),
            pltpu.async_copy(ce_h.at[i2b], g2b, sem),
            pltpu.async_copy(ce_h.at[i2c], g2c, sem),
            pltpu.async_copy(ce_h.at[i3a], g3a, sem),
            pltpu.async_copy(ce_h.at[i3c], g3b, sem),
            pltpu.async_copy(bu_h.at[i3ah], gba, sem),
            pltpu.async_copy(bu_h.at[i3ch], gbb, sem),
            pltpu.async_copy(rh_h.at[i3b], grh, sem),
            pltpu.async_copy(rt_h.at[i3b], grt, sem),
        ]
        for cp in cps:
            cp.wait()

        def row_body(i, carry):
            z = jnp.zeros((_L,), jnp.float32)
            acc1, accp, accq, accd1, accd2 = z, z, z, z, z
            gbase = lax.bitwise_and(i, jnp.int32(-_L))
            lane = lax.bitwise_and(i, jnp.int32(_L - 1))
            onehot = lax.broadcasted_iota(jnp.int32, (_L,), 0) == lane
            zi = jnp.zeros((_L,), jnp.int32)
            ra = jnp.sum(jnp.where(onehot, i3a[pl.ds(gbase, _L)], zi))
            rc = jnp.sum(jnp.where(onehot, i3c[pl.ds(gbase, _L)], zi))
            ma = jnp.full((_L,), lax.bitwise_and(ra, 1), jnp.int32) == 1
            mc = jnp.full((_L,), lax.bitwise_and(rc, 1), jnp.int32) == 1
            for s in range(DIM // _L):
                dc = pl.ds(s * _L, _L)
                do = pl.ds(DIM + s * _L, _L)
                c1 = g1a[i, dc]
                o1v = jnp.abs(g1a[i, do])
                c2 = g1b[i, dc]
                o2v = jnp.abs(g1b[i, do])
                t = jnp.maximum(jnp.abs(c1 - c2) + o1v - o2v - MARGIN, 0.0)
                acc1 = acc1 + t * t
                cc = g2a[i, dc]
                co = jnp.abs(g2a[i, do])
                dcv = g2b[i, dc]
                dov = jnp.abs(g2b[i, do])
                ec = g2c[i, dc]
                eo = jnp.abs(g2c[i, do])
                low = jnp.maximum(cc - co, dcv - dov)
                up = jnp.minimum(cc + co, dcv + dov)
                icv = (low + up) * 0.5
                iov = jnp.abs(up - low) * 0.5
                tp = jnp.maximum(jnp.abs(icv - ec) + iov - eo - MARGIN, 0.0)
                accp = accp + tp * tp
                tq = jnp.maximum(low - up, 0.0)
                accq = accq + tq * tq
                c3 = g3a[i, dc]
                c3o = jnp.abs(g3a[i, do])
                d3 = g3b[i, dc]
                d3o = jnp.abs(g3b[i, do])
                hc = grh[i, dc]
                ho = jnp.abs(grh[i, do])
                tc = grt[i, dc]
                to = jnp.abs(grt[i, do])
                cb = jnp.where(ma, gba[i, do], gba[i, dc])
                db = jnp.where(mc, gbb[i, do], gbb[i, dc])
                t1 = jnp.maximum(jnp.abs(c3 + db - hc) + c3o - ho - MARGIN, 0.0)
                accd1 = accd1 + t1 * t1
                t2 = jnp.maximum(jnp.abs(d3 + cb - tc) + d3o - to - MARGIN, 0.0)
                accd2 = accd2 + t2 * t2
            o1[i, :] = acc1
            o2p[i, :] = accp
            o2q[i, :] = accq
            o3a[i, :] = accd1
            o3b[i, :] = accd2
            return carry

        lax.fori_loop(0, _C, row_body, 0)

        pltpu.sync_copy(o1, s1_h.at[sl, :])
        pltpu.sync_copy(o2p, p2_h.at[sl, :])
        pltpu.sync_copy(o2q, q2_h.at[sl, :])
        pltpu.sync_copy(o3a, e1_h.at[sl, :])
        pltpu.sync_copy(o3b, e2_h.at[sl, :])


_sc_rowstats = functools.partial(
    pl.kernel,
    mesh=plsc.VectorSubcoreMesh(core_axis_name="c", subcore_axis_name="s"),
    out_type=[jax.ShapeDtypeStruct((B, _L), jnp.float32) for _ in range(5)],
    compiler_params=pltpu.CompilerParams(
        needs_layout_passes=False, use_tc_tiling_on_sc=False),
    scratch_types=(
        [pltpu.VMEM((_C,), jnp.int32) for _ in range(10)]
        + [pltpu.VMEM((_C, 2 * DIM), jnp.float32) for _ in range(11)]
        + [pltpu.VMEM((_C, _L), jnp.float32) for _ in range(5)]
        + [pltpu.SemaphoreType.DMA]
    ),
)(_sc_body)


def _finish_body(s1, p2, q2, e1, e2, out):
    inv = 1.0 / B
    l1 = jnp.sum(s1[...]) * inv
    p2r = jnp.sum(p2[...], axis=1)
    q2r = jnp.sum(q2[...], axis=1)
    l2 = (jnp.sum(p2r) + jnp.sum(q2r)) * inv \
        + 2.0 * (jnp.sum(jnp.sqrt(p2r)) * inv) * (jnp.sum(jnp.sqrt(q2r)) * inv)
    a = jnp.sqrt(jnp.sum(e1[...], axis=1))
    b = jnp.sqrt(jnp.sum(e2[...], axis=1))
    l3 = jnp.sum((a + b) * (a + b)) * (0.25 * inv)
    out[0, 0] = l1 + l2 + l3


_finish = pl.pallas_call(
    _finish_body,
    out_shape=jax.ShapeDtypeStruct((1, 1), jnp.float32),
    out_specs=pl.BlockSpec(memory_space=pltpu.MemorySpace.SMEM),
)


def kernel(nf1, nf2, nf3, class_embeds, bumps, relation_heads, relation_tails):
    s1, p2, q2, e1, e2 = _sc_rowstats(
        nf1[:, 0], nf1[:, 1],
        nf2[:, 0], nf2[:, 1], nf2[:, 2],
        nf3[:, 0], nf3[:, 1], nf3[:, 2],
        class_embeds, bumps.reshape(-1, 2 * DIM),
        relation_heads, relation_tails,
    )
    r = _finish(s1, p2, q2, e1, e2)
    return r[0, 0]

# --- scband reference (transcript-rebuilt; emitter-appended) ---
"""Pipeline reference for scband-box-squared-el-26525718020592 (READ-ONLY COPY).

The authoritative reference and input builder live on the scoring server;
editing this copy changes nothing except your own understanding.
"""

import jax, jax.numpy as jnp
import numpy as np

DIM = 64
MARGIN = 0.1
NUM_CLASSES = 100000
NUM_ROLES = 500
B = 4096


def _boxes(emb):
    # emb: [N, 2*DIM] -> (centers [N, DIM], offsets [N, DIM])
    return emb[:, :DIM], jnp.abs(emb[:, DIM:])


def _inclusion(c1, o1, c2, o2):
    diffs = jnp.abs(c1 - c2)
    dist = jnp.linalg.norm(jax.nn.relu(diffs + o1 - o2 - MARGIN), axis=1)
    return dist.reshape(-1, 1)


def setup_inputs(seed: int = 0) -> dict:
    key = jax.random.key(seed)
    ks = jax.random.split(key, 7)
    nf1 = jax.random.randint(ks[0], (B, 2), 0, NUM_CLASSES, dtype=jnp.int32)
    nf2 = jax.random.randint(ks[1], (B, 3), 0, NUM_CLASSES, dtype=jnp.int32)
    nf3 = jax.random.randint(ks[2], (B, 3), 0, NUM_ROLES, dtype=jnp.int32)
    class_embeds = jax.random.normal(ks[3], (NUM_CLASSES, 2 * DIM), dtype=jnp.float32)
    bumps = jax.random.normal(ks[4], (NUM_CLASSES, DIM), dtype=jnp.float32)
    relation_heads = jax.random.normal(ks[5], (NUM_ROLES, 2 * DIM), dtype=jnp.float32)
    relation_tails = jax.random.normal(ks[6], (NUM_ROLES, 2 * DIM), dtype=jnp.float32)
    return {
        "nf1": nf1,
        "nf2": nf2,
        "nf3": nf3,
        "class_embeds": class_embeds,
        "bumps": bumps,
        "relation_heads": relation_heads,
        "relation_tails": relation_tails,
    }


def reference(nf1, nf2, nf3, class_embeds, bumps, relation_heads, relation_tails):
    # nf1 loss: class C subsumed by class D
    c_c, c_o = _boxes(jnp.take(class_embeds, nf1[:, 0], axis=0))
    d_c, d_o = _boxes(jnp.take(class_embeds, nf1[:, 1], axis=0))
    loss = jnp.mean(jnp.square(_inclusion(c_c, c_o, d_c, d_o)))

    # nf2 loss: C intersect D subsumed by E
    cc, co = _boxes(jnp.take(class_embeds, nf2[:, 0], axis=0))
    dc, do_ = _boxes(jnp.take(class_embeds, nf2[:, 1], axis=0))
    ec, eo = _boxes(jnp.take(class_embeds, nf2[:, 2], axis=0))
    lower = jnp.maximum(cc - co, dc - do_)
    upper = jnp.minimum(cc + co, dc + do_)
    ic = (lower + upper) / 2.0
    io = jnp.abs(upper - lower) / 2.0
    # note: [B,1] + [B] broadcast to [B,B], matching torch semantics of the original code
    nf2_l = _inclusion(ic, io, ec, eo) + jnp.linalg.norm(jax.nn.relu(lower - upper), axis=1)
    loss = loss + jnp.mean(jnp.square(nf2_l))

    # nf3 loss: C r D with bump translation and relation head/tail boxes
    c3c, c3o = _boxes(jnp.take(class_embeds, nf3[:, 0], axis=0))
    d3c, d3o = _boxes(jnp.take(class_embeds, nf3[:, 2], axis=0))
    c_bump = jnp.take(bumps, nf3[:, 0], axis=0)
    d_bump = jnp.take(bumps, nf3[:, 2], axis=0)
    hc, ho = _boxes(jnp.take(relation_heads, nf3[:, 1], axis=0))
    tc, to = _boxes(jnp.take(relation_tails, nf3[:, 1], axis=0))
    dist1 = _inclusion(c3c + d_bump, c3o, hc, ho)
    dist2 = _inclusion(d3c + c_bump, d3o, tc, to)
    loss = loss + jnp.mean(jnp.square((dist1 + dist2) / 2.0))
    return loss

if __name__ == "__main__":
    import jax
    _d = setup_inputs()
    print(jax.jit(kernel)(*tuple(_d.values())))

</pallas_src>

<mosaic_0001>
#map = affine_map<(d0, d1) -> (0)>
#map1 = affine_map<(d0, d1) -> (0, 0)>
module attributes {stable_mosaic.version = 14 : i64} {
  func.func @_sc_body(%arg0: i32, %arg1: i32, %arg2: memref<4096xi32, #tpu.memory_space<hbm>>, %arg3: memref<4096xi32, #tpu.memory_space<hbm>>, %arg4: memref<4096xi32, #tpu.memory_space<hbm>>, %arg5: memref<4096xi32, #tpu.memory_space<hbm>>, %arg6: memref<4096xi32, #tpu.memory_space<hbm>>, %arg7: memref<4096xi32, #tpu.memory_space<hbm>>, %arg8: memref<4096xi32, #tpu.memory_space<hbm>>, %arg9: memref<4096xi32, #tpu.memory_space<hbm>>, %arg10: memref<100000x128xf32, #tpu.memory_space<hbm>>, %arg11: memref<50000x128xf32, #tpu.memory_space<hbm>>, %arg12: memref<500x128xf32, #tpu.memory_space<hbm>>, %arg13: memref<500x128xf32, #tpu.memory_space<hbm>>, %arg14: memref<4096x16xf32, #tpu.memory_space<hbm>>, %arg15: memref<4096x16xf32, #tpu.memory_space<hbm>>, %arg16: memref<4096x16xf32, #tpu.memory_space<hbm>>, %arg17: memref<4096x16xf32, #tpu.memory_space<hbm>>, %arg18: memref<4096x16xf32, #tpu.memory_space<hbm>>, %arg19: memref<64xi32, #tpu.memory_space<vmem>>, %arg20: memref<64xi32, #tpu.memory_space<vmem>>, %arg21: memref<64xi32, #tpu.memory_space<vmem>>, %arg22: memref<64xi32, #tpu.memory_space<vmem>>, %arg23: memref<64xi32, #tpu.memory_space<vmem>>, %arg24: memref<64xi32, #tpu.memory_space<vmem>>, %arg25: memref<64xi32, #tpu.memory_space<vmem>>, %arg26: memref<64xi32, #tpu.memory_space<vmem>>, %arg27: memref<64xi32, #tpu.memory_space<vmem>>, %arg28: memref<64xi32, #tpu.memory_space<vmem>>, %arg29: memref<64x128xf32, #tpu.memory_space<vmem>>, %arg30: memref<64x128xf32, #tpu.memory_space<vmem>>, %arg31: memref<64x128xf32, #tpu.memory_space<vmem>>, %arg32: memref<64x128xf32, #tpu.memory_space<vmem>>, %arg33: memref<64x128xf32, #tpu.memory_space<vmem>>, %arg34: memref<64x128xf32, #tpu.memory_space<vmem>>, %arg35: memref<64x128xf32, #tpu.memory_space<vmem>>, %arg36: memref<64x128xf32, #tpu.memory_space<vmem>>, %arg37: memref<64x128xf32, #tpu.memory_space<vmem>>, %arg38: memref<64x128xf32, #tpu.memory_space<vmem>>, %arg39: memref<64x128xf32, #tpu.memory_space<vmem>>, %arg40: memref<64x16xf32, #tpu.memory_space<vmem>>, %arg41: memref<64x16xf32, #tpu.memory_space<vmem>>, %arg42: memref<64x16xf32, #tpu.memory_space<vmem>>, %arg43: memref<64x16xf32, #tpu.memory_space<vmem>>, %arg44: memref<64x16xf32, #tpu.memory_space<vmem>>, %arg45: memref<!tpu.dma_semaphore, #tpu.memory_space<semaphore_mem>>) attributes {dimension_semantics = [#tpu.dimension_semantics<core_parallel>, #tpu.dimension_semantics<subcore_parallel>], iteration_bounds = array<i64: 2, 16>, scalar_prefetch = 0 : i64, scratch_operands = 27 : i64, tpu.core_type = #tpu.core_type<sc_vector_subcore>, window_params = [{transform_indices = #map}, {transform_indices = #map}, {transform_indices = #map}, {transform_indices = #map}, {transform_indices = #map}, {transform_indices = #map}, {transform_indices = #map}, {transform_indices = #map}, {transform_indices = #map1}, {transform_indices = #map1}, {transform_indices = #map1}, {transform_indices = #map1}, {transform_indices = #map1}, {transform_indices = #map1}, {transform_indices = #map1}, {transform_indices = #map1}, {transform_indices = #map1}]} {
    %mul3A = arith.constant 2 : i32
    %mul3A_0 = arith.muli %arg1, %mul3A : i32
    %add3A = arith.addi %mul3A_0, %arg0 : i32
    %mul3A_1 = arith.constant 128 : i32
    %mul3A_2 = arith.muli %add3A, %mul3A_1 : i32
    %add3A_3 = arith.constant 0 : i32
    %add3A_4 = arith.addi %mul3A_2, %add3A_3 : i32
    "tpu.region"() ({
      %run_scoped3A = tpu.sem_alloc : memref<!tpu.dma_semaphore, #tpu.memory_space<semaphore_mem>>
      %dma_start3A_259 = tpu.memref_slice %arg2[%add3A_4] : memref<4096xi32, #tpu.memory_space<hbm>> -> memref<64xi32, #tpu.memory_space<hbm>>
      %dma_start3A_260 = tpu.memref_slice %arg2[%add3A_4] : memref<4096xi32, #tpu.memory_space<hbm>> -> memref<64xi32, #tpu.memory_space<hbm>>
      tpu.enqueue_dma source(%dma_start3A_260 : memref<64xi32, #tpu.memory_space<hbm>>) target(%arg19 : memref<64xi32, #tpu.memory_space<vmem>>) target_semaphore(%run_scoped3A : memref<!tpu.dma_semaphore, #tpu.memory_space<semaphore_mem>>)
      %dma_wait3A_261 = tpu.memref_slice %arg2[%add3A_4] : memref<4096xi32, #tpu.memory_space<hbm>> -> memref<64xi32, #tpu.memory_space<hbm>>
      %dma_wait3A_262 = tpu.memref_slice %arg2[%add3A_4] : memref<4096xi32, #tpu.memory_space<hbm>> -> memref<64xi32, #tpu.memory_space<hbm>>
      tpu.wait_dma2 semaphore(%run_scoped3A : memref<!tpu.dma_semaphore, #tpu.memory_space<semaphore_mem>>) src(%dma_wait3A_262 : memref<64xi32, #tpu.memory_space<hbm>>) dst(%arg19 : memref<64xi32, #tpu.memory_space<vmem>>)
      tpu.yield
    }) : () -> ()
    "tpu.region"() ({
      %run_scoped3A = tpu.sem_alloc : memref<!tpu.dma_semaphore, #tpu.memory_space<semaphore_mem>>
      %dma_start3A_259 = tpu.memref_slice %arg3[%add3A_4] : memref<4096xi32, #tpu.memory_space<hbm>> -> memref<64xi32, #tpu.memory_space<hbm>>
      %dma_start3A_260 = tpu.memref_slice %arg3[%add3A_4] : memref<4096xi32, #tpu.memory_space<hbm>> -> memref<64xi32, #tpu.memory_space<hbm>>
      tpu.enqueue_dma source(%dma_start3A_260 : memref<64xi32, #tpu.memory_space<hbm>>) target(%arg20 : memref<64xi32, #tpu.memory_space<vmem>>) target_semaphore(%run_scoped3A : memref<!tpu.dma_semaphore, #tpu.memory_space<semaphore_mem>>)
      %dma_wait3A_261 = tpu.memref_slice %arg3[%add3A_4] : memref<4096xi32, #tpu.memory_space<hbm>> -> memref<64xi32, #tpu.memory_space<hbm>>
      %dma_wait3A_262 = tpu.memref_slice %arg3[%add3A_4] : memref<4096xi32, #tpu.memory_space<hbm>> -> memref<64xi32, #tpu.memory_space<hbm>>
      tpu.wait_dma2 semaphore(%run_scoped3A : memref<!tpu.dma_semaphore, #tpu.memory_space<semaphore_mem>>) src(%dma_wait3A_262 : memref<64xi32, #tpu.memory_space<hbm>>) dst(%arg20 : memref<64xi32, #tpu.memory_space<vmem>>)
      tpu.yield
    }) : () -> ()
    "tpu.region"() ({
      %run_scoped3A = tpu.sem_alloc : memref<!tpu.dma_semaphore, #tpu.memory_space<semaphore_mem>>
      %dma_start3A_259 = tpu.memref_slice %arg4[%add3A_4] : memref<4096xi32, #tpu.memory_space<hbm>> -> memref<64xi32, #tpu.memory_space<hbm>>
      %dma_start3A_260 = tpu.memref_slice %arg4[%add3A_4] : memref<4096xi32, #tpu.memory_space<hbm>> -> memref<64xi32, #tpu.memory_space<hbm>>
      tpu.enqueue_dma source(%dma_start3A_260 : memref<64xi32, #tpu.memory_space<hbm>>) target(%arg21 : memref<64xi32, #tpu.memory_space<vmem>>) target_semaphore(%run_scoped3A : memref<!tpu.dma_semaphore, #tpu.memory_space<semaphore_mem>>)
      %dma_wait3A_261 = tpu.memref_slice %arg4[%add3A_4] : memref<4096xi32, #tpu.memory_space<hbm>> -> memref<64xi32, #tpu.memory_space<hbm>>
      %dma_wait3A_262 = tpu.memref_slice %arg4[%add3A_4] : memref<4096xi32, #tpu.memory_space<hbm>> -> memref<64xi32, #tpu.memory_space<hbm>>
      tpu.wait_dma2 semaphore(%run_scoped3A : memref<!tpu.dma_semaphore, #tpu.memory_space<semaphore_mem>>) src(%dma_wait3A_262 : memref<64xi32, #tpu.memory_space<hbm>>) dst(%arg21 : memref<64xi32, #tpu.memory_space<vmem>>)
      tpu.yield
    }) : () -> ()
    "tpu.region"() ({
      %run_scoped3A = tpu.sem_alloc : memref<!tpu.dma_semaphore, #tpu.memory_space<semaphore_mem>>
      %dma_start3A_259 = tpu.memref_slice %arg5[%add3A_4] : memref<4096xi32, #tpu.memory_space<hbm>> -> memref<64xi32, #tpu.memory_space<hbm>>
      %dma_start3A_260 = tpu.memref_slice %arg5[%add3A_4] : memref<4096xi32, #tpu.memory_space<hbm>> -> memref<64xi32, #tpu.memory_space<hbm>>
      tpu.enqueue_dma source(%dma_start3A_260 : memref<64xi32, #tpu.memory_space<hbm>>) target(%arg22 : memref<64xi32, #tpu.memory_space<vmem>>) target_semaphore(%run_scoped3A : memref<!tpu.dma_semaphore, #tpu.memory_space<semaphore_mem>>)
      %dma_wait3A_261 = tpu.memref_slice %arg5[%add3A_4] : memref<4096xi32, #tpu.memory_space<hbm>> -> memref<64xi32, #tpu.memory_space<hbm>>
      %dma_wait3A_262 = tpu.memref_slice %arg5[%add3A_4] : memref<4096xi32, #tpu.memory_space<hbm>> -> memref<64xi32, #tpu.memory_space<hbm>>
      tpu.wait_dma2 semaphore(%run_scoped3A : memref<!tpu.dma_semaphore, #tpu.memory_space<semaphore_mem>>) src(%dma_wait3A_262 : memref<64xi32, #tpu.memory_space<hbm>>) dst(%arg22 : memref<64xi32, #tpu.memory_space<vmem>>)
      tpu.yield
    }) : () -> ()
    "tpu.region"() ({
      %run_scoped3A = tpu.sem_alloc : memref<!tpu.dma_semaphore, #tpu.memory_space<semaphore_mem>>
      %dma_start3A_259 = tpu.memref_slice %arg6[%add3A_4] : memref<4096xi32, #tpu.memory_space<hbm>> -> memref<64xi32, #tpu.memory_space<hbm>>
      %dma_start3A_260 = tpu.memref_slice %arg6[%add3A_4] : memref<4096xi32, #tpu.memory_space<hbm>> -> memref<64xi32, #tpu.memory_space<hbm>>
      tpu.enqueue_dma source(%dma_start3A_260 : memref<64xi32, #tpu.memory_space<hbm>>) target(%arg23 : memref<64xi32, #tpu.memory_space<vmem>>) target_semaphore(%run_scoped3A : memref<!tpu.dma_semaphore, #tpu.memory_space<semaphore_mem>>)
      %dma_wait3A_261 = tpu.memref_slice %arg6[%add3A_4] : memref<4096xi32, #tpu.memory_space<hbm>> -> memref<64xi32, #tpu.memory_space<hbm>>
      %dma_wait3A_262 = tpu.memref_slice %arg6[%add3A_4] : memref<4096xi32, #tpu.memory_space<hbm>> -> memref<64xi32, #tpu.memory_space<hbm>>
      tpu.wait_dma2 semaphore(%run_scoped3A : memref<!tpu.dma_semaphore, #tpu.memory_space<semaphore_mem>>) src(%dma_wait3A_262 : memref<64xi32, #tpu.memory_space<hbm>>) dst(%arg23 : memref<64xi32, #tpu.memory_space<vmem>>)
      tpu.yield
    }) : () -> ()
    "tpu.region"() ({
      %run_scoped3A = tpu.sem_alloc : memref<!tpu.dma_semaphore, #tpu.memory_space<semaphore_mem>>
      %dma_start3A_259 = tpu.memref_slice %arg7[%add3A_4] : memref<4096xi32, #tpu.memory_space<hbm>> -> memref<64xi32, #tpu.memory_space<hbm>>
      %dma_start3A_260 = tpu.memref_slice %arg7[%add3A_4] : memref<4096xi32, #tpu.memory_space<hbm>> -> memref<64xi32, #tpu.memory_space<hbm>>
      tpu.enqueue_dma source(%dma_start3A_260 : memref<64xi32, #tpu.memory_space<hbm>>) target(%arg24 : memref<64xi32, #tpu.memory_space<vmem>>) target_semaphore(%run_scoped3A : memref<!tpu.dma_semaphore, #tpu.memory_space<semaphore_mem>>)
      %dma_wait3A_261 = tpu.memref_slice %arg7[%add3A_4] : memref<4096xi32, #tpu.memory_space<hbm>> -> memref<64xi32, #tpu.memory_space<hbm>>
      %dma_wait3A_262 = tpu.memref_slice %arg7[%add3A_4] : memref<4096xi32, #tpu.memory_space<hbm>> -> memref<64xi32, #tpu.memory_space<hbm>>
      tpu.wait_dma2 semaphore(%run_scoped3A : memref<!tpu.dma_semaphore, #tpu.memory_space<semaphore_mem>>) src(%dma_wait3A_262 : memref<64xi32, #tpu.memory_space<hbm>>) dst(%arg24 : memref<64xi32, #tpu.memory_space<vmem>>)
      tpu.yield
    }) : () -> ()
    "tpu.region"() ({
      %run_scoped3A = tpu.sem_alloc : memref<!tpu.dma_semaphore, #tpu.memory_space<semaphore_mem>>
      %dma_start3A_259 = tpu.memref_slice %arg8[%add3A_4] : memref<4096xi32, #tpu.memory_space<hbm>> -> memref<64xi32, #tpu.memory_space<hbm>>
      %dma_start3A_260 = tpu.memref_slice %arg8[%add3A_4] : memref<4096xi32, #tpu.memory_space<hbm>> -> memref<64xi32, #tpu.memory_space<hbm>>
      tpu.enqueue_dma source(%dma_start3A_260 : memref<64xi32, #tpu.memory_space<hbm>>) target(%arg25 : memref<64xi32, #tpu.memory_space<vmem>>) target_semaphore(%run_scoped3A : memref<!tpu.dma_semaphore, #tpu.memory_space<semaphore_mem>>)
      %dma_wait3A_261 = tpu.memref_slice %arg8[%add3A_4] : memref<4096xi32, #tpu.memory_space<hbm>> -> memref<64xi32, #tpu.memory_space<hbm>>
      %dma_wait3A_262 = tpu.memref_slice %arg8[%add3A_4] : memref<4096xi32, #tpu.memory_space<hbm>> -> memref<64xi32, #tpu.memory_space<hbm>>
      tpu.wait_dma2 semaphore(%run_scoped3A : memref<!tpu.dma_semaphore, #tpu.memory_space<semaphore_mem>>) src(%dma_wait3A_262 : memref<64xi32, #tpu.memory_space<hbm>>) dst(%arg25 : memref<64xi32, #tpu.memory_space<vmem>>)
      tpu.yield
    }) : () -> ()
    "tpu.region"() ({
      %run_scoped3A = tpu.sem_alloc : memref<!tpu.dma_semaphore, #tpu.memory_space<semaphore_mem>>
      %dma_start3A_259 = tpu.memref_slice %arg9[%add3A_4] : memref<4096xi32, #tpu.memory_space<hbm>> -> memref<64xi32, #tpu.memory_space<hbm>>
      %dma_start3A_260 = tpu.memref_slice %arg9[%add3A_4] : memref<4096xi32, #tpu.memory_space<hbm>> -> memref<64xi32, #tpu.memory_space<hbm>>
      tpu.enqueue_dma source(%dma_start3A_260 : memref<64xi32, #tpu.memory_space<hbm>>) target(%arg26 : memref<64xi32, #tpu.memory_space<vmem>>) target_semaphore(%run_scoped3A : memref<!tpu.dma_semaphore, #tpu.memory_space<semaphore_mem>>)
      %dma_wait3A_261 = tpu.memref_slice %arg9[%add3A_4] : memref<4096xi32, #tpu.memory_space<hbm>> -> memref<64xi32, #tpu.memory_space<hbm>>
      %dma_wait3A_262 = tpu.memref_slice %arg9[%add3A_4] : memref<4096xi32, #tpu.memory_space<hbm>> -> memref<64xi32, #tpu.memory_space<hbm>>
      tpu.wait_dma2 semaphore(%run_scoped3A : memref<!tpu.dma_semaphore, #tpu.memory_space<semaphore_mem>>) src(%dma_wait3A_262 : memref<64xi32, #tpu.memory_space<hbm>>) dst(%arg26 : memref<64xi32, #tpu.memory_space<vmem>>)
      tpu.yield
    }) : () -> ()
    %get3A = arith.constant 0 : index
    %get3A_5 = tpu.vector_load %arg24[%get3A] {strides = array<i32>} : memref<64xi32, #tpu.memory_space<vmem>>, vector<16xi32>,
    %shift_right_logical3A = arith.constant 1 : i32
    %shift_right_logical3A_6 = vector.broadcast %shift_right_logical3A : i32 to vector<16xi32>
    %shift_right_logical3A_7 = arith.shrui %get3A_5, %shift_right_logical3A_6 : vector<16xi32>
    %swap3A = arith.constant 0 : index
    %swap3A_8 = tpu.vector_load %arg27[%swap3A] {strides = array<i32>} : memref<64xi32, #tpu.memory_space<vmem>>, vector<16xi32>,
    tpu.vector_store %arg27[%swap3A], %shift_right_logical3A_7 {strides = array<i32>} : memref<64xi32, #tpu.memory_space<vmem>>, vector<16xi32>,
    %get3A_9 = arith.constant 0 : index
    %get3A_10 = tpu.vector_load %arg26[%get3A_9] {strides = array<i32>} : memref<64xi32, #tpu.memory_space<vmem>>, vector<16xi32>,
    %shift_right_logical3A_11 = arith.constant 1 : i32
    %shift_right_logical3A_12 = vector.broadcast %shift_right_logical3A_11 : i32 to vector<16xi32>
    %shift_right_logical3A_13 = arith.shrui %get3A_10, %shift_right_logical3A_12 : vector<16xi32>
    %swap3A_14 = arith.constant 0 : index
    %swap3A_15 = tpu.vector_load %arg28[%swap3A_14] {strides = array<i32>} : memref<64xi32, #tpu.memory_space<vmem>>, vector<16xi32>,
    tpu.vector_store %arg28[%swap3A_14], %shift_right_logical3A_13 {strides = array<i32>} : memref<64xi32, #tpu.memory_space<vmem>>, vector<16xi32>,
    %get3A_16 = arith.constant 16 : index
    %get3A_17 = tpu.vector_load %arg24[%get3A_16] {strides = array<i32>} : memref<64xi32, #tpu.memory_space<vmem>>, vector<16xi32>,
    %shift_right_logical3A_18 = arith.constant 1 : i32
    %shift_right_logical3A_19 = vector.broadcast %shift_right_logical3A_18 : i32 to vector<16xi32>
    %shift_right_logical3A_20 = arith.shrui %get3A_17, %shift_right_logical3A_19 : vector<16xi32>
    %swap3A_21 = arith.constant 16 : index
    %swap3A_22 = tpu.vector_load %arg27[%swap3A_21] {strides = array<i32>} : memref<64xi32, #tpu.memory_space<vmem>>, vector<16xi32>,
    tpu.vector_store %arg27[%swap3A_21], %shift_right_logical3A_20 {strides = array<i32>} : memref<64xi32, #tpu.memory_space<vmem>>, vector<16xi32>,
    %get3A_23 = arith.constant 16 : index
    %get3A_24 = tpu.vector_load %arg26[%get3A_23] {strides = array<i32>} : memref<64xi32, #tpu.memory_space<vmem>>, vector<16xi32>,
    %shift_right_logical3A_25 = arith.constant 1 : i32
    %shift_right_logical3A_26 = vector.broadcast %shift_right_logical3A_25 : i32 to vector<16xi32>
    %shift_right_logical3A_27 = arith.shrui %get3A_24, %shift_right_logical3A_26 : vector<16xi32>
    %swap3A_28 = arith.constant 16 : index
    %swap3A_29 = tpu.vector_load %arg28[%swap3A_28] {strides = array<i32>} : memref<64xi32, #tpu.memory_space<vmem>>, vector<16xi32>,
    tpu.vector_store %arg28[%swap3A_28], %shift_right_logical3A_27 {strides = array<i32>} : memref<64xi32, #tpu.memory_space<vmem>>, vector<16xi32>,
    %get3A_30 = arith.constant 32 : index
    %get3A_31 = tpu.vector_load %arg24[%get3A_30] {strides = array<i32>} : memref<64xi32, #tpu.memory_space<vmem>>, vector<16xi32>,
    %shift_right_logical3A_32 = arith.constant 1 : i32
    %shift_right_logical3A_33 = vector.broadcast %shift_right_logical3A_32 : i32 to vector<16xi32>
    %shift_right_logical3A_34 = arith.shrui %get3A_31, %shift_right_logical3A_33 : vector<16xi32>
    %swap3A_35 = arith.constant 32 : index
    %swap3A_36 = tpu.vector_load %arg27[%swap3A_35] {strides = array<i32>} : memref<64xi32, #tpu.memory_space<vmem>>, vector<16xi32>,
    tpu.vector_store %arg27[%swap3A_35], %shift_right_logical3A_34 {strides = array<i32>} : memref<64xi32, #tpu.memory_space<vmem>>, vector<16xi32>,
    %get3A_37 = arith.constant 32 : index
    %get3A_38 = tpu.vector_load %arg26[%get3A_37] {strides = array<i32>} : memref<64xi32, #tpu.memory_space<vmem>>, vector<16xi32>,
    %shift_right_logical3A_39 = arith.constant 1 : i32
    %shift_right_logical3A_40 = vector.broadcast %shift_right_logical3A_39 : i32 to vector<16xi32>
    %shift_right_logical3A_41 = arith.shrui %get3A_38, %shift_right_logical3A_40 : vector<16xi32>
    %swap3A_42 = arith.constant 32 : index
    %swap3A_43 = tpu.vector_load %arg28[%swap3A_42] {strides = array<i32>} : memref<64xi32, #tpu.memory_space<vmem>>, vector<16xi32>,
    tpu.vector_store %arg28[%swap3A_42], %shift_right_logical3A_41 {strides = array<i32>} : memref<64xi32, #tpu.memory_space<vmem>>, vector<16xi32>,
    %get3A_44 = arith.constant 48 : index
    %get3A_45 = tpu.vector_load %arg24[%get3A_44] {strides = array<i32>} : memref<64xi32, #tpu.memory_space<vmem>>, vector<16xi32>,
    %shift_right_logical3A_46 = arith.constant 1 : i32
    %shift_right_logical3A_47 = vector.broadcast %shift_right_logical3A_46 : i32 to vector<16xi32>
    %shift_right_logical3A_48 = arith.shrui %get3A_45, %shift_right_logical3A_47 : vector<16xi32>
    %swap3A_49 = arith.constant 48 : index
    %swap3A_50 = tpu.vector_load %arg27[%swap3A_49] {strides = array<i32>} : memref<64xi32, #tpu.memory_space<vmem>>, vector<16xi32>,
    tpu.vector_store %arg27[%swap3A_49], %shift_right_logical3A_48 {strides = array<i32>} : memref<64xi32, #tpu.memory_space<vmem>>, vector<16xi32>,
    %get3A_51 = arith.constant 48 : index
    %get3A_52 = tpu.vector_load %arg26[%get3A_51] {strides = array<i32>} : memref<64xi32, #tpu.memory_space<vmem>>, vector<16xi32>,
    %shift_right_logical3A_53 = arith.constant 1 : i32
    %shift_right_logical3A_54 = vector.broadcast %shift_right_logical3A_53 : i32 to vector<16xi32>
    %shift_right_logical3A_55 = arith.shrui %get3A_52, %shift_right_logical3A_54 : vector<16xi32>
    %swap3A_56 = arith.constant 48 : index
    %swap3A_57 = tpu.vector_load %arg28[%swap3A_56] {strides = array<i32>} : memref<64xi32, #tpu.memory_space<vmem>>, vector<16xi32>,
    tpu.vector_store %arg28[%swap3A_56], %shift_right_logical3A_55 {strides = array<i32>} : memref<64xi32, #tpu.memory_space<vmem>>, vector<16xi32>,
    %dma_start3A = arith.constant 0 : i32
    %dma_start3A_58 = arith.constant 0 : i32
    %dma_start3A_59 = tpu.memref_slice %arg10[%dma_start3A, %dma_start3A_58] : memref<100000x128xf32, #tpu.memory_space<hbm>> -> memref<100000x128xf32, #tpu.memory_space<hbm>>
    tpu.enqueue_indirect_dma source(%dma_start3A_59 : memref<100000x128xf32, #tpu.memory_space<hbm>>) target(%arg29 : memref<64x128xf32, #tpu.memory_space<vmem>>) offsets(%arg19 : memref<64xi32, #tpu.memory_space<vmem>>) semaphore(%arg45 : memref<!tpu.dma_semaphore, #tpu.memory_space<semaphore_mem>>)
    %dma_start3A_60 = arith.constant 0 : i32
    %dma_start3A_61 = arith.constant 0 : i32
    %dma_start3A_62 = tpu.memref_slice %arg10[%dma_start3A_60, %dma_start3A_61] : memref<100000x128xf32, #tpu.memory_space<hbm>> -> memref<100000x128xf32, #tpu.memory_space<hbm>>
    tpu.enqueue_indirect_dma source(%dma_start3A_62 : memref<100000x128xf32, #tpu.memory_space<hbm>>) target(%arg30 : memref<64x128xf32, #tpu.memory_space<vmem>>) offsets(%arg20 : memref<64xi32, #tpu.memory_space<vmem>>) semaphore(%arg45 : memref<!tpu.dma_semaphore, #tpu.memory_space<semaphore_mem>>)
    %dma_start3A_63 = arith.constant 0 : i32
    %dma_start3A_64 = arith.constant 0 : i32
    %dma_start3A_65 = tpu.memref_slice %arg10[%dma_start3A_63, %dma_start3A_64] : memref<100000x128xf32, #tpu.memory_space<hbm>> -> memref<100000x128xf32, #tpu.memory_space<hbm>>
    tpu.enqueue_indirect_dma source(%dma_start3A_65 : memref<100000x128xf32, #tpu.memory_space<hbm>>) target(%arg31 : memref<64x128xf32, #tpu.memory_space<vmem>>) offsets(%arg21 : memref<64xi32, #tpu.memory_space<vmem>>) semaphore(%arg45 : memref<!tpu.dma_semaphore, #tpu.memory_space<semaphore_mem>>)
    %dma_start3A_66 = arith.constant 0 : i32
    %dma_start3A_67 = arith.constant 0 : i32
    %dma_start3A_68 = tpu.memref_slice %arg10[%dma_start3A_66, %dma_start3A_67] : memref<100000x128xf32, #tpu.memory_space<hbm>> -> memref<100000x128xf32, #tpu.memory_space<hbm>>
    tpu.enqueue_indirect_dma source(%dma_start3A_68 : memref<100000x128xf32, #tpu.memory_space<hbm>>) target(%arg32 : memref<64x128xf32, #tpu.memory_space<vmem>>) offsets(%arg22 : memref<64xi32, #tpu.memory_space<vmem>>) semaphore(%arg45 : memref<!tpu.dma_semaphore, #tpu.memory_space<semaphore_mem>>)
    %dma_start3A_69 = arith.constant 0 : i32
    %dma_start3A_70 = arith.constant 0 : i32
    %dma_start3A_71 = tpu.memref_slice %arg10[%dma_start3A_69, %dma_start3A_70] : memref<100000x128xf32, #tpu.memory_space<hbm>> -> memref<100000x128xf32, #tpu.memory_space<hbm>>
    tpu.enqueue_indirect_dma source(%dma_start3A_71 : memref<100000x128xf32, #tpu.memory_space<hbm>>) target(%arg33 : memref<64x128xf32, #tpu.memory_space<vmem>>) offsets(%arg23 : memref<64xi32, #tpu.memory_space<vmem>>) semaphore(%arg45 : memref<!tpu.dma_semaphore, #tpu.memory_space<semaphore_mem>>)
    %dma_start3A_72 = arith.constant 0 : i32
    %dma_start3A_73 = arith.constant 0 : i32
    %dma_start3A_74 = tpu.memref_slice %arg10[%dma_start3A_72, %dma_start3A_73] : memref<100000x128xf32, #tpu.memory_space<hbm>> -> memref<100000x128xf32, #tpu.memory_space<hbm>>
    tpu.enqueue_indirect_dma source(%dma_start3A_74 : memref<100000x128xf32, #tpu.memory_space<hbm>>) target(%arg34 : memref<64x128xf32, #tpu.memory_space<vmem>>) offsets(%arg24 : memref<64xi32, #tpu.memory_space<vmem>>) semaphore(%arg45 : memref<!tpu.dma_semaphore, #tpu.memory_space<semaphore_mem>>)
    %dma_start3A_75 = arith.constant 0 : i32
    %dma_start3A_76 = arith.constant 0 : i32
    %dma_start3A_77 = tpu.memref_slice %arg10[%dma_start3A_75, %dma_start3A_76] : memref<100000x128xf32, #tpu.memory_space<hbm>> -> memref<100000x128xf32, #tpu.memory_space<hbm>>
    tpu.enqueue_indirect_dma source(%dma_start3A_77 : memref<100000x128xf32, #tpu.memory_space<hbm>>) target(%arg35 : memref<64x128xf32, #tpu.memory_space<vmem>>) offsets(%arg26 : memref<64xi32, #tpu.memory_space<vmem>>) semaphore(%arg45 : memref<!tpu.dma_semaphore, #tpu.memory_space<semaphore_mem>>)
    %dma_start3A_78 = arith.constant 0 : i32
    %dma_start3A_79 = arith.constant 0 : i32
    %dma_start3A_80 = tpu.memref_slice %arg11[%dma_start3A_78, %dma_start3A_79] : memref<50000x128xf32, #tpu.memory_space<hbm>> -> memref<50000x128xf32, #tpu.memory_space<hbm>>
    tpu.enqueue_indirect_dma source(%dma_start3A_80 : memref<50000x128xf32, #tpu.memory_space<hbm>>) target(%arg36 : memref<64x128xf32, #tpu.memory_space<vmem>>) offsets(%arg27 : memref<64xi32, #tpu.memory_space<vmem>>) semaphore(%arg45 : memref<!tpu.dma_semaphore, #tpu.memory_space<semaphore_mem>>)
    %dma_start3A_81 = arith.constant 0 : i32
    %dma_start3A_82 = arith.constant 0 : i32
    %dma_start3A_83 = tpu.memref_slice %arg11[%dma_start3A_81, %dma_start3A_82] : memref<50000x128xf32, #tpu.memory_space<hbm>> -> memref<50000x128xf32, #tpu.memory_space<hbm>>
    tpu.enqueue_indirect_dma source(%dma_start3A_83 : memref<50000x128xf32, #tpu.memory_space<hbm>>) target(%arg37 : memref<64x128xf32, #tpu.memory_space<vmem>>) offsets(%arg28 : memref<64xi32, #tpu.memory_space<vmem>>) semaphore(%arg45 : memref<!tpu.dma_semaphore, #tpu.memory_space<semaphore_mem>>)
    %dma_start3A_84 = arith.constant 0 : i32
    %dma_start3A_85 = arith.constant 0 : i32
    %dma_start3A_86 = tpu.memref_slice %arg12[%dma_start3A_84, %dma_start3A_85] : memref<500x128xf32, #tpu.memory_space<hbm>> -> memref<500x128xf32, #tpu.memory_space<hbm>>
    tpu.enqueue_indirect_dma source(%dma_start3A_86 : memref<500x128xf32, #tpu.memory_space<hbm>>) target(%arg38 : memref<64x128xf32, #tpu.memory_space<vmem>>) offsets(%arg25 : memref<64xi32, #tpu.memory_space<vmem>>) semaphore(%arg45 : memref<!tpu.dma_semaphore, #tpu.memory_space<semaphore_mem>>)
    %dma_start3A_87 = arith.constant 0 : i32
    %dma_start3A_88 = arith.constant 0 : i32
    %dma_start3A_89 = tpu.memref_slice %arg13[%dma_start3A_87, %dma_start3A_88] : memref<500x128xf32, #tpu.memory_space<hbm>> -> memref<500x128xf32, #tpu.memory_space<hbm>>
    tpu.enqueue_indirect_dma source(%dma_start3A_89 : memref<500x128xf32, #tpu.memory_space<hbm>>) target(%arg39 : memref<64x128xf32, #tpu.memory_space<vmem>>) offsets(%arg25 : memref<64xi32, #tpu.memory_space<vmem>>) semaphore(%arg45 : memref<!tpu.dma_semaphore, #tpu.memory_space<semaphore_mem>>)
    %dma_wait3A = arith.constant 0 : i32
    %dma_wait3A_90 = arith.constant 0 : i32
    %dma_wait3A_91 = tpu.memref_slice %arg10[%dma_wait3A, %dma_wait3A_90] : memref<100000x128xf32, #tpu.memory_space<hbm>> -> memref<100000x128xf32, #tpu.memory_space<hbm>>
    tpu.wait_indirect_dma semaphore(%arg45 : memref<!tpu.dma_semaphore, #tpu.memory_space<semaphore_mem>>) src(%dma_wait3A_91 : memref<100000x128xf32, #tpu.memory_space<hbm>>) dst(%arg29 : memref<64x128xf32, #tpu.memory_space<vmem>>)
    %dma_wait3A_92 = arith.constant 0 : i32
    %dma_wait3A_93 = arith.constant 0 : i32
    %dma_wait3A_94 = tpu.memref_slice %arg10[%dma_wait3A_92, %dma_wait3A_93] : memref<100000x128xf32, #tpu.memory_space<hbm>> -> memref<100000x128xf32, #tpu.memory_space<hbm>>
    tpu.wait_indirect_dma semaphore(%arg45 : memref<!tpu.dma_semaphore, #tpu.memory_space<semaphore_mem>>) src(%dma_wait3A_94 : memref<100000x128xf32, #tpu.memory_space<hbm>>) dst(%arg30 : memref<64x128xf32, #tpu.memory_space<vmem>>)
    %dma_wait3A_95 = arith.constant 0 : i32
    %dma_wait3A_96 = arith.constant 0 : i32
    %dma_wait3A_97 = tpu.memref_slice %arg10[%dma_wait3A_95, %dma_wait3A_96] : memref<100000x128xf32, #tpu.memory_space<hbm>> -> memref<100000x128xf32, #tpu.memory_space<hbm>>
    tpu.wait_indirect_dma semaphore(%arg45 : memref<!tpu.dma_semaphore, #tpu.memory_space<semaphore_mem>>) src(%dma_wait3A_97 : memref<100000x128xf32, #tpu.memory_space<hbm>>) dst(%arg31 : memref<64x128xf32, #tpu.memory_space<vmem>>)
    %dma_wait3A_98 = arith.constant 0 : i32
    %dma_wait3A_99 = arith.constant 0 : i32
    %dma_wait3A_100 = tpu.memref_slice %arg10[%dma_wait3A_98, %dma_wait3A_99] : memref<100000x128xf32, #tpu.memory_space<hbm>> -> memref<100000x128xf32, #tpu.memory_space<hbm>>
    tpu.wait_indirect_dma semaphore(%arg45 : memref<!tpu.dma_semaphore, #tpu.memory_space<semaphore_mem>>) src(%dma_wait3A_100 : memref<100000x128xf32, #tpu.memory_space<hbm>>) dst(%arg32 : memref<64x128xf32, #tpu.memory_space<vmem>>)
    %dma_wait3A_101 = arith.constant 0 : i32
    %dma_wait3A_102 = arith.constant 0 : i32
    %dma_wait3A_103 = tpu.memref_slice %arg10[%dma_wait3A_101, %dma_wait3A_102] : memref<100000x128xf32, #tpu.memory_space<hbm>> -> memref<100000x128xf32, #tpu.memory_space<hbm>>
    tpu.wait_indirect_dma semaphore(%arg45 : memref<!tpu.dma_semaphore, #tpu.memory_space<semaphore_mem>>) src(%dma_wait3A_103 : memref<100000x128xf32, #tpu.memory_space<hbm>>) dst(%arg33 : memref<64x128xf32, #tpu.memory_space<vmem>>)
    %dma_wait3A_104 = arith.constant 0 : i32
    %dma_wait3A_105 = arith.constant 0 : i32
    %dma_wait3A_106 = tpu.memref_slice %arg10[%dma_wait3A_104, %dma_wait3A_105] : memref<100000x128xf32, #tpu.memory_space<hbm>> -> memref<100000x128xf32, #tpu.memory_space<hbm>>
    tpu.wait_indirect_dma semaphore(%arg45 : memref<!tpu.dma_semaphore, #tpu.memory_space<semaphore_mem>>) src(%dma_wait3A_106 : memref<100000x128xf32, #tpu.memory_space<hbm>>) dst(%arg34 : memref<64x128xf32, #tpu.memory_space<vmem>>)
    %dma_wait3A_107 = arith.constant 0 : i32
    %dma_wait3A_108 = arith.constant 0 : i32
    %dma_wait3A_109 = tpu.memref_slice %arg10[%dma_wait3A_107, %dma_wait3A_108] : memref<100000x128xf32, #tpu.memory_space<hbm>> -> memref<100000x128xf32, #tpu.memory_space<hbm>>
    tpu.wait_indirect_dma semaphore(%arg45 : memref<!tpu.dma_semaphore, #tpu.memory_space<semaphore_mem>>) src(%dma_wait3A_109 : memref<100000x128xf32, #tpu.memory_space<hbm>>) dst(%arg35 : memref<64x128xf32, #tpu.memory_space<vmem>>)
    %dma_wait3A_110 = arith.constant 0 : i32
    %dma_wait3A_111 = arith.constant 0 : i32
    %dma_wait3A_112 = tpu.memref_slice %arg11[%dma_wait3A_110, %dma_wait3A_111] : memref<50000x128xf32, #tpu.memory_space<hbm>> -> memref<50000x128xf32, #tpu.memory_space<hbm>>
    tpu.wait_indirect_dma semaphore(%arg45 : memref<!tpu.dma_semaphore, #tpu.memory_space<semaphore_mem>>) src(%dma_wait3A_112 : memref<50000x128xf32, #tpu.memory_space<hbm>>) dst(%arg36 : memref<64x128xf32, #tpu.memory_space<vmem>>)
    %dma_wait3A_113 = arith.constant 0 : i32
    %dma_wait3A_114 = arith.constant 0 : i32
    %dma_wait3A_115 = tpu.memref_slice %arg11[%dma_wait3A_113, %dma_wait3A_114] : memref<50000x128xf32, #tpu.memory_space<hbm>> -> memref<50000x128xf32, #tpu.memory_space<hbm>>
    tpu.wait_indirect_dma semaphore(%arg45 : memref<!tpu.dma_semaphore, #tpu.memory_space<semaphore_mem>>) src(%dma_wait3A_115 : memref<50000x128xf32, #tpu.memory_space<hbm>>) dst(%arg37 : memref<64x128xf32, #tpu.memory_space<vmem>>)
    %dma_wait3A_116 = arith.constant 0 : i32
    %dma_wait3A_117 = arith.constant 0 : i32
    %dma_wait3A_118 = tpu.memref_slice %arg12[%dma_wait3A_116, %dma_wait3A_117] : memref<500x128xf32, #tpu.memory_space<hbm>> -> memref<500x128xf32, #tpu.memory_space<hbm>>
    tpu.wait_indirect_dma semaphore(%arg45 : memref<!tpu.dma_semaphore, #tpu.memory_space<semaphore_mem>>) src(%dma_wait3A_118 : memref<500x128xf32, #tpu.memory_space<hbm>>) dst(%arg38 : memref<64x128xf32, #tpu.memory_space<vmem>>)
    %dma_wait3A_119 = arith.constant 0 : i32
    %dma_wait3A_120 = arith.constant 0 : i32
    %dma_wait3A_121 = tpu.memref_slice %arg13[%dma_wait3A_119, %dma_wait3A_120] : memref<500x128xf32, #tpu.memory_space<hbm>> -> memref<500x128xf32, #tpu.memory_space<hbm>>
    tpu.wait_indirect_dma semaphore(%arg45 : memref<!tpu.dma_semaphore, #tpu.memory_space<semaphore_mem>>) src(%dma_wait3A_121 : memref<500x128xf32, #tpu.memory_space<hbm>>) dst(%arg39 : memref<64x128xf32, #tpu.memory_space<vmem>>)
    %scan3A = arith.constant 0 : i32
    %scan3A_122 = arith.constant 0 : i32
    %scan3A_123 = arith.constant 64 : i32
    %scan3A_124 = arith.addi %scan3A_122, %scan3A_123 : i32
    %scan3A_125 = arith.constant 1 : i32
    scf.for %scan3A_259 = %scan3A_122 to %scan3A_124 step %scan3A_125  : i32 {
      %broadcast_in_dim3A = arith.constant 0.000000e+00 : f32
      %broadcast_in_dim3A_260 = vector.broadcast %broadcast_in_dim3A : f32 to vector<16xf32>
      %and3A = arith.constant -16 : i32
      %and3A_261 = arith.andi %scan3A_259, %and3A : i32
      %and3A_262 = arith.constant 15 : i32
      %and3A_263 = arith.andi %scan3A_259, %and3A_262 : i32
      %iota3A = tpu.iota {dimensions = array<i32: 0>} : vector<16xi32>
      %eq3A = vector.broadcast %and3A_263 : i32 to vector<16xi32>
      %eq3A_264 = arith.cmpi eq, %iota3A, %eq3A : vector<16xi32>
      %broadcast_in_dim3A_265 = arith.constant 0 : i32
      %broadcast_in_dim3A_266 = vector.broadcast %broadcast_in_dim3A_265 : i32 to vector<16xi32>
      %get3A_267 = arith.index_cast %and3A_261 : i32 to index
      %get3A_268 = tpu.vector_load %arg24[%get3A_267] {strides = array<i32>} : memref<64xi32, #tpu.memory_space<vmem>>, vector<16xi32>,
      %select_n3A = arith.select %eq3A_264, %get3A_268, %broadcast_in_dim3A_266 : vector<16xi1>, vector<16xi32>
      %reduce_sum3A = arith.constant true
      %reduce_sum3A_269 = vector.broadcast %reduce_sum3A : i1 to vector<16xi1>
      %reduce_sum3A_270 = tpu.scan <sum>, %select_n3A masked %reduce_sum3A_269 : vector<16xi32>, vector<16xi1> -> vector<16xi32>
      %reduce_sum3A_271 = vector.extract %reduce_sum3A_270[15] : i32 from vector<16xi32>
      %get3A_272 = arith.index_cast %and3A_261 : i32 to index
      %get3A_273 = tpu.vector_load %arg26[%get3A_272] {strides = array<i32>} : memref<64xi32, #tpu.memory_space<vmem>>, vector<16xi32>,
      %select_n3A_274 = arith.select %eq3A_264, %get3A_273, %broadcast_in_dim3A_266 : vector<16xi1>, vector<16xi32>
      %reduce_sum3A_275 = arith.constant true
      %reduce_sum3A_276 = vector.broadcast %reduce_sum3A_275 : i1 to vector<16xi1>
      %reduce_sum3A_277 = tpu.scan <sum>, %select_n3A_274 masked %reduce_sum3A_276 : vector<16xi32>, vector<16xi1> -> vector<16xi32>
      %reduce_sum3A_278 = vector.extract %reduce_sum3A_277[15] : i32 from vector<16xi32>
      %and3A_279 = arith.constant 1 : i32
      %and3A_280 = arith.andi %reduce_sum3A_271, %and3A_279 : i32
      %broadcast_in_dim3A_281 = vector.broadcast %and3A_280 : i32 to vector<16xi32>
      %eq3A_282 = arith.constant 1 : i32
      %eq3A_283 = vector.broadcast %eq3A_282 : i32 to vector<16xi32>
      %eq3A_284 = arith.cmpi eq, %broadcast_in_dim3A_281, %eq3A_283 : vector<16xi32>
      %and3A_285 = arith.constant 1 : i32
      %and3A_286 = arith.andi %reduce_sum3A_278, %and3A_285 : i32
      %broadcast_in_dim3A_287 = vector.broadcast %and3A_286 : i32 to vector<16xi32>
      %eq3A_288 = arith.constant 1 : i32
      %eq3A_289 = vector.broadcast %eq3A_288 : i32 to vector<16xi32>
      %eq3A_290 = arith.cmpi eq, %broadcast_in_dim3A_287, %eq3A_289 : vector<16xi32>
      %get3A_291 = arith.index_cast %scan3A_259 : i32 to index
      %get3A_292 = arith.constant 0 : index
      %get3A_293 = tpu.vector_load %arg29[%get3A_291, %get3A_292] {strides = array<i32>} : memref<64x128xf32, #tpu.memory_space<vmem>>, vector<16xf32>,
      %get3A_294 = arith.index_cast %scan3A_259 : i32 to index
      %get3A_295 = arith.constant 64 : index
      %get3A_296 = tpu.vector_load %arg29[%get3A_294, %get3A_295] {strides = array<i32>} : memref<64x128xf32, #tpu.memory_space<vmem>>, vector<16xf32>,
      %abs3A = math.absf %get3A_296 : vector<16xf32>
      %get3A_297 = arith.index_cast %scan3A_259 : i32 to index
      %get3A_298 = arith.constant 0 : index
      %get3A_299 = tpu.vector_load %arg30[%get3A_297, %get3A_298] {strides = array<i32>} : memref<64x128xf32, #tpu.memory_space<vmem>>, vector<16xf32>,
      %get3A_300 = arith.index_cast %scan3A_259 : i32 to index
      %get3A_301 = arith.constant 64 : index
      %get3A_302 = tpu.vector_load %arg30[%get3A_300, %get3A_301] {strides = array<i32>} : memref<64x128xf32, #tpu.memory_space<vmem>>, vector<16xf32>,
      %abs3A_303 = math.absf %get3A_302 : vector<16xf32>
      %sub3A = arith.subf %get3A_293, %get3A_299 : vector<16xf32>
      %abs3A_304 = math.absf %sub3A : vector<16xf32>
      %add3A_305 = arith.addf %abs3A_304, %abs3A : vector<16xf32>
      %sub3A_306 = arith.subf %add3A_305, %abs3A_303 : vector<16xf32>
      %sub3A_307 = arith.constant 1.000000e-01 : f32
      %sub3A_308 = vector.broadcast %sub3A_307 : f32 to vector<16xf32>
      %sub3A_309 = arith.subf %sub3A_306, %sub3A_308 : vector<16xf32>
      %max3A = arith.constant 0.000000e+00 : f32
      %max3A_310 = vector.broadcast %max3A : f32 to vector<16xf32>
      %max3A_311 = arith.maximumf %sub3A_309, %max3A_310 : vector<16xf32>
      %mul3A_312 = arith.mulf %max3A_311, %max3A_311 : vector<16xf32>
      %add3A_313 = arith.addf %broadcast_in_dim3A_260, %mul3A_312 : vector<16xf32>
      %get3A_314 = arith.index_cast %scan3A_259 : i32 to index
      %get3A_315 = arith.constant 0 : index
      %get3A_316 = tpu.vector_load %arg31[%get3A_314, %get3A_315] {strides = array<i32>} : memref<64x128xf32, #tpu.memory_space<vmem>>, vector<16xf32>,
      %get3A_317 = arith.index_cast %scan3A_259 : i32 to index
      %get3A_318 = arith.constant 64 : index
      %get3A_319 = tpu.vector_load %arg31[%get3A_317, %get3A_318] {strides = array<i32>} : memref<64x128xf32, #tpu.memory_space<vmem>>, vector<16xf32>,
      %abs3A_320 = math.absf %get3A_319 : vector<16xf32>
      %get3A_321 = arith.index_cast %scan3A_259 : i32 to index
      %get3A_322 = arith.constant 0 : index
      %get3A_323 = tpu.vector_load %arg32[%get3A_321, %get3A_322] {strides = array<i32>} : memref<64x128xf32, #tpu.memory_space<vmem>>, vector<16xf32>,
      %get3A_324 = arith.index_cast %scan3A_259 : i32 to index
      %get3A_325 = arith.constant 64 : index
      %get3A_326 = tpu.vector_load %arg32[%get3A_324, %get3A_325] {strides = array<i32>} : memref<64x128xf32, #tpu.memory_space<vmem>>, vector<16xf32>,
      %abs3A_327 = math.absf %get3A_326 : vector<16xf32>
      %get3A_328 = arith.index_cast %scan3A_259 : i32 to index
      %get3A_329 = arith.constant 0 : index
      %get3A_330 = tpu.vector_load %arg33[%get3A_328, %get3A_329] {strides = array<i32>} : memref<64x128xf32, #tpu.memory_space<vmem>>, vector<16xf32>,
      %get3A_331 = arith.index_cast %scan3A_259 : i32 to index
      %get3A_332 = arith.constant 64 : index
      %get3A_333 = tpu.vector_load %arg33[%get3A_331, %get3A_332] {strides = array<i32>} : memref<64x128xf32, #tpu.memory_space<vmem>>, vector<16xf32>,
      %abs3A_334 = math.absf %get3A_333 : vector<16xf32>
      %sub3A_335 = arith.subf %get3A_316, %abs3A_320 : vector<16xf32>
      %sub3A_336 = arith.subf %get3A_323, %abs3A_327 : vector<16xf32>
      %max3A_337 = arith.maximumf %sub3A_335, %sub3A_336 : vector<16xf32>
      %add3A_338 = arith.addf %get3A_316, %abs3A_320 : vector<16xf32>
      %add3A_339 = arith.addf %get3A_323, %abs3A_327 : vector<16xf32>
      %min3A = arith.minimumf %add3A_338, %add3A_339 : vector<16xf32>
      %add3A_340 = arith.addf %max3A_337, %min3A : vector<16xf32>
      %mul3A_341 = arith.constant 5.000000e-01 : f32
      %mul3A_342 = vector.broadcast %mul3A_341 : f32 to vector<16xf32>
      %mul3A_343 = arith.mulf %add3A_340, %mul3A_342 : vector<16xf32>
      %sub3A_344 = arith.subf %min3A, %max3A_337 : vector<16xf32>
      %abs3A_345 = math.absf %sub3A_344 : vector<16xf32>
      %mul3A_346 = arith.constant 5.000000e-01 : f32
      %mul3A_347 = vector.broadcast %mul3A_346 : f32 to vector<16xf32>
      %mul3A_348 = arith.mulf %abs3A_345, %mul3A_347 : vector<16xf32>
      %sub3A_349 = arith.subf %mul3A_343, %get3A_330 : vector<16xf32>
      %abs3A_350 = math.absf %sub3A_349 : vector<16xf32>
      %add3A_351 = arith.addf %abs3A_350, %mul3A_348 : vector<16xf32>
      %sub3A_352 = arith.subf %add3A_351, %abs3A_334 : vector<16xf32>
      %sub3A_353 = arith.constant 1.000000e-01 : f32
      %sub3A_354 = vector.broadcast %sub3A_353 : f32 to vector<16xf32>
      %sub3A_355 = arith.subf %sub3A_352, %sub3A_354 : vector<16xf32>
      %max3A_356 = arith.constant 0.000000e+00 : f32
      %max3A_357 = vector.broadcast %max3A_356 : f32 to vector<16xf32>
      %max3A_358 = arith.maximumf %sub3A_355, %max3A_357 : vector<16xf32>
      %mul3A_359 = arith.mulf %max3A_358, %max3A_358 : vector<16xf32>
      %add3A_360 = arith.addf %broadcast_in_dim3A_260, %mul3A_359 : vector<16xf32>
      %sub3A_361 = arith.subf %max3A_337, %min3A : vector<16xf32>
      %max3A_362 = arith.constant 0.000000e+00 : f32
      %max3A_363 = vector.broadcast %max3A_362 : f32 to vector<16xf32>
      %max3A_364 = arith.maximumf %sub3A_361, %max3A_363 : vector<16xf32>
      %mul3A_365 = arith.mulf %max3A_364, %max3A_364 : vector<16xf32>
      %add3A_366 = arith.addf %broadcast_in_dim3A_260, %mul3A_365 : vector<16xf32>
      %get3A_367 = arith.index_cast %scan3A_259 : i32 to index
      %get3A_368 = arith.constant 0 : index
      %get3A_369 = tpu.vector_load %arg34[%get3A_367, %get3A_368] {strides = array<i32>} : memref<64x128xf32, #tpu.memory_space<vmem>>, vector<16xf32>,
      %get3A_370 = arith.index_cast %scan3A_259 : i32 to index
      %get3A_371 = arith.constant 64 : index
      %get3A_372 = tpu.vector_load %arg34[%get3A_370, %get3A_371] {strides = array<i32>} : memref<64x128xf32, #tpu.memory_space<vmem>>, vector<16xf32>,
      %abs3A_373 = math.absf %get3A_372 : vector<16xf32>
      %get3A_374 = arith.index_cast %scan3A_259 : i32 to index
      %get3A_375 = arith.constant 0 : index
      %get3A_376 = tpu.vector_load %arg35[%get3A_374, %get3A_375] {strides = array<i32>} : memref<64x128xf32, #tpu.memory_space<vmem>>, vector<16xf32>,
      %get3A_377 = arith.index_cast %scan3A_259 : i32 to index
      %get3A_378 = arith.constant 64 : index
      %get3A_379 = tpu.vector_load %arg35[%get3A_377, %get3A_378] {strides = array<i32>} : memref<64x128xf32, #tpu.memory_space<vmem>>, vector<16xf32>,
      %abs3A_380 = math.absf %get3A_379 : vector<16xf32>
      %get3A_381 = arith.index_cast %scan3A_259 : i32 to index
      %get3A_382 = arith.constant 0 : index
      %get3A_383 = tpu.vector_load %arg38[%get3A_381, %get3A_382] {strides = array<i32>} : memref<64x128xf32, #tpu.memory_space<vmem>>, vector<16xf32>,
      %get3A_384 = arith.index_cast %scan3A_259 : i32 to index
      %get3A_385 = arith.constant 64 : index
      %get3A_386 = tpu.vector_load %arg38[%get3A_384, %get3A_385] {strides = array<i32>} : memref<64x128xf32, #tpu.memory_space<vmem>>, vector<16xf32>,
      %abs3A_387 = math.absf %get3A_386 : vector<16xf32>
      %get3A_388 = arith.index_cast %scan3A_259 : i32 to index
      %get3A_389 = arith.constant 0 : index
      %get3A_390 = tpu.vector_load %arg39[%get3A_388, %get3A_389] {strides = array<i32>} : memref<64x128xf32, #tpu.memory_space<vmem>>, vector<16xf32>,
      %get3A_391 = arith.index_cast %scan3A_259 : i32 to index
      %get3A_392 = arith.constant 64 : index
      %get3A_393 = tpu.vector_load %arg39[%get3A_391, %get3A_392] {strides = array<i32>} : memref<64x128xf32, #tpu.memory_space<vmem>>, vector<16xf32>,
      %abs3A_394 = math.absf %get3A_393 : vector<16xf32>
      %get3A_395 = arith.index_cast %scan3A_259 : i32 to index
      %get3A_396 = arith.constant 64 : index
      %get3A_397 = tpu.vector_load %arg36[%get3A_395, %get3A_396] {strides = array<i32>} : memref<64x128xf32, #tpu.memory_space<vmem>>, vector<16xf32>,
      %get3A_398 = arith.index_cast %scan3A_259 : i32 to index
      %get3A_399 = arith.constant 0 : index
      %get3A_400 = tpu.vector_load %arg36[%get3A_398, %get3A_399] {strides = array<i32>} : memref<64x128xf32, #tpu.memory_space<vmem>>, vector<16xf32>,
      %select_n3A_401 = arith.select %eq3A_284, %get3A_397, %get3A_400 : vector<16xi1>, vector<16xf32>
      %get3A_402 = arith.index_cast %scan3A_259 : i32 to index
      %get3A_403 = arith.constant 64 : index
      %get3A_404 = tpu.vector_load %arg37[%get3A_402, %get3A_403] {strides = array<i32>} : memref<64x128xf32, #tpu.memory_space<vmem>>, vector<16xf32>,
      %get3A_405 = arith.index_cast %scan3A_259 : i32 to index
      %get3A_406 = arith.constant 0 : index
      %get3A_407 = tpu.vector_load %arg37[%get3A_405, %get3A_406] {strides = array<i32>} : memref<64x128xf32, #tpu.memory_space<vmem>>, vector<16xf32>,
      %select_n3A_408 = arith.select %eq3A_290, %get3A_404, %get3A_407 : vector<16xi1>, vector<16xf32>
      %add3A_409 = arith.addf %get3A_369, %select_n3A_408 : vector<16xf32>
      %sub3A_410 = arith.subf %add3A_409, %get3A_383 : vector<16xf32>
      %abs3A_411 = math.absf %sub3A_410 : vector<16xf32>
      %add3A_412 = arith.addf %abs3A_411, %abs3A_373 : vector<16xf32>
      %sub3A_413 = arith.subf %add3A_412, %abs3A_387 : vector<16xf32>
      %sub3A_414 = arith.constant 1.000000e-01 : f32
      %sub3A_415 = vector.broadcast %sub3A_414 : f32 to vector<16xf32>
      %sub3A_416 = arith.subf %sub3A_413, %sub3A_415 : vector<16xf32>
      %max3A_417 = arith.constant 0.000000e+00 : f32
      %max3A_418 = vector.broadcast %max3A_417 : f32 to vector<16xf32>
      %max3A_419 = arith.maximumf %sub3A_416, %max3A_418 : vector<16xf32>
      %mul3A_420 = arith.mulf %max3A_419, %max3A_419 : vector<16xf32>
      %add3A_421 = arith.addf %broadcast_in_dim3A_260, %mul3A_420 : vector<16xf32>
      %add3A_422 = arith.addf %get3A_376, %select_n3A_401 : vector<16xf32>
      %sub3A_423 = arith.subf %add3A_422, %get3A_390 : vector<16xf32>
      %abs3A_424 = math.absf %sub3A_423 : vector<16xf32>
      %add3A_425 = arith.addf %abs3A_424, %abs3A_380 : vector<16xf32>
      %sub3A_426 = arith.subf %add3A_425, %abs3A_394 : vector<16xf32>
      %sub3A_427 = arith.constant 1.000000e-01 : f32
      %sub3A_428 = vector.broadcast %sub3A_427 : f32 to vector<16xf32>
      %sub3A_429 = arith.subf %sub3A_426, %sub3A_428 : vector<16xf32>
      %max3A_430 = arith.constant 0.000000e+00 : f32
      %max3A_431 = vector.broadcast %max3A_430 : f32 to vector<16xf32>
      %max3A_432 = arith.maximumf %sub3A_429, %max3A_431 : vector<16xf32>
      %mul3A_433 = arith.mulf %max3A_432, %max3A_432 : vector<16xf32>
      %add3A_434 = arith.addf %broadcast_in_dim3A_260, %mul3A_433 : vector<16xf32>
      %get3A_435 = arith.index_cast %scan3A_259 : i32 to index
      %get3A_436 = arith.constant 16 : index
      %get3A_437 = tpu.vector_load %arg29[%get3A_435, %get3A_436] {strides = array<i32>} : memref<64x128xf32, #tpu.memory_space<vmem>>, vector<16xf32>,
      %get3A_438 = arith.index_cast %scan3A_259 : i32 to index
      %get3A_439 = arith.constant 80 : index
      %get3A_440 = tpu.vector_load %arg29[%get3A_438, %get3A_439] {strides = array<i32>} : memref<64x128xf32, #tpu.memory_space<vmem>>, vector<16xf32>,
      %abs3A_441 = math.absf %get3A_440 : vector<16xf32>
      %get3A_442 = arith.index_cast %scan3A_259 : i32 to index
      %get3A_443 = arith.constant 16 : index
      %get3A_444 = tpu.vector_load %arg30[%get3A_442, %get3A_443] {strides = array<i32>} : memref<64x128xf32, #tpu.memory_space<vmem>>, vector<16xf32>,
      %get3A_445 = arith.index_cast %scan3A_259 : i32 to index
      %get3A_446 = arith.constant 80 : index
      %get3A_447 = tpu.vector_load %arg30[%get3A_445, %get3A_446] {strides = array<i32>} : memref<64x128xf32, #tpu.memory_space<vmem>>, vector<16xf32>,
      %abs3A_448 = math.absf %get3A_447 : vector<16xf32>
      %sub3A_449 = arith.subf %get3A_437, %get3A_444 : vector<16xf32>
      %abs3A_450 = math.absf %sub3A_449 : vector<16xf32>
      %add3A_451 = arith.addf %abs3A_450, %abs3A_441 : vector<16xf32>
      %sub3A_452 = arith.subf %add3A_451, %abs3A_448 : vector<16xf32>
      %sub3A_453 = arith.constant 1.000000e-01 : f32
      %sub3A_454 = vector.broadcast %sub3A_453 : f32 to vector<16xf32>
      %sub3A_455 = arith.subf %sub3A_452, %sub3A_454 : vector<16xf32>
      %max3A_456 = arith.constant 0.000000e+00 : f32
      %max3A_457 = vector.broadcast %max3A_456 : f32 to vector<16xf32>
      %max3A_458 = arith.maximumf %sub3A_455, %max3A_457 : vector<16xf32>
      %mul3A_459 = arith.mulf %max3A_458, %max3A_458 : vector<16xf32>
      %add3A_460 = arith.addf %add3A_313, %mul3A_459 : vector<16xf32>
      %get3A_461 = arith.index_cast %scan3A_259 : i32 to index
      %get3A_462 = arith.constant 16 : index
      %get3A_463 = tpu.vector_load %arg31[%get3A_461, %get3A_462] {strides = array<i32>} : memref<64x128xf32, #tpu.memory_space<vmem>>, vector<16xf32>,
      %get3A_464 = arith.index_cast %scan3A_259 : i32 to index
      %get3A_465 = arith.constant 80 : index
      %get3A_466 = tpu.vector_load %arg31[%get3A_464, %get3A_465] {strides = array<i32>} : memref<64x128xf32, #tpu.memory_space<vmem>>, vector<16xf32>,
      %abs3A_467 = math.absf %get3A_466 : vector<16xf32>
      %get3A_468 = arith.index_cast %scan3A_259 : i32 to index
      %get3A_469 = arith.constant 16 : index
      %get3A_470 = tpu.vector_load %arg32[%get3A_468, %get3A_469] {strides = array<i32>} : memref<64x128xf32, #tpu.memory_space<vmem>>, vector<16xf32>,
      %get3A_471 = arith.index_cast %scan3A_259 : i32 to index
      %get3A_472 = arith.constant 80 : index
      %get3A_473 = tpu.vector_load %arg32[%get3A_471, %get3A_472] {strides = array<i32>} : memref<64x128xf32, #tpu.memory_space<vmem>>, vector<16xf32>,
      %abs3A_474 = math.absf %get3A_473 : vector<16xf32>
      %get3A_475 = arith.index_cast %scan3A_259 : i32 to index
      %get3A_476 = arith.constant 16 : index
      %get3A_477 = tpu.vector_load %arg33[%get3A_475, %get3A_476] {strides = array<i32>} : memref<64x128xf32, #tpu.memory_space<vmem>>, vector<16xf32>,
      %get3A_478 = arith.index_cast %scan3A_259 : i32 to index
      %get3A_479 = arith.constant 80 : index
      %get3A_480 = tpu.vector_load %arg33[%get3A_478, %get3A_479] {strides = array<i32>} : memref<64x128xf32, #tpu.memory_space<vmem>>, vector<16xf32>,
      %abs3A_481 = math.absf %get3A_480 : vector<16xf32>
      %sub3A_482 = arith.subf %get3A_463, %abs3A_467 : vector<16xf32>
      %sub3A_483 = arith.subf %get3A_470, %abs3A_474 : vector<16xf32>
      %max3A_484 = arith.maximumf %sub3A_482, %sub3A_483 : vector<16xf32>
      %add3A_485 = arith.addf %get3A_463, %abs3A_467 : vector<16xf32>
      %add3A_486 = arith.addf %get3A_470, %abs3A_474 : vector<16xf32>
      %min3A_487 = arith.minimumf %add3A_485, %add3A_486 : vector<16xf32>
      %add3A_488 = arith.addf %max3A_484, %min3A_487 : vector<16xf32>
      %mul3A_489 = arith.constant 5.000000e-01 : f32
      %mul3A_490 = vector.broadcast %mul3A_489 : f32 to vector<16xf32>
      %mul3A_491 = arith.mulf %add3A_488, %mul3A_490 : vector<16xf32>
      %sub3A_492 = arith.subf %min3A_487, %max3A_484 : vector<16xf32>
      %abs3A_493 = math.absf %sub3A_492 : vector<16xf32>
      %mul3A_494 = arith.constant 5.000000e-01 : f32
      %mul3A_495 = vector.broadcast %mul3A_494 : f32 to vector<16xf32>
      %mul3A_496 = arith.mulf %abs3A_493, %mul3A_495 : vector<16xf32>
      %sub3A_497 = arith.subf %mul3A_491, %get3A_477 : vector<16xf32>
      %abs3A_498 = math.absf %sub3A_497 : vector<16xf32>
      %add3A_499 = arith.addf %abs3A_498, %mul3A_496 : vector<16xf32>
      %sub3A_500 = arith.subf %add3A_499, %abs3A_481 : vector<16xf32>
      %sub3A_501 = arith.constant 1.000000e-01 : f32
      %sub3A_502 = vector.broadcast %sub3A_501 : f32 to vector<16xf32>
      %sub3A_503 = arith.subf %sub3A_500, %sub3A_502 : vector<16xf32>
      %max3A_504 = arith.constant 0.000000e+00 : f32
      %max3A_505 = vector.broadcast %max3A_504 : f32 to vector<16xf32>
      %max3A_506 = arith.maximumf %sub3A_503, %max3A_505 : vector<16xf32>
      %mul3A_507 = arith.mulf %max3A_506, %max3A_506 : vector<16xf32>
      %add3A_508 = arith.addf %add3A_360, %mul3A_507 : vector<16xf32>
      %sub3A_509 = arith.subf %max3A_484, %min3A_487 : vector<16xf32>
      %max3A_510 = arith.constant 0.000000e+00 : f32
      %max3A_511 = vector.broadcast %max3A_510 : f32 to vector<16xf32>
      %max3A_512 = arith.maximumf %sub3A_509, %max3A_511 : vector<16xf32>
      %mul3A_513 = arith.mulf %max3A_512, %max3A_512 : vector<16xf32>
      %add3A_514 = arith.addf %add3A_366, %mul3A_513 : vector<16xf32>
      %get3A_515 = arith.index_cast %scan3A_259 : i32 to index
      %get3A_516 = arith.constant 16 : index
      %get3A_517 = tpu.vector_load %arg34[%get3A_515, %get3A_516] {strides = array<i32>} : memref<64x128xf32, #tpu.memory_space<vmem>>, vector<16xf32>,
      %get3A_518 = arith.index_cast %scan3A_259 : i32 to index
      %get3A_519 = arith.constant 80 : index
      %get3A_520 = tpu.vector_load %arg34[%get3A_518, %get3A_519] {strides = array<i32>} : memref<64x128xf32, #tpu.memory_space<vmem>>, vector<16xf32>,
      %abs3A_521 = math.absf %get3A_520 : vector<16xf32>
      %get3A_522 = arith.index_cast %scan3A_259 : i32 to index
      %get3A_523 = arith.constant 16 : index
      %get3A_524 = tpu.vector_load %arg35[%get3A_522, %get3A_523] {strides = array<i32>} : memref<64x128xf32, #tpu.memory_space<vmem>>, vector<16xf32>,
      %get3A_525 = arith.index_cast %scan3A_259 : i32 to index
      %get3A_526 = arith.constant 80 : index
      %get3A_527 = tpu.vector_load %arg35[%get3A_525, %get3A_526] {strides = array<i32>} : memref<64x128xf32, #tpu.memory_space<vmem>>, vector<16xf32>,
      %abs3A_528 = math.absf %get3A_527 : vector<16xf32>
      %get3A_529 = arith.index_cast %scan3A_259 : i32 to index
      %get3A_530 = arith.constant 16 : index
      %get3A_531 = tpu.vector_load %arg38[%get3A_529, %get3A_530] {strides = array<i32>} : memref<64x128xf32, #tpu.memory_space<vmem>>, vector<16xf32>,
      %get3A_532 = arith.index_cast %scan3A_259 : i32 to index
      %get3A_533 = arith.constant 80 : index
      %get3A_534 = tpu.vector_load %arg38[%get3A_532, %get3A_533] {strides = array<i32>} : memref<64x128xf32, #tpu.memory_space<vmem>>, vector<16xf32>,
      %abs3A_535 = math.absf %get3A_534 : vector<16xf32>
      %get3A_536 = arith.index_cast %scan3A_259 : i32 to index
      %get3A_537 = arith.constant 16 : index
      %get3A_538 = tpu.vector_load %arg39[%get3A_536, %get3A_537] {strides = array<i32>} : memref<64x128xf32, #tpu.memory_space<vmem>>, vector<16xf32>,
      %get3A_539 = arith.index_cast %scan3A_259 : i32 to index
      %get3A_540 = arith.constant 80 : index
      %get3A_541 = tpu.vector_load %arg39[%get3A_539, %get3A_540] {strides = array<i32>} : memref<64x128xf32, #tpu.memory_space<vmem>>, vector<16xf32>,
      %abs3A_542 = math.absf %get3A_541 : vector<16xf32>
      %get3A_543 = arith.index_cast %scan3A_259 : i32 to index
      %get3A_544 = arith.constant 80 : index
      %get3A_545 = tpu.vector_load %arg36[%get3A_543, %get3A_544] {strides = array<i32>} : memref<64x128xf32, #tpu.memory_space<vmem>>, vector<16xf32>,
      %get3A_546 = arith.index_cast %scan3A_259 : i32 to index
      %get3A_547 = arith.constant 16 : index
      %get3A_548 = tpu.vector_load %arg36[%get3A_546, %get3A_547] {strides = array<i32>} : memref<64x128xf32, #tpu.memory_space<vmem>>, vector<16xf32>,
      %select_n3A_549 = arith.select %eq3A_284, %get3A_545, %get3A_548 : vector<16xi1>, vector<16xf32>
      %get3A_550 = arith.index_cast %scan3A_259 : i32 to index
      %get3A_551 = arith.constant 80 : index
      %get3A_552 = tpu.vector_load %arg37[%get3A_550, %get3A_551] {strides = array<i32>} : memref<64x128xf32, #tpu.memory_space<vmem>>, vector<16xf32>,
      %get3A_553 = arith.index_cast %scan3A_259 : i32 to index
      %get3A_554 = arith.constant 16 : index
      %get3A_555 = tpu.vector_load %arg37[%get3A_553, %get3A_554] {strides = array<i32>} : memref<64x128xf32, #tpu.memory_space<vmem>>, vector<16xf32>,
      %select_n3A_556 = arith.select %eq3A_290, %get3A_552, %get3A_555 : vector<16xi1>, vector<16xf32>
      %add3A_557 = arith.addf %get3A_517, %select_n3A_556 : vector<16xf32>
      %sub3A_558 = arith.subf %add3A_557, %get3A_531 : vector<16xf32>
      %abs3A_559 = math.absf %sub3A_558 : vector<16xf32>
      %add3A_560 = arith.addf %abs3A_559, %abs3A_521 : vector<16xf32>
      %sub3A_561 = arith.subf %add3A_560, %abs3A_535 : vector<16xf32>
      %sub3A_562 = arith.constant 1.000000e-01 : f32
      %sub3A_563 = vector.broadcast %sub3A_562 : f32 to vector<16xf32>
      %sub3A_564 = arith.subf %sub3A_561, %sub3A_563 : vector<16xf32>
      %max3A_565 = arith.constant 0.000000e+00 : f32
      %max3A_566 = vector.broadcast %max3A_565 : f32 to vector<16xf32>
      %max3A_567 = arith.maximumf %sub3A_564, %max3A_566 : vector<16xf32>
      %mul3A_568 = arith.mulf %max3A_567, %max3A_567 : vector<16xf32>
      %add3A_569 = arith.addf %add3A_421, %mul3A_568 : vector<16xf32>
      %add3A_570 = arith.addf %get3A_524, %select_n3A_549 : vector<16xf32>
      %sub3A_571 = arith.subf %add3A_570, %get3A_538 : vector<16xf32>
      %abs3A_572 = math.absf %sub3A_571 : vector<16xf32>
      %add3A_573 = arith.addf %abs3A_572, %abs3A_528 : vector<16xf32>
      %sub3A_574 = arith.subf %add3A_573, %abs3A_542 : vector<16xf32>
      %sub3A_575 = arith.constant 1.000000e-01 : f32
      %sub3A_576 = vector.broadcast %sub3A_575 : f32 to vector<16xf32>
      %sub3A_577 = arith.subf %sub3A_574, %sub3A_576 : vector<16xf32>
      %max3A_578 = arith.constant 0.000000e+00 : f32
      %max3A_579 = vector.broadcast %max3A_578 : f32 to vector<16xf32>
      %max3A_580 = arith.maximumf %sub3A_577, %max3A_579 : vector<16xf32>
      %mul3A_581 = arith.mulf %max3A_580, %max3A_580 : vector<16xf32>
      %add3A_582 = arith.addf %add3A_434, %mul3A_581 : vector<16xf32>
      %get3A_583 = arith.index_cast %scan3A_259 : i32 to index
      %get3A_584 = arith.constant 32 : index
      %get3A_585 = tpu.vector_load %arg29[%get3A_583, %get3A_584] {strides = array<i32>} : memref<64x128xf32, #tpu.memory_space<vmem>>, vector<16xf32>,
      %get3A_586 = arith.index_cast %scan3A_259 : i32 to index
      %get3A_587 = arith.constant 96 : index
      %get3A_588 = tpu.vector_load %arg29[%get3A_586, %get3A_587] {strides = array<i32>} : memref<64x128xf32, #tpu.memory_space<vmem>>, vector<16xf32>,
      %abs3A_589 = math.absf %get3A_588 : vector<16xf32>
      %get3A_590 = arith.index_cast %scan3A_259 : i32 to index
      %get3A_591 = arith.constant 32 : index
      %get3A_592 = tpu.vector_load %arg30[%get3A_590, %get3A_591] {strides = array<i32>} : memref<64x128xf32, #tpu.memory_space<vmem>>, vector<16xf32>,
      %get3A_593 = arith.index_cast %scan3A_259 : i32 to index
      %get3A_594 = arith.constant 96 : index
      %get3A_595 = tpu.vector_load %arg30[%get3A_593, %get3A_594] {strides = array<i32>} : memref<64x128xf32, #tpu.memory_space<vmem>>, vector<16xf32>,
      %abs3A_596 = math.absf %get3A_595 : vector<16xf32>
      %sub3A_597 = arith.subf %get3A_585, %get3A_592 : vector<16xf32>
      %abs3A_598 = math.absf %sub3A_597 : vector<16xf32>
      %add3A_599 = arith.addf %abs3A_598, %abs3A_589 : vector<16xf32>
      %sub3A_600 = arith.subf %add3A_599, %abs3A_596 : vector<16xf32>
      %sub3A_601 = arith.constant 1.000000e-01 : f32
      %sub3A_602 = vector.broadcast %sub3A_601 : f32 to vector<16xf32>
      %sub3A_603 = arith.subf %sub3A_600, %sub3A_602 : vector<16xf32>
      %max3A_604 = arith.constant 0.000000e+00 : f32
      %max3A_605 = vector.broadcast %max3A_604 : f32 to vector<16xf32>
      %max3A_606 = arith.maximumf %sub3A_603, %max3A_605 : vector<16xf32>
      %mul3A_607 = arith.mulf %max3A_606, %max3A_606 : vector<16xf32>
      %add3A_608 = arith.addf %add3A_460, %mul3A_607 : vector<16xf32>
      %get3A_609 = arith.index_cast %scan3A_259 : i32 to index
      %get3A_610 = arith.constant 32 : index
      %get3A_611 = tpu.vector_load %arg31[%get3A_609, %get3A_610] {strides = array<i32>} : memref<64x128xf32, #tpu.memory_space<vmem>>, vector<16xf32>,
      %get3A_612 = arith.index_cast %scan3A_259 : i32 to index
      %get3A_613 = arith.constant 96 : index
      %get3A_614 = tpu.vector_load %arg31[%get3A_612, %get3A_613] {strides = array<i32>} : memref<64x128xf32, #tpu.memory_space<vmem>>, vector<16xf32>,
      %abs3A_615 = math.absf %get3A_614 : vector<16xf32>
      %get3A_616 = arith.index_cast %scan3A_259 : i32 to index
      %get3A_617 = arith.constant 32 : index
      %get3A_618 = tpu.vector_load %arg32[%get3A_616, %get3A_617] {strides = array<i32>} : memref<64x128xf32, #tpu.memory_space<vmem>>, vector<16xf32>,
      %get3A_619 = arith.index_cast %scan3A_259 : i32 to index
      %get3A_620 = arith.constant 96 : index
      %get3A_621 = tpu.vector_load %arg32[%get3A_619, %get3A_620] {strides = array<i32>} : memref<64x128xf32, #tpu.memory_space<vmem>>, vector<16xf32>,
      %abs3A_622 = math.absf %get3A_621 : vector<16xf32>
      %get3A_623 = arith.index_cast %scan3A_259 : i32 to index
      %get3A_624 = arith.constant 32 : index
      %get3A_625 = tpu.vector_load %arg33[%get3A_623, %get3A_624] {strides = array<i32>} : memref<64x128xf32, #tpu.memory_space<vmem>>, vector<16xf32>,
      %get3A_626 = arith.index_cast %scan3A_259 : i32 to index
      %get3A_627 = arith.constant 96 : index
      %get3A_628 = tpu.vector_load %arg33[%get3A_626, %get3A_627] {strides = array<i32>} : memref<64x128xf32, #tpu.memory_space<vmem>>, vector<16xf32>,
      %abs3A_629 = math.absf %get3A_628 : vector<16xf32>
      %sub3A_630 = arith.subf %get3A_611, %abs3A_615 : vector<16xf32>
      %sub3A_631 = arith.subf %get3A_618, %abs3A_622 : vector<16xf32>
      %max3A_632 = arith.maximumf %sub3A_630, %sub3A_631 : vector<16xf32>
      %add3A_633 = arith.addf %get3A_611, %abs3A_615 : vector<16xf32>
      %add3A_634 = arith.addf %get3A_618, %abs3A_622 : vector<16xf32>
      %min3A_635 = arith.minimumf %add3A_633, %add3A_634 : vector<16xf32>
      %add3A_636 = arith.addf %max3A_632, %min3A_635 : vector<16xf32>
      %mul3A_637 = arith.constant 5.000000e-01 : f32
      %mul3A_638 = vector.broadcast %mul3A_637 : f32 to vector<16xf32>
      %mul3A_639 = arith.mulf %add3A_636, %mul3A_638 : vector<16xf32>
      %sub3A_640 = arith.subf %min3A_635, %max3A_632 : vector<16xf32>
      %abs3A_641 = math.absf %sub3A_640 : vector<16xf32>
      %mul3A_642 = arith.constant 5.000000e-01 : f32
      %mul3A_643 = vector.broadcast %mul3A_642 : f32 to vector<16xf32>
      %mul3A_644 = arith.mulf %abs3A_641, %mul3A_643 : vector<16xf32>
      %sub3A_645 = arith.subf %mul3A_639, %get3A_625 : vector<16xf32>
      %abs3A_646 = math.absf %sub3A_645 : vector<16xf32>
      %add3A_647 = arith.addf %abs3A_646, %mul3A_644 : vector<16xf32>
      %sub3A_648 = arith.subf %add3A_647, %abs3A_629 : vector<16xf32>
      %sub3A_649 = arith.constant 1.000000e-01 : f32
      %sub3A_650 = vector.broadcast %sub3A_649 : f32 to vector<16xf32>
      %sub3A_651 = arith.subf %sub3A_648, %sub3A_650 : vector<16xf32>
      %max3A_652 = arith.constant 0.000000e+00 : f32
      %max3A_653 = vector.broadcast %max3A_652 : f32 to vector<16xf32>
      %max3A_654 = arith.maximumf %sub3A_651, %max3A_653 : vector<16xf32>
      %mul3A_655 = arith.mulf %max3A_654, %max3A_654 : vector<16xf32>
      %add3A_656 = arith.addf %add3A_508, %mul3A_655 : vector<16xf32>
      %sub3A_657 = arith.subf %max3A_632, %min3A_635 : vector<16xf32>
      %max3A_658 = arith.constant 0.000000e+00 : f32
      %max3A_659 = vector.broadcast %max3A_658 : f32 to vector<16xf32>
      %max3A_660 = arith.maximumf %sub3A_657, %max3A_659 : vector<16xf32>
      %mul3A_661 = arith.mulf %max3A_660, %max3A_660 : vector<16xf32>
      %add3A_662 = arith.addf %add3A_514, %mul3A_661 : vector<16xf32>
      %get3A_663 = arith.index_cast %scan3A_259 : i32 to index
      %get3A_664 = arith.constant 32 : index
      %get3A_665 = tpu.vector_load %arg34[%get3A_663, %get3A_664] {strides = array<i32>} : memref<64x128xf32, #tpu.memory_space<vmem>>, vector<16xf32>,
      %get3A_666 = arith.index_cast %scan3A_259 : i32 to index
      %get3A_667 = arith.constant 96 : index
      %get3A_668 = tpu.vector_load %arg34[%get3A_666, %get3A_667] {strides = array<i32>} : memref<64x128xf32, #tpu.memory_space<vmem>>, vector<16xf32>,
      %abs3A_669 = math.absf %get3A_668 : vector<16xf32>
      %get3A_670 = arith.index_cast %scan3A_259 : i32 to index
      %get3A_671 = arith.constant 32 : index
      %get3A_672 = tpu.vector_load %arg35[%get3A_670, %get3A_671] {strides = array<i32>} : memref<64x128xf32, #tpu.memory_space<vmem>>, vector<16xf32>,
      %get3A_673 = arith.index_cast %scan3A_259 : i32 to index
      %get3A_674 = arith.constant 96 : index
      %get3A_675 = tpu.vector_load %arg35[%get3A_673, %get3A_674] {strides = array<i32>} : memref<64x128xf32, #tpu.memory_space<vmem>>, vector<16xf32>,
      %abs3A_676 = math.absf %get3A_675 : vector<16xf32>
      %get3A_677 = arith.index_cast %scan3A_259 : i32 to index
      %get3A_678 = arith.constant 32 : index
      %get3A_679 = tpu.vector_load %arg38[%get3A_677, %get3A_678] {strides = array<i32>} : memref<64x128xf32, #tpu.memory_space<vmem>>, vector<16xf32>,
      %get3A_680 = arith.index_cast %scan3A_259 : i32 to index
      %get3A_681 = arith.constant 96 : index
      %get3A_682 = tpu.vector_load %arg38[%get3A_680, %get3A_681] {strides = array<i32>} : memref<64x128xf32, #tpu.memory_space<vmem>>, vector<16xf32>,
      %abs3A_683 = math.absf %get3A_682 : vector<16xf32>
      %get3A_684 = arith.index_cast %scan3A_259 : i32 to index
      %get3A_685 = arith.constant 32 : index
      %get3A_686 = tpu.vector_load %arg39[%get3A_684, %get3A_685] {strides = array<i32>} : memref<64x128xf32, #tpu.memory_space<vmem>>, vector<16xf32>,
      %get3A_687 = arith.index_cast %scan3A_259 : i32 to index
      %get3A_688 = arith.constant 96 : index
      %get3A_689 = tpu.vector_load %arg39[%get3A_687, %get3A_688] {strides = array<i32>} : memref<64x128xf32, #tpu.memory_space<vmem>>, vector<16xf32>,
      %abs3A_690 = math.absf %get3A_689 : vector<16xf32>
      %get3A_691 = arith.index_cast %scan3A_259 : i32 to index
      %get3A_692 = arith.constant 96 : index
      %get3A_693 = tpu.vector_load %arg36[%get3A_691, %get3A_692] {strides = array<i32>} : memref<64x128xf32, #tpu.memory_space<vmem>>, vector<16xf32>,
      %get3A_694 = arith.index_cast %scan3A_259 : i32 to index
      %get3A_695 = arith.constant 32 : index
      %get3A_696 = tpu.vector_load %arg36[%get3A_694, %get3A_695] {strides = array<i32>} : memref<64x128xf32, #tpu.memory_space<vmem>>, vector<16xf32>,
      %select_n3A_697 = arith.select %eq3A_284, %get3A_693, %get3A_696 : vector<16xi1>, vector<16xf32>
      %get3A_698 = arith.index_cast %scan3A_259 : i32 to index
      %get3A_699 = arith.constant 96 : index
      %get3A_700 = tpu.vector_load %arg37[%get3A_698, %get3A_699] {strides = array<i32>} : memref<64x128xf32, #tpu.memory_space<vmem>>, vector<16xf32>,
      %get3A_701 = arith.index_cast %scan3A_259 : i32 to index
      %get3A_702 = arith.constant 32 : index
      %get3A_703 = tpu.vector_load %arg37[%get3A_701, %get3A_702] {strides = array<i32>} : memref<64x128xf32, #tpu.memory_space<vmem>>, vector<16xf32>,
      %select_n3A_704 = arith.select %eq3A_290, %get3A_700, %get3A_703 : vector<16xi1>, vector<16xf32>
      %add3A_705 = arith.addf %get3A_665, %select_n3A_704 : vector<16xf32>
      %sub3A_706 = arith.subf %add3A_705, %get3A_679 : vector<16xf32>
      %abs3A_707 = math.absf %sub3A_706 : vector<16xf32>
      %add3A_708 = arith.addf %abs3A_707, %abs3A_669 : vector<16xf32>
      %sub3A_709 = arith.subf %add3A_708, %abs3A_683 : vector<16xf32>
      %sub3A_710 = arith.constant 1.000000e-01 : f32
      %sub3A_711 = vector.broadcast %sub3A_710 : f32 to vector<16xf32>
      %sub3A_712 = arith.subf %sub3A_709, %sub3A_711 : vector<16xf32>
      %max3A_713 = arith.constant 0.000000e+00 : f32
      %max3A_714 = vector.broadcast %max3A_713 : f32 to vector<16xf32>
      %max3A_715 = arith.maximumf %sub3A_712, %max3A_714 : vector<16xf32>
      %mul3A_716 = arith.mulf %max3A_715, %max3A_715 : vector<16xf32>
      %add3A_717 = arith.addf %add3A_569, %mul3A_716 : vector<16xf32>
      %add3A_718 = arith.addf %get3A_672, %select_n3A_697 : vector<16xf32>
      %sub3A_719 = arith.subf %add3A_718, %get3A_686 : vector<16xf32>
      %abs3A_720 = math.absf %sub3A_719 : vector<16xf32>
      %add3A_721 = arith.addf %abs3A_720, %abs3A_676 : vector<16xf32>
      %sub3A_722 = arith.subf %add3A_721, %abs3A_690 : vector<16xf32>
      %sub3A_723 = arith.constant 1.000000e-01 : f32
      %sub3A_724 = vector.broadcast %sub3A_723 : f32 to vector<16xf32>
      %sub3A_725 = arith.subf %sub3A_722, %sub3A_724 : vector<16xf32>
      %max3A_726 = arith.constant 0.000000e+00 : f32
      %max3A_727 = vector.broadcast %max3A_726 : f32 to vector<16xf32>
      %max3A_728 = arith.maximumf %sub3A_725, %max3A_727 : vector<16xf32>
      %mul3A_729 = arith.mulf %max3A_728, %max3A_728 : vector<16xf32>
      %add3A_730 = arith.addf %add3A_582, %mul3A_729 : vector<16xf32>
      %get3A_731 = arith.index_cast %scan3A_259 : i32 to index
      %get3A_732 = arith.constant 48 : index
      %get3A_733 = tpu.vector_load %arg29[%get3A_731, %get3A_732] {strides = array<i32>} : memref<64x128xf32, #tpu.memory_space<vmem>>, vector<16xf32>,
      %get3A_734 = arith.index_cast %scan3A_259 : i32 to index
      %get3A_735 = arith.constant 112 : index
      %get3A_736 = tpu.vector_load %arg29[%get3A_734, %get3A_735] {strides = array<i32>} : memref<64x128xf32, #tpu.memory_space<vmem>>, vector<16xf32>,
      %abs3A_737 = math.absf %get3A_736 : vector<16xf32>
      %get3A_738 = arith.index_cast %scan3A_259 : i32 to index
      %get3A_739 = arith.constant 48 : index
      %get3A_740 = tpu.vector_load %arg30[%get3A_738, %get3A_739] {strides = array<i32>} : memref<64x128xf32, #tpu.memory_space<vmem>>, vector<16xf32>,
      %get3A_741 = arith.index_cast %scan3A_259 : i32 to index
      %get3A_742 = arith.constant 112 : index
      %get3A_743 = tpu.vector_load %arg30[%get3A_741, %get3A_742] {strides = array<i32>} : memref<64x128xf32, #tpu.memory_space<vmem>>, vector<16xf32>,
      %abs3A_744 = math.absf %get3A_743 : vector<16xf32>
      %sub3A_745 = arith.subf %get3A_733, %get3A_740 : vector<16xf32>
      %abs3A_746 = math.absf %sub3A_745 : vector<16xf32>
      %add3A_747 = arith.addf %abs3A_746, %abs3A_737 : vector<16xf32>
      %sub3A_748 = arith.subf %add3A_747, %abs3A_744 : vector<16xf32>
      %sub3A_749 = arith.constant 1.000000e-01 : f32
      %sub3A_750 = vector.broadcast %sub3A_749 : f32 to vector<16xf32>
      %sub3A_751 = arith.subf %sub3A_748, %sub3A_750 : vector<16xf32>
      %max3A_752 = arith.constant 0.000000e+00 : f32
      %max3A_753 = vector.broadcast %max3A_752 : f32 to vector<16xf32>
      %max3A_754 = arith.maximumf %sub3A_751, %max3A_753 : vector<16xf32>
      %mul3A_755 = arith.mulf %max3A_754, %max3A_754 : vector<16xf32>
      %add3A_756 = arith.addf %add3A_608, %mul3A_755 : vector<16xf32>
      %get3A_757 = arith.index_cast %scan3A_259 : i32 to index
      %get3A_758 = arith.constant 48 : index
      %get3A_759 = tpu.vector_load %arg31[%get3A_757, %get3A_758] {strides = array<i32>} : memref<64x128xf32, #tpu.memory_space<vmem>>, vector<16xf32>,
      %get3A_760 = arith.index_cast %scan3A_259 : i32 to index
      %get3A_761 = arith.constant 112 : index
      %get3A_762 = tpu.vector_load %arg31[%get3A_760, %get3A_761] {strides = array<i32>} : memref<64x128xf32, #tpu.memory_space<vmem>>, vector<16xf32>,
      %abs3A_763 = math.absf %get3A_762 : vector<16xf32>
      %get3A_764 = arith.index_cast %scan3A_259 : i32 to index
      %get3A_765 = arith.constant 48 : index
      %get3A_766 = tpu.vector_load %arg32[%get3A_764, %get3A_765] {strides = array<i32>} : memref<64x128xf32, #tpu.memory_space<vmem>>, vector<16xf32>,
      %get3A_767 = arith.index_cast %scan3A_259 : i32 to index
      %get3A_768 = arith.constant 112 : index
      %get3A_769 = tpu.vector_load %arg32[%get3A_767, %get3A_768] {strides = array<i32>} : memref<64x128xf32, #tpu.memory_space<vmem>>, vector<16xf32>,
      %abs3A_770 = math.absf %get3A_769 : vector<16xf32>
      %get3A_771 = arith.index_cast %scan3A_259 : i32 to index
      %get3A_772 = arith.constant 48 : index
      %get3A_773 = tpu.vector_load %arg33[%get3A_771, %get3A_772] {strides = array<i32>} : memref<64x128xf32, #tpu.memory_space<vmem>>, vector<16xf32>,
      %get3A_774 = arith.index_cast %scan3A_259 : i32 to index
      %get3A_775 = arith.constant 112 : index
      %get3A_776 = tpu.vector_load %arg33[%get3A_774, %get3A_775] {strides = array<i32>} : memref<64x128xf32, #tpu.memory_space<vmem>>, vector<16xf32>,
      %abs3A_777 = math.absf %get3A_776 : vector<16xf32>
      %sub3A_778 = arith.subf %get3A_759, %abs3A_763 : vector<16xf32>
      %sub3A_779 = arith.subf %get3A_766, %abs3A_770 : vector<16xf32>
      %max3A_780 = arith.maximumf %sub3A_778, %sub3A_779 : vector<16xf32>
      %add3A_781 = arith.addf %get3A_759, %abs3A_763 : vector<16xf32>
      %add3A_782 = arith.addf %get3A_766, %abs3A_770 : vector<16xf32>
      %min3A_783 = arith.minimumf %add3A_781, %add3A_782 : vector<16xf32>
      %add3A_784 = arith.addf %max3A_780, %min3A_783 : vector<16xf32>
      %mul3A_785 = arith.constant 5.000000e-01 : f32
      %mul3A_786 = vector.broadcast %mul3A_785 : f32 to vector<16xf32>
      %mul3A_787 = arith.mulf %add3A_784, %mul3A_786 : vector<16xf32>
      %sub3A_788 = arith.subf %min3A_783, %max3A_780 : vector<16xf32>
      %abs3A_789 = math.absf %sub3A_788 : vector<16xf32>
      %mul3A_790 = arith.constant 5.000000e-01 : f32
      %mul3A_791 = vector.broadcast %mul3A_790 : f32 to vector<16xf32>
      %mul3A_792 = arith.mulf %abs3A_789, %mul3A_791 : vector<16xf32>
      %sub3A_793 = arith.subf %mul3A_787, %get3A_773 : vector<16xf32>
      %abs3A_794 = math.absf %sub3A_793 : vector<16xf32>
      %add3A_795 = arith.addf %abs3A_794, %mul3A_792 : vector<16xf32>
      %sub3A_796 = arith.subf %add3A_795, %abs3A_777 : vector<16xf32>
      %sub3A_797 = arith.constant 1.000000e-01 : f32
      %sub3A_798 = vector.broadcast %sub3A_797 : f32 to vector<16xf32>
      %sub3A_799 = arith.subf %sub3A_796, %sub3A_798 : vector<16xf32>
      %max3A_800 = arith.constant 0.000000e+00 : f32
      %max3A_801 = vector.broadcast %max3A_800 : f32 to vector<16xf32>
      %max3A_802 = arith.maximumf %sub3A_799, %max3A_801 : vector<16xf32>
      %mul3A_803 = arith.mulf %max3A_802, %max3A_802 : vector<16xf32>
      %add3A_804 = arith.addf %add3A_656, %mul3A_803 : vector<16xf32>
      %sub3A_805 = arith.subf %max3A_780, %min3A_783 : vector<16xf32>
      %max3A_806 = arith.constant 0.000000e+00 : f32
      %max3A_807 = vector.broadcast %max3A_806 : f32 to vector<16xf32>
      %max3A_808 = arith.maximumf %sub3A_805, %max3A_807 : vector<16xf32>
      %mul3A_809 = arith.mulf %max3A_808, %max3A_808 : vector<16xf32>
      %add3A_810 = arith.addf %add3A_662, %mul3A_809 : vector<16xf32>
      %get3A_811 = arith.index_cast %scan3A_259 : i32 to index
      %get3A_812 = arith.constant 48 : index
      %get3A_813 = tpu.vector_load %arg34[%get3A_811, %get3A_812] {strides = array<i32>} : memref<64x128xf32, #tpu.memory_space<vmem>>, vector<16xf32>,
      %get3A_814 = arith.index_cast %scan3A_259 : i32 to index
      %get3A_815 = arith.constant 112 : index
      %get3A_816 = tpu.vector_load %arg34[%get3A_814, %get3A_815] {strides = array<i32>} : memref<64x128xf32, #tpu.memory_space<vmem>>, vector<16xf32>,
      %abs3A_817 = math.absf %get3A_816 : vector<16xf32>
      %get3A_818 = arith.index_cast %scan3A_259 : i32 to index
      %get3A_819 = arith.constant 48 : index
      %get3A_820 = tpu.vector_load %arg35[%get3A_818, %get3A_819] {strides = array<i32>} : memref<64x128xf32, #tpu.memory_space<vmem>>, vector<16xf32>,
      %get3A_821 = arith.index_cast %scan3A_259 : i32 to index
      %get3A_822 = arith.constant 112 : index
      %get3A_823 = tpu.vector_load %arg35[%get3A_821, %get3A_822] {strides = array<i32>} : memref<64x128xf32, #tpu.memory_space<vmem>>, vector<16xf32>,
      %abs3A_824 = math.absf %get3A_823 : vector<16xf32>
      %get3A_825 = arith.index_cast %scan3A_259 : i32 to index
      %get3A_826 = arith.constant 48 : index
      %get3A_827 = tpu.vector_load %arg38[%get3A_825, %get3A_826] {strides = array<i32>} : memref<64x128xf32, #tpu.memory_space<vmem>>, vector<16xf32>,
      %get3A_828 = arith.index_cast %scan3A_259 : i32 to index
      %get3A_829 = arith.constant 112 : index
      %get3A_830 = tpu.vector_load %arg38[%get3A_828, %get3A_829] {strides = array<i32>} : memref<64x128xf32, #tpu.memory_space<vmem>>, vector<16xf32>,
      %abs3A_831 = math.absf %get3A_830 : vector<16xf32>
      %get3A_832 = arith.index_cast %scan3A_259 : i32 to index
      %get3A_833 = arith.constant 48 : index
      %get3A_834 = tpu.vector_load %arg39[%get3A_832, %get3A_833] {strides = array<i32>} : memref<64x128xf32, #tpu.memory_space<vmem>>, vector<16xf32>,
      %get3A_835 = arith.index_cast %scan3A_259 : i32 to index
      %get3A_836 = arith.constant 112 : index
      %get3A_837 = tpu.vector_load %arg39[%get3A_835, %get3A_836] {strides = array<i32>} : memref<64x128xf32, #tpu.memory_space<vmem>>, vector<16xf32>,
      %abs3A_838 = math.absf %get3A_837 : vector<16xf32>
      %get3A_839 = arith.index_cast %scan3A_259 : i32 to index
      %get3A_840 = arith.constant 112 : index
      %get3A_841 = tpu.vector_load %arg36[%get3A_839, %get3A_840] {strides = array<i32>} : memref<64x128xf32, #tpu.memory_space<vmem>>, vector<16xf32>,
      %get3A_842 = arith.index_cast %scan3A_259 : i32 to index
      %get3A_843 = arith.constant 48 : index
      %get3A_844 = tpu.vector_load %arg36[%get3A_842, %get3A_843] {strides = array<i32>} : memref<64x128xf32, #tpu.memory_space<vmem>>, vector<16xf32>,
      %select_n3A_845 = arith.select %eq3A_284, %get3A_841, %get3A_844 : vector<16xi1>, vector<16xf32>
      %get3A_846 = arith.index_cast %scan3A_259 : i32 to index
      %get3A_847 = arith.constant 112 : index
      %get3A_848 = tpu.vector_load %arg37[%get3A_846, %get3A_847] {strides = array<i32>} : memref<64x128xf32, #tpu.memory_space<vmem>>, vector<16xf32>,
      %get3A_849 = arith.index_cast %scan3A_259 : i32 to index
      %get3A_850 = arith.constant 48 : index
      %get3A_851 = tpu.vector_load %arg37[%get3A_849, %get3A_850] {strides = array<i32>} : memref<64x128xf32, #tpu.memory_space<vmem>>, vector<16xf32>,
      %select_n3A_852 = arith.select %eq3A_290, %get3A_848, %get3A_851 : vector<16xi1>, vector<16xf32>
      %add3A_853 = arith.addf %get3A_813, %select_n3A_852 : vector<16xf32>
      %sub3A_854 = arith.subf %add3A_853, %get3A_827 : vector<16xf32>
      %abs3A_855 = math.absf %sub3A_854 : vector<16xf32>
      %add3A_856 = arith.addf %abs3A_855, %abs3A_817 : vector<16xf32>
      %sub3A_857 = arith.subf %add3A_856, %abs3A_831 : vector<16xf32>
      %sub3A_858 = arith.constant 1.000000e-01 : f32
      %sub3A_859 = vector.broadcast %sub3A_858 : f32 to vector<16xf32>
      %sub3A_860 = arith.subf %sub3A_857, %sub3A_859 : vector<16xf32>
      %max3A_861 = arith.constant 0.000000e+00 : f32
      %max3A_862 = vector.broadcast %max3A_861 : f32 to vector<16xf32>
      %max3A_863 = arith.maximumf %sub3A_860, %max3A_862 : vector<16xf32>
      %mul3A_864 = arith.mulf %max3A_863, %max3A_863 : vector<16xf32>
      %add3A_865 = arith.addf %add3A_717, %mul3A_864 : vector<16xf32>
      %add3A_866 = arith.addf %get3A_820, %select_n3A_845 : vector<16xf32>
      %sub3A_867 = arith.subf %add3A_866, %get3A_834 : vector<16xf32>
      %abs3A_868 = math.absf %sub3A_867 : vector<16xf32>
      %add3A_869 = arith.addf %abs3A_868, %abs3A_824 : vector<16xf32>
      %sub3A_870 = arith.subf %add3A_869, %abs3A_838 : vector<16xf32>
      %sub3A_871 = arith.constant 1.000000e-01 : f32
      %sub3A_872 = vector.broadcast %sub3A_871 : f32 to vector<16xf32>
      %sub3A_873 = arith.subf %sub3A_870, %sub3A_872 : vector<16xf32>
      %max3A_874 = arith.constant 0.000000e+00 : f32
      %max3A_875 = vector.broadcast %max3A_874 : f32 to vector<16xf32>
      %max3A_876 = arith.maximumf %sub3A_873, %max3A_875 : vector<16xf32>
      %mul3A_877 = arith.mulf %max3A_876, %max3A_876 : vector<16xf32>
      %add3A_878 = arith.addf %add3A_730, %mul3A_877 : vector<16xf32>
      %swap3A_879 = arith.index_cast %scan3A_259 : i32 to index
      %swap3A_880 = arith.constant 0 : index
      %swap3A_881 = tpu.vector_load %arg40[%swap3A_879, %swap3A_880] {strides = array<i32>} : memref<64x16xf32, #tpu.memory_space<vmem>>, vector<16xf32>,
      tpu.vector_store %arg40[%swap3A_879, %swap3A_880], %add3A_756 {strides = array<i32>} : memref<64x16xf32, #tpu.memory_space<vmem>>, vector<16xf32>,
      %swap3A_882 = arith.index_cast %scan3A_259 : i32 to index
      %swap3A_883 = arith.constant 0 : index
      %swap3A_884 = tpu.vector_load %arg41[%swap3A_882, %swap3A_883] {strides = array<i32>} : memref<64x16xf32, #tpu.memory_space<vmem>>, vector<16xf32>,
      tpu.vector_store %arg41[%swap3A_882, %swap3A_883], %add3A_804 {strides = array<i32>} : memref<64x16xf32, #tpu.memory_space<vmem>>, vector<16xf32>,
      %swap3A_885 = arith.index_cast %scan3A_259 : i32 to index
      %swap3A_886 = arith.constant 0 : index
      %swap3A_887 = tpu.vector_load %arg42[%swap3A_885, %swap3A_886] {strides = array<i32>} : memref<64x16xf32, #tpu.memory_space<vmem>>, vector<16xf32>,
      tpu.vector_store %arg42[%swap3A_885, %swap3A_886], %add3A_810 {strides = array<i32>} : memref<64x16xf32, #tpu.memory_space<vmem>>, vector<16xf32>,
      %swap3A_888 = arith.index_cast %scan3A_259 : i32 to index
      %swap3A_889 = arith.constant 0 : index
      %swap3A_890 = tpu.vector_load %arg43[%swap3A_888, %swap3A_889] {strides = array<i32>} : memref<64x16xf32, #tpu.memory_space<vmem>>, vector<16xf32>,
      tpu.vector_store %arg43[%swap3A_888, %swap3A_889], %add3A_865 {strides = array<i32>} : memref<64x16xf32, #tpu.memory_space<vmem>>, vector<16xf32>,
      %swap3A_891 = arith.index_cast %scan3A_259 : i32 to index
      %swap3A_892 = arith.constant 0 : index
      %swap3A_893 = tpu.vector_load %arg44[%swap3A_891, %swap3A_892] {strides = array<i32>} : memref<64x16xf32, #tpu.memory_space<vmem>>, vector<16xf32>,
      tpu.vector_store %arg44[%swap3A_891, %swap3A_892], %add3A_878 {strides = array<i32>} : memref<64x16xf32, #tpu.memory_space<vmem>>, vector<16xf32>,
    }
    %scan3A_126 = arith.constant 64 : i32
    "tpu.region"() ({
      %run_scoped3A = tpu.sem_alloc : memref<!tpu.dma_semaphore, #tpu.memory_space<semaphore_mem>>
      %dma_start3A_259 = arith.constant 0 : i32
      %dma_start3A_260 = tpu.memref_slice %arg14[%add3A_4, %dma_start3A_259] : memref<4096x16xf32, #tpu.memory_space<hbm>> -> memref<64x16xf32, #tpu.memory_space<hbm>>
      %dma_start3A_261 = arith.constant 0 : i32
      %dma_start3A_262 = tpu.memref_slice %arg14[%add3A_4, %dma_start3A_261] : memref<4096x16xf32, #tpu.memory_space<hbm>> -> memref<64x16xf32, #tpu.memory_space<hbm>>
      tpu.enqueue_dma source(%arg40 : memref<64x16xf32, #tpu.memory_space<vmem>>) target(%dma_start3A_262 : memref<64x16xf32, #tpu.memory_space<hbm>>) target_semaphore(%run_scoped3A : memref<!tpu.dma_semaphore, #tpu.memory_space<semaphore_mem>>)
      %dma_wait3A_263 = arith.constant 0 : i32
      %dma_wait3A_264 = tpu.memref_slice %arg14[%add3A_4, %dma_wait3A_263] : memref<4096x16xf32, #tpu.memory_space<hbm>> -> memref<64x16xf32, #tpu.memory_space<hbm>>
      %dma_wait3A_265 = arith.constant 0 : i32
      %dma_wait3A_266 = tpu.memref_slice %arg14[%add3A_4, %dma_wait3A_265] : memref<4096x16xf32, #tpu.memory_space<hbm>> -> memref<64x16xf32, #tpu.memory_space<hbm>>
      tpu.wait_dma2 semaphore(%run_scoped3A : memref<!tpu.dma_semaphore, #tpu.memory_space<semaphore_mem>>) src(%arg40 : memref<64x16xf32, #tpu.memory_space<vmem>>) dst(%dma_wait3A_266 : memref<64x16xf32, #tpu.memory_space<hbm>>)
      tpu.yield
    }) : () -> ()
    "tpu.region"() ({
      %run_scoped3A = tpu.sem_alloc : memref<!tpu.dma_semaphore, #tpu.memory_space<semaphore_mem>>
      %dma_start3A_259 = arith.constant 0 : i32
      %dma_start3A_260 = tpu.memref_slice %arg15[%add3A_4, %dma_start3A_259] : memref<4096x16xf32, #tpu.memory_space<hbm>> -> memref<64x16xf32, #tpu.memory_space<hbm>>
      %dma_start3A_261 = arith.constant 0 : i32
      %dma_start3A_262 = tpu.memref_slice %arg15[%add3A_4, %dma_start3A_261] : memref<4096x16xf32, #tpu.memory_space<hbm>> -> memref<64x16xf32, #tpu.memory_space<hbm>>
      tpu.enqueue_dma source(%arg41 : memref<64x16xf32, #tpu.memory_space<vmem>>) target(%dma_start3A_262 : memref<64x16xf32, #tpu.memory_space<hbm>>) target_semaphore(%run_scoped3A : memref<!tpu.dma_semaphore, #tpu.memory_space<semaphore_mem>>)
      %dma_wait3A_263 = arith.constant 0 : i32
      %dma_wait3A_264 = tpu.memref_slice %arg15[%add3A_4, %dma_wait3A_263] : memref<4096x16xf32, #tpu.memory_space<hbm>> -> memref<64x16xf32, #tpu.memory_space<hbm>>
      %dma_wait3A_265 = arith.constant 0 : i32
      %dma_wait3A_266 = tpu.memref_slice %arg15[%add3A_4, %dma_wait3A_265] : memref<4096x16xf32, #tpu.memory_space<hbm>> -> memref<64x16xf32, #tpu.memory_space<hbm>>
      tpu.wait_dma2 semaphore(%run_scoped3A : memref<!tpu.dma_semaphore, #tpu.memory_space<semaphore_mem>>) src(%arg41 : memref<64x16xf32, #tpu.memory_space<vmem>>) dst(%dma_wait3A_266 : memref<64x16xf32, #tpu.memory_space<hbm>>)
      tpu.yield
    }) : () -> ()
    "tpu.region"() ({
      %run_scoped3A = tpu.sem_alloc : memref<!tpu.dma_semaphore, #tpu.memory_space<semaphore_mem>>
      %dma_start3A_259 = arith.constant 0 : i32
      %dma_start3A_260 = tpu.memref_slice %arg16[%add3A_4, %dma_start3A_259] : memref<4096x16xf32, #tpu.memory_space<hbm>> -> memref<64x16xf32, #tpu.memory_space<hbm>>
      %dma_start3A_261 = arith.constant 0 : i32
      %dma_start3A_262 = tpu.memref_slice %arg16[%add3A_4, %dma_start3A_261] : memref<4096x16xf32, #tpu.memory_space<hbm>> -> memref<64x16xf32, #tpu.memory_space<hbm>>
      tpu.enqueue_dma source(%arg42 : memref<64x16xf32, #tpu.memory_space<vmem>>) target(%dma_start3A_262 : memref<64x16xf32, #tpu.memory_space<hbm>>) target_semaphore(%run_scoped3A : memref<!tpu.dma_semaphore, #tpu.memory_space<semaphore_mem>>)
      %dma_wait3A_263 = arith.constant 0 : i32
      %dma_wait3A_264 = tpu.memref_slice %arg16[%add3A_4, %dma_wait3A_263] : memref<4096x16xf32, #tpu.memory_space<hbm>> -> memref<64x16xf32, #tpu.memory_space<hbm>>
      %dma_wait3A_265 = arith.constant 0 : i32
      %dma_wait3A_266 = tpu.memref_slice %arg16[%add3A_4, %dma_wait3A_265] : memref<4096x16xf32, #tpu.memory_space<hbm>> -> memref<64x16xf32, #tpu.memory_space<hbm>>
      tpu.wait_dma2 semaphore(%run_scoped3A : memref<!tpu.dma_semaphore, #tpu.memory_space<semaphore_mem>>) src(%arg42 : memref<64x16xf32, #tpu.memory_space<vmem>>) dst(%dma_wait3A_266 : memref<64x16xf32, #tpu.memory_space<hbm>>)
      tpu.yield
    }) : () -> ()
    "tpu.region"() ({
      %run_scoped3A = tpu.sem_alloc : memref<!tpu.dma_semaphore, #tpu.memory_space<semaphore_mem>>
      %dma_start3A_259 = arith.constant 0 : i32
      %dma_start3A_260 = tpu.memref_slice %arg17[%add3A_4, %dma_start3A_259] : memref<4096x16xf32, #tpu.memory_space<hbm>> -> memref<64x16xf32, #tpu.memory_space<hbm>>
      %dma_start3A_261 = arith.constant 0 : i32
      %dma_start3A_262 = tpu.memref_slice %arg17[%add3A_4, %dma_start3A_261] : memref<4096x16xf32, #tpu.memory_space<hbm>> -> memref<64x16xf32, #tpu.memory_space<hbm>>
      tpu.enqueue_dma source(%arg43 : memref<64x16xf32, #tpu.memory_space<vmem>>) target(%dma_start3A_262 : memref<64x16xf32, #tpu.memory_space<hbm>>) target_semaphore(%run_scoped3A : memref<!tpu.dma_semaphore, #tpu.memory_space<semaphore_mem>>)
      %dma_wait3A_263 = arith.constant 0 : i32
      %dma_wait3A_264 = tpu.memref_slice %arg17[%add3A_4, %dma_wait3A_263] : memref<4096x16xf32, #tpu.memory_space<hbm>> -> memref<64x16xf32, #tpu.memory_space<hbm>>
      %dma_wait3A_265 = arith.constant 0 : i32
      %dma_wait3A_266 = tpu.memref_slice %arg17[%add3A_4, %dma_wait3A_265] : memref<4096x16xf32, #tpu.memory_space<hbm>> -> memref<64x16xf32, #tpu.memory_space<hbm>>
      tpu.wait_dma2 semaphore(%run_scoped3A : memref<!tpu.dma_semaphore, #tpu.memory_space<semaphore_mem>>) src(%arg43 : memref<64x16xf32, #tpu.memory_space<vmem>>) dst(%dma_wait3A_266 : memref<64x16xf32, #tpu.memory_space<hbm>>)
      tpu.yield
    }) : () -> ()
    "tpu.region"() ({
      %run_scoped3A = tpu.sem_alloc : memref<!tpu.dma_semaphore, #tpu.memory_space<semaphore_mem>>
      %dma_start3A_259 = arith.constant 0 : i32
      %dma_start3A_260 = tpu.memref_slice %arg18[%add3A_4, %dma_start3A_259] : memref<4096x16xf32, #tpu.memory_space<hbm>> -> memref<64x16xf32, #tpu.memory_space<hbm>>
      %dma_start3A_261 = arith.constant 0 : i32
      %dma_start3A_262 = tpu.memref_slice %arg18[%add3A_4, %dma_start3A_261] : memref<4096x16xf32, #tpu.memory_space<hbm>> -> memref<64x16xf32, #tpu.memory_space<hbm>>
      tpu.enqueue_dma source(%arg44 : memref<64x16xf32, #tpu.memory_space<vmem>>) target(%dma_start3A_262 : memref<64x16xf32, #tpu.memory_space<hbm>>) target_semaphore(%run_scoped3A : memref<!tpu.dma_semaphore, #tpu.memory_space<semaphore_mem>>)
      %dma_wait3A_263 = arith.constant 0 : i32
      %dma_wait3A_264 = tpu.memref_slice %arg18[%add3A_4, %dma_wait3A_263] : memref<4096x16xf32, #tpu.memory_space<hbm>> -> memref<64x16xf32, #tpu.memory_space<hbm>>
      %dma_wait3A_265 = arith.constant 0 : i32
      %dma_wait3A_266 = tpu.memref_slice %arg18[%add3A_4, %dma_wait3A_265] : memref<4096x16xf32, #tpu.memory_space<hbm>> -> memref<64x16xf32, #tpu.memory_space<hbm>>
      tpu.wait_dma2 semaphore(%run_scoped3A : memref<!tpu.dma_semaphore, #tpu.memory_space<semaphore_mem>>) src(%arg44 : memref<64x16xf32, #tpu.memory_space<vmem>>) dst(%dma_wait3A_266 : memref<64x16xf32, #tpu.memory_space<hbm>>)
      tpu.yield
    }) : () -> ()
    %mul3A_127 = arith.constant 128 : i32
    %mul3A_128 = arith.muli %add3A, %mul3A_127 : i32
    %add3A_129 = arith.constant 64 : i32
    %add3A_130 = arith.addi %mul3A_128, %add3A_129 : i32
    "tpu.region"() ({
      %run_scoped3A = tpu.sem_alloc : memref<!tpu.dma_semaphore, #tpu.memory_space<semaphore_mem>>
      %dma_start3A_259 = tpu.memref_slice %arg2[%add3A_130] : memref<4096xi32, #tpu.memory_space<hbm>> -> memref<64xi32, #tpu.memory_space<hbm>>
      %dma_start3A_260 = tpu.memref_slice %arg2[%add3A_130] : memref<4096xi32, #tpu.memory_space<hbm>> -> memref<64xi32, #tpu.memory_space<hbm>>
      tpu.enqueue_dma source(%dma_start3A_260 : memref<64xi32, #tpu.memory_space<hbm>>) target(%arg19 : memref<64xi32, #tpu.memory_space<vmem>>) target_semaphore(%run_scoped3A : memref<!tpu.dma_semaphore, #tpu.memory_space<semaphore_mem>>)
      %dma_wait3A_261 = tpu.memref_slice %arg2[%add3A_130] : memref<4096xi32, #tpu.memory_space<hbm>> -> memref<64xi32, #tpu.memory_space<hbm>>
      %dma_wait3A_262 = tpu.memref_slice %arg2[%add3A_130] : memref<4096xi32, #tpu.memory_space<hbm>> -> memref<64xi32, #tpu.memory_space<hbm>>
      tpu.wait_dma2 semaphore(%run_scoped3A : memref<!tpu.dma_semaphore, #tpu.memory_space<semaphore_mem>>) src(%dma_wait3A_262 : memref<64xi32, #tpu.memory_space<hbm>>) dst(%arg19 : memref<64xi32, #tpu.memory_space<vmem>>)
      tpu.yield
    }) : () -> ()
    "tpu.region"() ({
      %run_scoped3A = tpu.sem_alloc : memref<!tpu.dma_semaphore, #tpu.memory_space<semaphore_mem>>
      %dma_start3A_259 = tpu.memref_slice %arg3[%add3A_130] : memref<4096xi32, #tpu.memory_space<hbm>> -> memref<64xi32, #tpu.memory_space<hbm>>
      %dma_start3A_260 = tpu.memref_slice %arg3[%add3A_130] : memref<4096xi32, #tpu.memory_space<hbm>> -> memref<64xi32, #tpu.memory_space<hbm>>
      tpu.enqueue_dma source(%dma_start3A_260 : memref<64xi32, #tpu.memory_space<hbm>>) target(%arg20 : memref<64xi32, #tpu.memory_space<vmem>>) target_semaphore(%run_scoped3A : memref<!tpu.dma_semaphore, #tpu.memory_space<semaphore_mem>>)
      %dma_wait3A_261 = tpu.memref_slice %arg3[%add3A_130] : memref<4096xi32, #tpu.memory_space<hbm>> -> memref<64xi32, #tpu.memory_space<hbm>>
      %dma_wait3A_262 = tpu.memref_slice %arg3[%add3A_130] : memref<4096xi32, #tpu.memory_space<hbm>> -> memref<64xi32, #tpu.memory_space<hbm>>
      tpu.wait_dma2 semaphore(%run_scoped3A : memref<!tpu.dma_semaphore, #tpu.memory_space<semaphore_mem>>) src(%dma_wait3A_262 : memref<64xi32, #tpu.memory_space<hbm>>) dst(%arg20 : memref<64xi32, #tpu.memory_space<vmem>>)
      tpu.yield
    }) : () -> ()
    "tpu.region"() ({
      %run_scoped3A = tpu.sem_alloc : memref<!tpu.dma_semaphore, #tpu.memory_space<semaphore_mem>>
      %dma_start3A_259 = tpu.memref_slice %arg4[%add3A_130] : memref<4096xi32, #tpu.memory_space<hbm>> -> memref<64xi32, #tpu.memory_space<hbm>>
      %dma_start3A_260 = tpu.memref_slice %arg4[%add3A_130] : memref<4096xi32, #tpu.memory_space<hbm>> -> memref<64xi32, #tpu.memory_space<hbm>>
      tpu.enqueue_dma source(%dma_start3A_260 : memref<64xi32, #tpu.memory_space<hbm>>) target(%arg21 : memref<64xi32, #tpu.memory_space<vmem>>) target_semaphore(%run_scoped3A : memref<!tpu.dma_semaphore, #tpu.memory_space<semaphore_mem>>)
      %dma_wait3A_261 = tpu.memref_slice %arg4[%add3A_130] : memref<4096xi32, #tpu.memory_space<hbm>> -> memref<64xi32, #tpu.memory_space<hbm>>
      %dma_wait3A_262 = tpu.memref_slice %arg4[%add3A_130] : memref<4096xi32, #tpu.memory_space<hbm>> -> memref<64xi32, #tpu.memory_space<hbm>>
      tpu.wait_dma2 semaphore(%run_scoped3A : memref<!tpu.dma_semaphore, #tpu.memory_space<semaphore_mem>>) src(%dma_wait3A_262 : memref<64xi32, #tpu.memory_space<hbm>>) dst(%arg21 : memref<64xi32, #tpu.memory_space<vmem>>)
      tpu.yield
    }) : () -> ()
    "tpu.region"() ({
      %run_scoped3A = tpu.sem_alloc : memref<!tpu.dma_semaphore, #tpu.memory_space<semaphore_mem>>
      %dma_start3A_259 = tpu.memref_slice %arg5[%add3A_130] : memref<4096xi32, #tpu.memory_space<hbm>> -> memref<64xi32, #tpu.memory_space<hbm>>
      %dma_start3A_260 = tpu.memref_slice %arg5[%add3A_130] : memref<4096xi32, #tpu.memory_space<hbm>> -> memref<64xi32, #tpu.memory_space<hbm>>
      tpu.enqueue_dma source(%dma_start3A_260 : memref<64xi32, #tpu.memory_space<hbm>>) target(%arg22 : memref<64xi32, #tpu.memory_space<vmem>>) target_semaphore(%run_scoped3A : memref<!tpu.dma_semaphore, #tpu.memory_space<semaphore_mem>>)
      %dma_wait3A_261 = tpu.memref_slice %arg5[%add3A_130] : memref<4096xi32, #tpu.memory_space<hbm>> -> memref<64xi32, #tpu.memory_space<hbm>>
      %dma_wait3A_262 = tpu.memref_slice %arg5[%add3A_130] : memref<4096xi32, #tpu.memory_space<hbm>> -> memref<64xi32, #tpu.memory_space<hbm>>
      tpu.wait_dma2 semaphore(%run_scoped3A : memref<!tpu.dma_semaphore, #tpu.memory_space<semaphore_mem>>) src(%dma_wait3A_262 : memref<64xi32, #tpu.memory_space<hbm>>) dst(%arg22 : memref<64xi32, #tpu.memory_space<vmem>>)
      tpu.yield
    }) : () -> ()
    "tpu.region"() ({
      %run_scoped3A = tpu.sem_alloc : memref<!tpu.dma_semaphore, #tpu.memory_space<semaphore_mem>>
      %dma_start3A_259 = tpu.memref_slice %arg6[%add3A_130] : memref<4096xi32, #tpu.memory_space<hbm>> -> memref<64xi32, #tpu.memory_space<hbm>>
      %dma_start3A_260 = tpu.memref_slice %arg6[%add3A_130] : memref<4096xi32, #tpu.memory_space<hbm>> -> memref<64xi32, #tpu.memory_space<hbm>>
      tpu.enqueue_dma source(%dma_start3A_260 : memref<64xi32, #tpu.memory_space<hbm>>) target(%arg23 : memref<64xi32, #tpu.memory_space<vmem>>) target_semaphore(%run_scoped3A : memref<!tpu.dma_semaphore, #tpu.memory_space<semaphore_mem>>)
      %dma_wait3A_261 = tpu.memref_slice %arg6[%add3A_130] : memref<4096xi32, #tpu.memory_space<hbm>> -> memref<64xi32, #tpu.memory_space<hbm>>
      %dma_wait3A_262 = tpu.memref_slice %arg6[%add3A_130] : memref<4096xi32, #tpu.memory_space<hbm>> -> memref<64xi32, #tpu.memory_space<hbm>>
      tpu.wait_dma2 semaphore(%run_scoped3A : memref<!tpu.dma_semaphore, #tpu.memory_space<semaphore_mem>>) src(%dma_wait3A_262 : memref<64xi32, #tpu.memory_space<hbm>>) dst(%arg23 : memref<64xi32, #tpu.memory_space<vmem>>)
      tpu.yield
    }) : () -> ()
    "tpu.region"() ({
      %run_scoped3A = tpu.sem_alloc : memref<!tpu.dma_semaphore, #tpu.memory_space<semaphore_mem>>
      %dma_start3A_259 = tpu.memref_slice %arg7[%add3A_130] : memref<4096xi32, #tpu.memory_space<hbm>> -> memref<64xi32, #tpu.memory_space<hbm>>
      %dma_start3A_260 = tpu.memref_slice %arg7[%add3A_130] : memref<4096xi32, #tpu.memory_space<hbm>> -> memref<64xi32, #tpu.memory_space<hbm>>
      tpu.enqueue_dma source(%dma_start3A_260 : memref<64xi32, #tpu.memory_space<hbm>>) target(%arg24 : memref<64xi32, #tpu.memory_space<vmem>>) target_semaphore(%run_scoped3A : memref<!tpu.dma_semaphore, #tpu.memory_space<semaphore_mem>>)
      %dma_wait3A_261 = tpu.memref_slice %arg7[%add3A_130] : memref<4096xi32, #tpu.memory_space<hbm>> -> memref<64xi32, #tpu.memory_space<hbm>>
      %dma_wait3A_262 = tpu.memref_slice %arg7[%add3A_130] : memref<4096xi32, #tpu.memory_space<hbm>> -> memref<64xi32, #tpu.memory_space<hbm>>
      tpu.wait_dma2 semaphore(%run_scoped3A : memref<!tpu.dma_semaphore, #tpu.memory_space<semaphore_mem>>) src(%dma_wait3A_262 : memref<64xi32, #tpu.memory_space<hbm>>) dst(%arg24 : memref<64xi32, #tpu.memory_space<vmem>>)
      tpu.yield
    }) : () -> ()
    "tpu.region"() ({
      %run_scoped3A = tpu.sem_alloc : memref<!tpu.dma_semaphore, #tpu.memory_space<semaphore_mem>>
      %dma_start3A_259 = tpu.memref_slice %arg8[%add3A_130] : memref<4096xi32, #tpu.memory_space<hbm>> -> memref<64xi32, #tpu.memory_space<hbm>>
      %dma_start3A_260 = tpu.memref_slice %arg8[%add3A_130] : memref<4096xi32, #tpu.memory_space<hbm>> -> memref<64xi32, #tpu.memory_space<hbm>>
      tpu.enqueue_dma source(%dma_start3A_260 : memref<64xi32, #tpu.memory_space<hbm>>) target(%arg25 : memref<64xi32, #tpu.memory_space<vmem>>) target_semaphore(%run_scoped3A : memref<!tpu.dma_semaphore, #tpu.memory_space<semaphore_mem>>)
      %dma_wait3A_261 = tpu.memref_slice %arg8[%add3A_130] : memref<4096xi32, #tpu.memory_space<hbm>> -> memref<64xi32, #tpu.memory_space<hbm>>
      %dma_wait3A_262 = tpu.memref_slice %arg8[%add3A_130] : memref<4096xi32, #tpu.memory_space<hbm>> -> memref<64xi32, #tpu.memory_space<hbm>>
      tpu.wait_dma2 semaphore(%run_scoped3A : memref<!tpu.dma_semaphore, #tpu.memory_space<semaphore_mem>>) src(%dma_wait3A_262 : memref<64xi32, #tpu.memory_space<hbm>>) dst(%arg25 : memref<64xi32, #tpu.memory_space<vmem>>)
      tpu.yield
    }) : () -> ()
    "tpu.region"() ({
      %run_scoped3A = tpu.sem_alloc : memref<!tpu.dma_semaphore, #tpu.memory_space<semaphore_mem>>
      %dma_start3A_259 = tpu.memref_slice %arg9[%add3A_130] : memref<4096xi32, #tpu.memory_space<hbm>> -> memref<64xi32, #tpu.memory_space<hbm>>
      %dma_start3A_260 = tpu.memref_slice %arg9[%add3A_130] : memref<4096xi32, #tpu.memory_space<hbm>> -> memref<64xi32, #tpu.memory_space<hbm>>
      tpu.enqueue_dma source(%dma_start3A_260 : memref<64xi32, #tpu.memory_space<hbm>>) target(%arg26 : memref<64xi32, #tpu.memory_space<vmem>>) target_semaphore(%run_scoped3A : memref<!tpu.dma_semaphore, #tpu.memory_space<semaphore_mem>>)
      %dma_wait3A_261 = tpu.memref_slice %arg9[%add3A_130] : memref<4096xi32, #tpu.memory_space<hbm>> -> memref<64xi32, #tpu.memory_space<hbm>>
      %dma_wait3A_262 = tpu.memref_slice %arg9[%add3A_130] : memref<4096xi32, #tpu.memory_space<hbm>> -> memref<64xi32, #tpu.memory_space<hbm>>
      tpu.wait_dma2 semaphore(%run_scoped3A : memref<!tpu.dma_semaphore, #tpu.memory_space<semaphore_mem>>) src(%dma_wait3A_262 : memref<64xi32, #tpu.memory_space<hbm>>) dst(%arg26 : memref<64xi32, #tpu.memory_space<vmem>>)
      tpu.yield
    }) : () -> ()
    %get3A_131 = arith.constant 0 : index
    %get3A_132 = tpu.vector_load %arg24[%get3A_131] {strides = array<i32>} : memref<64xi32, #tpu.memory_space<vmem>>, vector<16xi32>,
    %shift_right_logical3A_133 = arith.constant 1 : i32
    %shift_right_logical3A_134 = vector.broadcast %shift_right_logical3A_133 : i32 to vector<16xi32>
    %shift_right_logical3A_135 = arith.shrui %get3A_132, %shift_right_logical3A_134 : vector<16xi32>
    %swap3A_136 = arith.constant 0 : index
    %swap3A_137 = tpu.vector_load %arg27[%swap3A_136] {strides = array<i32>} : memref<64xi32, #tpu.memory_space<vmem>>, vector<16xi32>,
    tpu.vector_store %arg27[%swap3A_136], %shift_right_logical3A_135 {strides = array<i32>} : memref<64xi32, #tpu.memory_space<vmem>>, vector<16xi32>,
    %get3A_138 = arith.constant 0 : index
    %get3A_139 = tpu.vector_load %arg26[%get3A_138] {strides = array<i32>} : memref<64xi32, #tpu.memory_space<vmem>>, vector<16xi32>,
    %shift_right_logical3A_140 = arith.constant 1 : i32
    %shift_right_logical3A_141 = vector.broadcast %shift_right_logical3A_140 : i32 to vector<16xi32>
    %shift_right_logical3A_142 = arith.shrui %get3A_139, %shift_right_logical3A_141 : vector<16xi32>
    %swap3A_143 = arith.constant 0 : index
    %swap3A_144 = tpu.vector_load %arg28[%swap3A_143] {strides = array<i32>} : memref<64xi32, #tpu.memory_space<vmem>>, vector<16xi32>,
    tpu.vector_store %arg28[%swap3A_143], %shift_right_logical3A_142 {strides = array<i32>} : memref<64xi32, #tpu.memory_space<vmem>>, vector<16xi32>,
    %get3A_145 = arith.constant 16 : index
    %get3A_146 = tpu.vector_load %arg24[%get3A_145] {strides = array<i32>} : memref<64xi32, #tpu.memory_space<vmem>>, vector<16xi32>,
    %shift_right_logical3A_147 = arith.constant 1 : i32
    %shift_right_logical3A_148 = vector.broadcast %shift_right_logical3A_147 : i32 to vector<16xi32>
    %shift_right_logical3A_149 = arith.shrui %get3A_146, %shift_right_logical3A_148 : vector<16xi32>
    %swap3A_150 = arith.constant 16 : index
    %swap3A_151 = tpu.vector_load %arg27[%swap3A_150] {strides = array<i32>} : memref<64xi32, #tpu.memory_space<vmem>>, vector<16xi32>,
    tpu.vector_store %arg27[%swap3A_150], %shift_right_logical3A_149 {strides = array<i32>} : memref<64xi32, #tpu.memory_space<vmem>>, vector<16xi32>,
    %get3A_152 = arith.constant 16 : index
    %get3A_153 = tpu.vector_load %arg26[%get3A_152] {strides = array<i32>} : memref<64xi32, #tpu.memory_space<vmem>>, vector<16xi32>,
    %shift_right_logical3A_154 = arith.constant 1 : i32
    %shift_right_logical3A_155 = vector.broadcast %shift_right_logical3A_154 : i32 to vector<16xi32>
    %shift_right_logical3A_156 = arith.shrui %get3A_153, %shift_right_logical3A_155 : vector<16xi32>
    %swap3A_157 = arith.constant 16 : index
    %swap3A_158 = tpu.vector_load %arg28[%swap3A_157] {strides = array<i32>} : memref<64xi32, #tpu.memory_space<vmem>>, vector<16xi32>,
    tpu.vector_store %arg28[%swap3A_157], %shift_right_logical3A_156 {strides = array<i32>} : memref<64xi32, #tpu.memory_space<vmem>>, vector<16xi32>,
    %get3A_159 = arith.constant 32 : index
    %get3A_160 = tpu.vector_load %arg24[%get3A_159] {strides = array<i32>} : memref<64xi32, #tpu.memory_space<vmem>>, vector<16xi32>,
    %shift_right_logical3A_161 = arith.constant 1 : i32
    %shift_right_logical3A_162 = vector.broadcast %shift_right_logical3A_161 : i32 to vector<16xi32>
    %shift_right_logical3A_163 = arith.shrui %get3A_160, %shift_right_logical3A_162 : vector<16xi32>
    %swap3A_164 = arith.constant 32 : index
    %swap3A_165 = tpu.vector_load %arg27[%swap3A_164] {strides = array<i32>} : memref<64xi32, #tpu.memory_space<vmem>>, vector<16xi32>,
    tpu.vector_store %arg27[%swap3A_164], %shift_right_logical3A_163 {strides = array<i32>} : memref<64xi32, #tpu.memory_space<vmem>>, vector<16xi32>,
    %get3A_166 = arith.constant 32 : index
    %get3A_167 = tpu.vector_load %arg26[%get3A_166] {strides = array<i32>} : memref<64xi32, #tpu.memory_space<vmem>>, vector<16xi32>,
    %shift_right_logical3A_168 = arith.constant 1 : i32
    %shift_right_logical3A_169 = vector.broadcast %shift_right_logical3A_168 : i32 to vector<16xi32>
    %shift_right_logical3A_170 = arith.shrui %get3A_167, %shift_right_logical3A_169 : vector<16xi32>
    %swap3A_171 = arith.constant 32 : index
    %swap3A_172 = tpu.vector_load %arg28[%swap3A_171] {strides = array<i32>} : memref<64xi32, #tpu.memory_space<vmem>>, vector<16xi32>,
    tpu.vector_store %arg28[%swap3A_171], %shift_right_logical3A_170 {strides = array<i32>} : memref<64xi32, #tpu.memory_space<vmem>>, vector<16xi32>,
    %get3A_173 = arith.constant 48 : index
    %get3A_174 = tpu.vector_load %arg24[%get3A_173] {strides = array<i32>} : memref<64xi32, #tpu.memory_space<vmem>>, vector<16xi32>,
    %shift_right_logical3A_175 = arith.constant 1 : i32
    %shift_right_logical3A_176 = vector.broadcast %shift_right_logical3A_175 : i32 to vector<16xi32>
    %shift_right_logical3A_177 = arith.shrui %get3A_174, %shift_right_logical3A_176 : vector<16xi32>
    %swap3A_178 = arith.constant 48 : index
    %swap3A_179 = tpu.vector_load %arg27[%swap3A_178] {strides = array<i32>} : memref<64xi32, #tpu.memory_space<vmem>>, vector<16xi32>,
    tpu.vector_store %arg27[%swap3A_178], %shift_right_logical3A_177 {strides = array<i32>} : memref<64xi32, #tpu.memory_space<vmem>>, vector<16xi32>,
    %get3A_180 = arith.constant 48 : index
    %get3A_181 = tpu.vector_load %arg26[%get3A_180] {strides = array<i32>} : memref<64xi32, #tpu.memory_space<vmem>>, vector<16xi32>,
    %shift_right_logical3A_182 = arith.constant 1 : i32
    %shift_right_logical3A_183 = vector.broadcast %shift_right_logical3A_182 : i32 to vector<16xi32>
    %shift_right_logical3A_184 = arith.shrui %get3A_181, %shift_right_logical3A_183 : vector<16xi32>
    %swap3A_185 = arith.constant 48 : index
    %swap3A_186 = tpu.vector_load %arg28[%swap3A_185] {strides = array<i32>} : memref<64xi32, #tpu.memory_space<vmem>>, vector<16xi32>,
    tpu.vector_store %arg28[%swap3A_185], %shift_right_logical3A_184 {strides = array<i32>} : memref<64xi32, #tpu.memory_space<vmem>>, vector<16xi32>,
    %dma_start3A_187 = arith.constant 0 : i32
    %dma_start3A_188 = arith.constant 0 : i32
    %dma_start3A_189 = tpu.memref_slice %arg10[%dma_start3A_187, %dma_start3A_188] : memref<100000x128xf32, #tpu.memory_space<hbm>> -> memref<100000x128xf32, #tpu.memory_space<hbm>>
    tpu.enqueue_indirect_dma source(%dma_start3A_189 : memref<100000x128xf32, #tpu.memory_space<hbm>>) target(%arg29 : memref<64x128xf32, #tpu.memory_space<vmem>>) offsets(%arg19 : memref<64xi32, #tpu.memory_space<vmem>>) semaphore(%arg45 : memref<!tpu.dma_semaphore, #tpu.memory_space<semaphore_mem>>)
    %dma_start3A_190 = arith.constant 0 : i32
    %dma_start3A_191 = arith.constant 0 : i32
    %dma_start3A_192 = tpu.memref_slice %arg10[%dma_start3A_190, %dma_start3A_191] : memref<100000x128xf32, #tpu.memory_space<hbm>> -> memref<100000x128xf32, #tpu.memory_space<hbm>>
    tpu.enqueue_indirect_dma source(%dma_start3A_192 : memref<100000x128xf32, #tpu.memory_space<hbm>>) target(%arg30 : memref<64x128xf32, #tpu.memory_space<vmem>>) offsets(%arg20 : memref<64xi32, #tpu.memory_space<vmem>>) semaphore(%arg45 : memref<!tpu.dma_semaphore, #tpu.memory_space<semaphore_mem>>)
    %dma_start3A_193 = arith.constant 0 : i32
    %dma_start3A_194 = arith.constant 0 : i32
    %dma_start3A_195 = tpu.memref_slice %arg10[%dma_start3A_193, %dma_start3A_194] : memref<100000x128xf32, #tpu.memory_space<hbm>> -> memref<100000x128xf32, #tpu.memory_space<hbm>>
    tpu.enqueue_indirect_dma source(%dma_start3A_195 : memref<100000x128xf32, #tpu.memory_space<hbm>>) target(%arg31 : memref<64x128xf32, #tpu.memory_space<vmem>>) offsets(%arg21 : memref<64xi32, #tpu.memory_space<vmem>>) semaphore(%arg45 : memref<!tpu.dma_semaphore, #tpu.memory_space<semaphore_mem>>)
    %dma_start3A_196 = arith.constant 0 : i32
    %dma_start3A_197 = arith.constant 0 : i32
    %dma_start3A_198 = tpu.memref_slice %arg10[%dma_start3A_196, %dma_start3A_197] : memref<100000x128xf32, #tpu.memory_space<hbm>> -> memref<100000x128xf32, #tpu.memory_space<hbm>>
    tpu.enqueue_indirect_dma source(%dma_start3A_198 : memref<100000x128xf32, #tpu.memory_space<hbm>>) target(%arg32 : memref<64x128xf32, #tpu.memory_space<vmem>>) offsets(%arg22 : memref<64xi32, #tpu.memory_space<vmem>>) semaphore(%arg45 : memref<!tpu.dma_semaphore, #tpu.memory_space<semaphore_mem>>)
    %dma_start3A_199 = arith.constant 0 : i32
    %dma_start3A_200 = arith.constant 0 : i32
    %dma_start3A_201 = tpu.memref_slice %arg10[%dma_start3A_199, %dma_start3A_200] : memref<100000x128xf32, #tpu.memory_space<hbm>> -> memref<100000x128xf32, #tpu.memory_space<hbm>>
    tpu.enqueue_indirect_dma source(%dma_start3A_201 : memref<100000x128xf32, #tpu.memory_space<hbm>>) target(%arg33 : memref<64x128xf32, #tpu.memory_space<vmem>>) offsets(%arg23 : memref<64xi32, #tpu.memory_space<vmem>>) semaphore(%arg45 : memref<!tpu.dma_semaphore, #tpu.memory_space<semaphore_mem>>)
    %dma_start3A_202 = arith.constant 0 : i32
    %dma_start3A_203 = arith.constant 0 : i32
    %dma_start3A_204 = tpu.memref_slice %arg10[%dma_start3A_202, %dma_start3A_203] : memref<100000x128xf32, #tpu.memory_space<hbm>> -> memref<100000x128xf32, #tpu.memory_space<hbm>>
    tpu.enqueue_indirect_dma source(%dma_start3A_204 : memref<100000x128xf32, #tpu.memory_space<hbm>>) target(%arg34 : memref<64x128xf32, #tpu.memory_space<vmem>>) offsets(%arg24 : memref<64xi32, #tpu.memory_space<vmem>>) semaphore(%arg45 : memref<!tpu.dma_semaphore, #tpu.memory_space<semaphore_mem>>)
    %dma_start3A_205 = arith.constant 0 : i32
    %dma_start3A_206 = arith.constant 0 : i32
    %dma_start3A_207 = tpu.memref_slice %arg10[%dma_start3A_205, %dma_start3A_206] : memref<100000x128xf32, #tpu.memory_space<hbm>> -> memref<100000x128xf32, #tpu.memory_space<hbm>>
    tpu.enqueue_indirect_dma source(%dma_start3A_207 : memref<100000x128xf32, #tpu.memory_space<hbm>>) target(%arg35 : memref<64x128xf32, #tpu.memory_space<vmem>>) offsets(%arg26 : memref<64xi32, #tpu.memory_space<vmem>>) semaphore(%arg45 : memref<!tpu.dma_semaphore, #tpu.memory_space<semaphore_mem>>)
    %dma_start3A_208 = arith.constant 0 : i32
    %dma_start3A_209 = arith.constant 0 : i32
    %dma_start3A_210 = tpu.memref_slice %arg11[%dma_start3A_208, %dma_start3A_209] : memref<50000x128xf32, #tpu.memory_space<hbm>> -> memref<50000x128xf32, #tpu.memory_space<hbm>>
    tpu.enqueue_indirect_dma source(%dma_start3A_210 : memref<50000x128xf32, #tpu.memory_space<hbm>>) target(%arg36 : memref<64x128xf32, #tpu.memory_space<vmem>>) offsets(%arg27 : memref<64xi32, #tpu.memory_space<vmem>>) semaphore(%arg45 : memref<!tpu.dma_semaphore, #tpu.memory_space<semaphore_mem>>)
    %dma_start3A_211 = arith.constant 0 : i32
    %dma_start3A_212 = arith.constant 0 : i32
    %dma_start3A_213 = tpu.memref_slice %arg11[%dma_start3A_211, %dma_start3A_212] : memref<50000x128xf32, #tpu.memory_space<hbm>> -> memref<50000x128xf32, #tpu.memory_space<hbm>>
    tpu.enqueue_indirect_dma source(%dma_start3A_213 : memref<50000x128xf32, #tpu.memory_space<hbm>>) target(%arg37 : memref<64x128xf32, #tpu.memory_space<vmem>>) offsets(%arg28 : memref<64xi32, #tpu.memory_space<vmem>>) semaphore(%arg45 : memref<!tpu.dma_semaphore, #tpu.memory_space<semaphore_mem>>)
    %dma_start3A_214 = arith.constant 0 : i32
    %dma_start3A_215 = arith.constant 0 : i32
    %dma_start3A_216 = tpu.memref_slice %arg12[%dma_start3A_214, %dma_start3A_215] : memref<500x128xf32, #tpu.memory_space<hbm>> -> memref<500x128xf32, #tpu.memory_space<hbm>>
    tpu.enqueue_indirect_dma source(%dma_start3A_216 : memref<500x128xf32, #tpu.memory_space<hbm>>) target(%arg38 : memref<64x128xf32, #tpu.memory_space<vmem>>) offsets(%arg25 : memref<64xi32, #tpu.memory_space<vmem>>) semaphore(%arg45 : memref<!tpu.dma_semaphore, #tpu.memory_space<semaphore_mem>>)
    %dma_start3A_217 = arith.constant 0 : i32
    %dma_start3A_218 = arith.constant 0 : i32
    %dma_start3A_219 = tpu.memref_slice %arg13[%dma_start3A_217, %dma_start3A_218] : memref<500x128xf32, #tpu.memory_space<hbm>> -> memref<500x128xf32, #tpu.memory_space<hbm>>
    tpu.enqueue_indirect_dma source(%dma_start3A_219 : memref<500x128xf32, #tpu.memory_space<hbm>>) target(%arg39 : memref<64x128xf32, #tpu.memory_space<vmem>>) offsets(%arg25 : memref<64xi32, #tpu.memory_space<vmem>>) semaphore(%arg45 : memref<!tpu.dma_semaphore, #tpu.memory_space<semaphore_mem>>)
    %dma_wait3A_220 = arith.constant 0 : i32
    %dma_wait3A_221 = arith.constant 0 : i32
    %dma_wait3A_222 = tpu.memref_slice %arg10[%dma_wait3A_220, %dma_wait3A_221] : memref<100000x128xf32, #tpu.memory_space<hbm>> -> memref<100000x128xf32, #tpu.memory_space<hbm>>
    tpu.wait_indirect_dma semaphore(%arg45 : memref<!tpu.dma_semaphore, #tpu.memory_space<semaphore_mem>>) src(%dma_wait3A_222 : memref<100000x128xf32, #tpu.memory_space<hbm>>) dst(%arg29 : memref<64x128xf32, #tpu.memory_space<vmem>>)
    %dma_wait3A_223 = arith.constant 0 : i32
    %dma_wait3A_224 = arith.constant 0 : i32
    %dma_wait3A_225 = tpu.memref_slice %arg10[%dma_wait3A_223, %dma_wait3A_224] : memref<100000x128xf32, #tpu.memory_space<hbm>> -> memref<100000x128xf32, #tpu.memory_space<hbm>>
    tpu.wait_indirect_dma semaphore(%arg45 : memref<!tpu.dma_semaphore, #tpu.memory_space<semaphore_mem>>) src(%dma_wait3A_225 : memref<100000x128xf32, #tpu.memory_space<hbm>>) dst(%arg30 : memref<64x128xf32, #tpu.memory_space<vmem>>)
    %dma_wait3A_226 = arith.constant 0 : i32
    %dma_wait3A_227 = arith.constant 0 : i32
    %dma_wait3A_228 = tpu.memref_slice %arg10[%dma_wait3A_226, %dma_wait3A_227] : memref<100000x128xf32, #tpu.memory_space<hbm>> -> memref<100000x128xf32, #tpu.memory_space<hbm>>
    tpu.wait_indirect_dma semaphore(%arg45 : memref<!tpu.dma_semaphore, #tpu.memory_space<semaphore_mem>>) src(%dma_wait3A_228 : memref<100000x128xf32, #tpu.memory_space<hbm>>) dst(%arg31 : memref<64x128xf32, #tpu.memory_space<vmem>>)
    %dma_wait3A_229 = arith.constant 0 : i32
    %dma_wait3A_230 = arith.constant 0 : i32
    %dma_wait3A_231 = tpu.memref_slice %arg10[%dma_wait3A_229, %dma_wait3A_230] : memref<100000x128xf32, #tpu.memory_space<hbm>> -> memref<100000x128xf32, #tpu.memory_space<hbm>>
    tpu.wait_indirect_dma semaphore(%arg45 : memref<!tpu.dma_semaphore, #tpu.memory_space<semaphore_mem>>) src(%dma_wait3A_231 : memref<100000x128xf32, #tpu.memory_space<hbm>>) dst(%arg32 : memref<64x128xf32, #tpu.memory_space<vmem>>)
    %dma_wait3A_232 = arith.constant 0 : i32
    %dma_wait3A_233 = arith.constant 0 : i32
    %dma_wait3A_234 = tpu.memref_slice %arg10[%dma_wait3A_232, %dma_wait3A_233] : memref<100000x128xf32, #tpu.memory_space<hbm>> -> memref<100000x128xf32, #tpu.memory_space<hbm>>
    tpu.wait_indirect_dma semaphore(%arg45 : memref<!tpu.dma_semaphore, #tpu.memory_space<semaphore_mem>>) src(%dma_wait3A_234 : memref<100000x128xf32, #tpu.memory_space<hbm>>) dst(%arg33 : memref<64x128xf32, #tpu.memory_space<vmem>>)
    %dma_wait3A_235 = arith.constant 0 : i32
    %dma_wait3A_236 = arith.constant 0 : i32
    %dma_wait3A_237 = tpu.memref_slice %arg10[%dma_wait3A_235, %dma_wait3A_236] : memref<100000x128xf32, #tpu.memory_space<hbm>> -> memref<100000x128xf32, #tpu.memory_space<hbm>>
    tpu.wait_indirect_dma semaphore(%arg45 : memref<!tpu.dma_semaphore, #tpu.memory_space<semaphore_mem>>) src(%dma_wait3A_237 : memref<100000x128xf32, #tpu.memory_space<hbm>>) dst(%arg34 : memref<64x128xf32, #tpu.memory_space<vmem>>)
    %dma_wait3A_238 = arith.constant 0 : i32
    %dma_wait3A_239 = arith.constant 0 : i32
    %dma_wait3A_240 = tpu.memref_slice %arg10[%dma_wait3A_238, %dma_wait3A_239] : memref<100000x128xf32, #tpu.memory_space<hbm>> -> memref<100000x128xf32, #tpu.memory_space<hbm>>
    tpu.wait_indirect_dma semaphore(%arg45 : memref<!tpu.dma_semaphore, #tpu.memory_space<semaphore_mem>>) src(%dma_wait3A_240 : memref<100000x128xf32, #tpu.memory_space<hbm>>) dst(%arg35 : memref<64x128xf32, #tpu.memory_space<vmem>>)
    %dma_wait3A_241 = arith.constant 0 : i32
    %dma_wait3A_242 = arith.constant 0 : i32
    %dma_wait3A_243 = tpu.memref_slice %arg11[%dma_wait3A_241, %dma_wait3A_242] : memref<50000x128xf32, #tpu.memory_space<hbm>> -> memref<50000x128xf32, #tpu.memory_space<hbm>>
    tpu.wait_indirect_dma semaphore(%arg45 : memref<!tpu.dma_semaphore, #tpu.memory_space<semaphore_mem>>) src(%dma_wait3A_243 : memref<50000x128xf32, #tpu.memory_space<hbm>>) dst(%arg36 : memref<64x128xf32, #tpu.memory_space<vmem>>)
    %dma_wait3A_244 = arith.constant 0 : i32
    %dma_wait3A_245 = arith.constant 0 : i32
    %dma_wait3A_246 = tpu.memref_slice %arg11[%dma_wait3A_244, %dma_wait3A_245] : memref<50000x128xf32, #tpu.memory_space<hbm>> -> memref<50000x128xf32, #tpu.memory_space<hbm>>
    tpu.wait_indirect_dma semaphore(%arg45 : memref<!tpu.dma_semaphore, #tpu.memory_space<semaphore_mem>>) src(%dma_wait3A_246 : memref<50000x128xf32, #tpu.memory_space<hbm>>) dst(%arg37 : memref<64x128xf32, #tpu.memory_space<vmem>>)
    %dma_wait3A_247 = arith.constant 0 : i32
    %dma_wait3A_248 = arith.constant 0 : i32
    %dma_wait3A_249 = tpu.memref_slice %arg12[%dma_wait3A_247, %dma_wait3A_248] : memref<500x128xf32, #tpu.memory_space<hbm>> -> memref<500x128xf32, #tpu.memory_space<hbm>>
    tpu.wait_indirect_dma semaphore(%arg45 : memref<!tpu.dma_semaphore, #tpu.memory_space<semaphore_mem>>) src(%dma_wait3A_249 : memref<500x128xf32, #tpu.memory_space<hbm>>) dst(%arg38 : memref<64x128xf32, #tpu.memory_space<vmem>>)
    %dma_wait3A_250 = arith.constant 0 : i32
    %dma_wait3A_251 = arith.constant 0 : i32
    %dma_wait3A_252 = tpu.memref_slice %arg13[%dma_wait3A_250, %dma_wait3A_251] : memref<500x128xf32, #tpu.memory_space<hbm>> -> memref<500x128xf32, #tpu.memory_space<hbm>>
    tpu.wait_indirect_dma semaphore(%arg45 : memref<!tpu.dma_semaphore, #tpu.memory_space<semaphore_mem>>) src(%dma_wait3A_252 : memref<500x128xf32, #tpu.memory_space<hbm>>) dst(%arg39 : memref<64x128xf32, #tpu.memory_space<vmem>>)
    %scan3A_253 = arith.constant 0 : i32
    %scan3A_254 = arith.constant 0 : i32
    %scan3A_255 = arith.constant 64 : i32
    %scan3A_256 = arith.addi %scan3A_254, %scan3A_255 : i32
    %scan3A_257 = arith.constant 1 : i32
    scf.for %scan3A_259 = %scan3A_254 to %scan3A_256 step %scan3A_257  : i32 {
      %broadcast_in_dim3A = arith.constant 0.000000e+00 : f32
      %broadcast_in_dim3A_260 = vector.broadcast %broadcast_in_dim3A : f32 to vector<16xf32>
      %and3A = arith.constant -16 : i32
      %and3A_261 = arith.andi %scan3A_259, %and3A : i32
      %and3A_262 = arith.constant 15 : i32
      %and3A_263 = arith.andi %scan3A_259, %and3A_262 : i32
      %iota3A = tpu.iota {dimensions = array<i32: 0>} : vector<16xi32>
      %eq3A = vector.broadcast %and3A_263 : i32 to vector<16xi32>
      %eq3A_264 = arith.cmpi eq, %iota3A, %eq3A : vector<16xi32>
      %broadcast_in_dim3A_265 = arith.constant 0 : i32
      %broadcast_in_dim3A_266 = vector.broadcast %broadcast_in_dim3A_265 : i32 to vector<16xi32>
      %get3A_267 = arith.index_cast %and3A_261 : i32 to index
      %get3A_268 = tpu.vector_load %arg24[%get3A_267] {strides = array<i32>} : memref<64xi32, #tpu.memory_space<vmem>>, vector<16xi32>,
      %select_n3A = arith.select %eq3A_264, %get3A_268, %broadcast_in_dim3A_266 : vector<16xi1>, vector<16xi32>
      %reduce_sum3A = arith.constant true
      %reduce_sum3A_269 = vector.broadcast %reduce_sum3A : i1 to vector<16xi1>
      %reduce_sum3A_270 = tpu.scan <sum>, %select_n3A masked %reduce_sum3A_269 : vector<16xi32>, vector<16xi1> -> vector<16xi32>
      %reduce_sum3A_271 = vector.extract %reduce_sum3A_270[15] : i32 from vector<16xi32>
      %get3A_272 = arith.index_cast %and3A_261 : i32 to index
      %get3A_273 = tpu.vector_load %arg26[%get3A_272] {strides = array<i32>} : memref<64xi32, #tpu.memory_space<vmem>>, vector<16xi32>,
      %select_n3A_274 = arith.select %eq3A_264, %get3A_273, %broadcast_in_dim3A_266 : vector<16xi1>, vector<16xi32>
      %reduce_sum3A_275 = arith.constant true
      %reduce_sum3A_276 = vector.broadcast %reduce_sum3A_275 : i1 to vector<16xi1>
      %reduce_sum3A_277 = tpu.scan <sum>, %select_n3A_274 masked %reduce_sum3A_276 : vector<16xi32>, vector<16xi1> -> vector<16xi32>
      %reduce_sum3A_278 = vector.extract %reduce_sum3A_277[15] : i32 from vector<16xi32>
      %and3A_279 = arith.constant 1 : i32
      %and3A_280 = arith.andi %reduce_sum3A_271, %and3A_279 : i32
      %broadcast_in_dim3A_281 = vector.broadcast %and3A_280 : i32 to vector<16xi32>
      %eq3A_282 = arith.constant 1 : i32
      %eq3A_283 = vector.broadcast %eq3A_282 : i32 to vector<16xi32>
      %eq3A_284 = arith.cmpi eq, %broadcast_in_dim3A_281, %eq3A_283 : vector<16xi32>
      %and3A_285 = arith.constant 1 : i32
      %and3A_286 = arith.andi %reduce_sum3A_278, %and3A_285 : i32
      %broadcast_in_dim3A_287 = vector.broadcast %and3A_286 : i32 to vector<16xi32>
      %eq3A_288 = arith.constant 1 : i32
      %eq3A_289 = vector.broadcast %eq3A_288 : i32 to vector<16xi32>
      %eq3A_290 = arith.cmpi eq, %broadcast_in_dim3A_287, %eq3A_289 : vector<16xi32>
      %get3A_291 = arith.index_cast %scan3A_259 : i32 to index
      %get3A_292 = arith.constant 0 : index
      %get3A_293 = tpu.vector_load %arg29[%get3A_291, %get3A_292] {strides = array<i32>} : memref<64x128xf32, #tpu.memory_space<vmem>>, vector<16xf32>,
      %get3A_294 = arith.index_cast %scan3A_259 : i32 to index
      %get3A_295 = arith.constant 64 : index
      %get3A_296 = tpu.vector_load %arg29[%get3A_294, %get3A_295] {strides = array<i32>} : memref<64x128xf32, #tpu.memory_space<vmem>>, vector<16xf32>,
      %abs3A = math.absf %get3A_296 : vector<16xf32>
      %get3A_297 = arith.index_cast %scan3A_259 : i32 to index
      %get3A_298 = arith.constant 0 : index
      %get3A_299 = tpu.vector_load %arg30[%get3A_297, %get3A_298] {strides = array<i32>} : memref<64x128xf32, #tpu.memory_space<vmem>>, vector<16xf32>,
      %get3A_300 = arith.index_cast %scan3A_259 : i32 to index
      %get3A_301 = arith.constant 64 : index
      %get3A_302 = tpu.vector_load %arg30[%get3A_300, %get3A_301] {strides = array<i32>} : memref<64x128xf32, #tpu.memory_space<vmem>>, vector<16xf32>,
      %abs3A_303 = math.absf %get3A_302 : vector<16xf32>
      %sub3A = arith.subf %get3A_293, %get3A_299 : vector<16xf32>
      %abs3A_304 = math.absf %sub3A : vector<16xf32>
      %add3A_305 = arith.addf %abs3A_304, %abs3A : vector<16xf32>
      %sub3A_306 = arith.subf %add3A_305, %abs3A_303 : vector<16xf32>
      %sub3A_307 = arith.constant 1.000000e-01 : f32
      %sub3A_308 = vector.broadcast %sub3A_307 : f32 to vector<16xf32>
      %sub3A_309 = arith.subf %sub3A_306, %sub3A_308 : vector<16xf32>
      %max3A = arith.constant 0.000000e+00 : f32
      %max3A_310 = vector.broadcast %max3A : f32 to vector<16xf32>
      %max3A_311 = arith.maximumf %sub3A_309, %max3A_310 : vector<16xf32>
      %mul3A_312 = arith.mulf %max3A_311, %max3A_311 : vector<16xf32>
      %add3A_313 = arith.addf %broadcast_in_dim3A_260, %mul3A_312 : vector<16xf32>
      %get3A_314 = arith.index_cast %scan3A_259 : i32 to index
      %get3A_315 = arith.constant 0 : index
      %get3A_316 = tpu.vector_load %arg31[%get3A_314, %get3A_315] {strides = array<i32>} : memref<64x128xf32, #tpu.memory_space<vmem>>, vector<16xf32>,
      %get3A_317 = arith.index_cast %scan3A_259 : i32 to index
      %get3A_318 = arith.constant 64 : index
      %get3A_319 = tpu.vector_load %arg31[%get3A_317, %get3A_318] {strides = array<i32>} : memref<64x128xf32, #tpu.memory_space<vmem>>, vector<16xf32>,
      %abs3A_320 = math.absf %get3A_319 : vector<16xf32>
      %get3A_321 = arith.index_cast %scan3A_259 : i32 to index
      %get3A_322 = arith.constant 0 : index
      %get3A_323 = tpu.vector_load %arg32[%get3A_321, %get3A_322] {strides = array<i32>} : memref<64x128xf32, #tpu.memory_space<vmem>>, vector<16xf32>,
      %get3A_324 = arith.index_cast %scan3A_259 : i32 to index
      %get3A_325 = arith.constant 64 : index
      %get3A_326 = tpu.vector_load %arg32[%get3A_324, %get3A_325] {strides = array<i32>} : memref<64x128xf32, #tpu.memory_space<vmem>>, vector<16xf32>,
      %abs3A_327 = math.absf %get3A_326 : vector<16xf32>
      %get3A_328 = arith.index_cast %scan3A_259 : i32 to index
      %get3A_329 = arith.constant 0 : index
      %get3A_330 = tpu.vector_load %arg33[%get3A_328, %get3A_329] {strides = array<i32>} : memref<64x128xf32, #tpu.memory_space<vmem>>, vector<16xf32>,
      %get3A_331 = arith.index_cast %scan3A_259 : i32 to index
      %get3A_332 = arith.constant 64 : index
      %get3A_333 = tpu.vector_load %arg33[%get3A_331, %get3A_332] {strides = array<i32>} : memref<64x128xf32, #tpu.memory_space<vmem>>, vector<16xf32>,
      %abs3A_334 = math.absf %get3A_333 : vector<16xf32>
      %sub3A_335 = arith.subf %get3A_316, %abs3A_320 : vector<16xf32>
      %sub3A_336 = arith.subf %get3A_323, %abs3A_327 : vector<16xf32>
      %max3A_337 = arith.maximumf %sub3A_335, %sub3A_336 : vector<16xf32>
      %add3A_338 = arith.addf %get3A_316, %abs3A_320 : vector<16xf32>
      %add3A_339 = arith.addf %get3A_323, %abs3A_327 : vector<16xf32>
      %min3A = arith.minimumf %add3A_338, %add3A_339 : vector<16xf32>
      %add3A_340 = arith.addf %max3A_337, %min3A : vector<16xf32>
      %mul3A_341 = arith.constant 5.000000e-01 : f32
      %mul3A_342 = vector.broadcast %mul3A_341 : f32 to vector<16xf32>
      %mul3A_343 = arith.mulf %add3A_340, %mul3A_342 : vector<16xf32>
      %sub3A_344 = arith.subf %min3A, %max3A_337 : vector<16xf32>
      %abs3A_345 = math.absf %sub3A_344 : vector<16xf32>
      %mul3A_346 = arith.constant 5.000000e-01 : f32
      %mul3A_347 = vector.broadcast %mul3A_346 : f32 to vector<16xf32>
      %mul3A_348 = arith.mulf %abs3A_345, %mul3A_347 : vector<16xf32>
      %sub3A_349 = arith.subf %mul3A_343, %get3A_330 : vector<16xf32>
      %abs3A_350 = math.absf %sub3A_349 : vector<16xf32>
      %add3A_351 = arith.addf %abs3A_350, %mul3A_348 : vector<16xf32>
      %sub3A_352 = arith.subf %add3A_351, %abs3A_334 : vector<16xf32>
      %sub3A_353 = arith.constant 1.000000e-01 : f32
      %sub3A_354 = vector.broadcast %sub3A_353 : f32 to vector<16xf32>
      %sub3A_355 = arith.subf %sub3A_352, %sub3A_354 : vector<16xf32>
      %max3A_356 = arith.constant 0.000000e+00 : f32
      %max3A_357 = vector.broadcast %max3A_356 : f32 to vector<16xf32>
      %max3A_358 = arith.maximumf %sub3A_355, %max3A_357 : vector<16xf32>
      %mul3A_359 = arith.mulf %max3A_358, %max3A_358 : vector<16xf32>
      %add3A_360 = arith.addf %broadcast_in_dim3A_260, %mul3A_359 : vector<16xf32>
      %sub3A_361 = arith.subf %max3A_337, %min3A : vector<16xf32>
      %max3A_362 = arith.constant 0.000000e+00 : f32
      %max3A_363 = vector.broadcast %max3A_362 : f32 to vector<16xf32>
      %max3A_364 = arith.maximumf %sub3A_361, %max3A_363 : vector<16xf32>
      %mul3A_365 = arith.mulf %max3A_364, %max3A_364 : vector<16xf32>
      %add3A_366 = arith.addf %broadcast_in_dim3A_260, %mul3A_365 : vector<16xf32>
      %get3A_367 = arith.index_cast %scan3A_259 : i32 to index
      %get3A_368 = arith.constant 0 : index
      %get3A_369 = tpu.vector_load %arg34[%get3A_367, %get3A_368] {strides = array<i32>} : memref<64x128xf32, #tpu.memory_space<vmem>>, vector<16xf32>,
      %get3A_370 = arith.index_cast %scan3A_259 : i32 to index
      %get3A_371 = arith.constant 64 : index
      %get3A_372 = tpu.vector_load %arg34[%get3A_370, %get3A_371] {strides = array<i32>} : memref<64x128xf32, #tpu.memory_space<vmem>>, vector<16xf32>,
      %abs3A_373 = math.absf %get3A_372 : vector<16xf32>
      %get3A_374 = arith.index_cast %scan3A_259 : i32 to index
      %get3A_375 = arith.constant 0 : index
      %get3A_376 = tpu.vector_load %arg35[%get3A_374, %get3A_375] {strides = array<i32>} : memref<64x128xf32, #tpu.memory_space<vmem>>, vector<16xf32>,
      %get3A_377 = arith.index_cast %scan3A_259 : i32 to index
      %get3A_378 = arith.constant 64 : index
      %get3A_379 = tpu.vector_load %arg35[%get3A_377, %get3A_378] {strides = array<i32>} : memref<64x128xf32, #tpu.memory_space<vmem>>, vector<16xf32>,
      %abs3A_380 = math.absf %get3A_379 : vector<16xf32>
      %get3A_381 = arith.index_cast %scan3A_259 : i32 to index
      %get3A_382 = arith.constant 0 : index
      %get3A_383 = tpu.vector_load %arg38[%get3A_381, %get3A_382] {strides = array<i32>} : memref<64x128xf32, #tpu.memory_space<vmem>>, vector<16xf32>,
      %get3A_384 = arith.index_cast %scan3A_259 : i32 to index
      %get3A_385 = arith.constant 64 : index
      %get3A_386 = tpu.vector_load %arg38[%get3A_384, %get3A_385] {strides = array<i32>} : memref<64x128xf32, #tpu.memory_space<vmem>>, vector<16xf32>,
      %abs3A_387 = math.absf %get3A_386 : vector<16xf32>
      %get3A_388 = arith.index_cast %scan3A_259 : i32 to index
      %get3A_389 = arith.constant 0 : index
      %get3A_390 = tpu.vector_load %arg39[%get3A_388, %get3A_389] {strides = array<i32>} : memref<64x128xf32, #tpu.memory_space<vmem>>, vector<16xf32>,
      %get3A_391 = arith.index_cast %scan3A_259 : i32 to index
      %get3A_392 = arith.constant 64 : index
      %get3A_393 = tpu.vector_load %arg39[%get3A_391, %get3A_392] {strides = array<i32>} : memref<64x128xf32, #tpu.memory_space<vmem>>, vector<16xf32>,
      %abs3A_394 = math.absf %get3A_393 : vector<16xf32>
      %get3A_395 = arith.index_cast %scan3A_259 : i32 to index
      %get3A_396 = arith.constant 64 : index
      %get3A_397 = tpu.vector_load %arg36[%get3A_395, %get3A_396] {strides = array<i32>} : memref<64x128xf32, #tpu.memory_space<vmem>>, vector<16xf32>,
      %get3A_398 = arith.index_cast %scan3A_259 : i32 to index
      %get3A_399 = arith.constant 0 : index
      %get3A_400 = tpu.vector_load %arg36[%get3A_398, %get3A_399] {strides = array<i32>} : memref<64x128xf32, #tpu.memory_space<vmem>>, vector<16xf32>,
      %select_n3A_401 = arith.select %eq3A_284, %get3A_397, %get3A_400 : vector<16xi1>, vector<16xf32>
      %get3A_402 = arith.index_cast %scan3A_259 : i32 to index
      %get3A_403 = arith.constant 64 : index
      %get3A_404 = tpu.vector_load %arg37[%get3A_402, %get3A_403] {strides = array<i32>} : memref<64x128xf32, #tpu.memory_space<vmem>>, vector<16xf32>,
      %get3A_405 = arith.index_cast %scan3A_259 : i32 to index
      %get3A_406 = arith.constant 0 : index
      %get3A_407 = tpu.vector_load %arg37[%get3A_405, %get3A_406] {strides = array<i32>} : memref<64x128xf32, #tpu.memory_space<vmem>>, vector<16xf32>,
      %select_n3A_408 = arith.select %eq3A_290, %get3A_404, %get3A_407 : vector<16xi1>, vector<16xf32>
      %add3A_409 = arith.addf %get3A_369, %select_n3A_408 : vector<16xf32>
      %sub3A_410 = arith.subf %add3A_409, %get3A_383 : vector<16xf32>
      %abs3A_411 = math.absf %sub3A_410 : vector<16xf32>
      %add3A_412 = arith.addf %abs3A_411, %abs3A_373 : vector<16xf32>
      %sub3A_413 = arith.subf %add3A_412, %abs3A_387 : vector<16xf32>
      %sub3A_414 = arith.constant 1.000000e-01 : f32
      %sub3A_415 = vector.broadcast %sub3A_414 : f32 to vector<16xf32>
      %sub3A_416 = arith.subf %sub3A_413, %sub3A_415 : vector<16xf32>
      %max3A_417 = arith.constant 0.000000e+00 : f32
      %max3A_418 = vector.broadcast %max3A_417 : f32 to vector<16xf32>
      %max3A_419 = arith.maximumf %sub3A_416, %max3A_418 : vector<16xf32>
      %mul3A_420 = arith.mulf %max3A_419, %max3A_419 : vector<16xf32>
      %add3A_421 = arith.addf %broadcast_in_dim3A_260, %mul3A_420 : vector<16xf32>
      %add3A_422 = arith.addf %get3A_376, %select_n3A_401 : vector<16xf32>
      %sub3A_423 = arith.subf %add3A_422, %get3A_390 : vector<16xf32>
      %abs3A_424 = math.absf %sub3A_423 : vector<16xf32>
      %add3A_425 = arith.addf %abs3A_424, %abs3A_380 : vector<16xf32>
      %sub3A_426 = arith.subf %add3A_425, %abs3A_394 : vector<16xf32>
      %sub3A_427 = arith.constant 1.000000e-01 : f32
      %sub3A_428 = vector.broadcast %sub3A_427 : f32 to vector<16xf32>
      %sub3A_429 = arith.subf %sub3A_426, %sub3A_428 : vector<16xf32>
      %max3A_430 = arith.constant 0.000000e+00 : f32
      %max3A_431 = vector.broadcast %max3A_430 : f32 to vector<16xf32>
      %max3A_432 = arith.maximumf %sub3A_429, %max3A_431 : vector<16xf32>
      %mul3A_433 = arith.mulf %max3A_432, %max3A_432 : vector<16xf32>
      %add3A_434 = arith.addf %broadcast_in_dim3A_260, %mul3A_433 : vector<16xf32>
      %get3A_435 = arith.index_cast %scan3A_259 : i32 to index
      %get3A_436 = arith.constant 16 : index
      %get3A_437 = tpu.vector_load %arg29[%get3A_435, %get3A_436] {strides = array<i32>} : memref<64x128xf32, #tpu.memory_space<vmem>>, vector<16xf32>,
      %get3A_438 = arith.index_cast %scan3A_259 : i32 to index
      %get3A_439 = arith.constant 80 : index
      %get3A_440 = tpu.vector_load %arg29[%get3A_438, %get3A_439] {strides = array<i32>} : memref<64x128xf32, #tpu.memory_space<vmem>>, vector<16xf32>,
      %abs3A_441 = math.absf %get3A_440 : vector<16xf32>
      %get3A_442 = arith.index_cast %scan3A_259 : i32 to index
      %get3A_443 = arith.constant 16 : index
      %get3A_444 = tpu.vector_load %arg30[%get3A_442, %get3A_443] {strides = array<i32>} : memref<64x128xf32, #tpu.memory_space<vmem>>, vector<16xf32>,
      %get3A_445 = arith.index_cast %scan3A_259 : i32 to index
      %get3A_446 = arith.constant 80 : index
      %get3A_447 = tpu.vector_load %arg30[%get3A_445, %get3A_446] {strides = array<i32>} : memref<64x128xf32, #tpu.memory_space<vmem>>, vector<16xf32>,
      %abs3A_448 = math.absf %get3A_447 : vector<16xf32>
      %sub3A_449 = arith.subf %get3A_437, %get3A_444 : vector<16xf32>
      %abs3A_450 = math.absf %sub3A_449 : vector<16xf32>
      %add3A_451 = arith.addf %abs3A_450, %abs3A_441 : vector<16xf32>
      %sub3A_452 = arith.subf %add3A_451, %abs3A_448 : vector<16xf32>
      %sub3A_453 = arith.constant 1.000000e-01 : f32
      %sub3A_454 = vector.broadcast %sub3A_453 : f32 to vector<16xf32>
      %sub3A_455 = arith.subf %sub3A_452, %sub3A_454 : vector<16xf32>
      %max3A_456 = arith.constant 0.000000e+00 : f32
      %max3A_457 = vector.broadcast %max3A_456 : f32 to vector<16xf32>
      %max3A_458 = arith.maximumf %sub3A_455, %max3A_457 : vector<16xf32>
      %mul3A_459 = arith.mulf %max3A_458, %max3A_458 : vector<16xf32>
      %add3A_460 = arith.addf %add3A_313, %mul3A_459 : vector<16xf32>
      %get3A_461 = arith.index_cast %scan3A_259 : i32 to index
      %get3A_462 = arith.constant 16 : index
      %get3A_463 = tpu.vector_load %arg31[%get3A_461, %get3A_462] {strides = array<i32>} : memref<64x128xf32, #tpu.memory_space<vmem>>, vector<16xf32>,
      %get3A_464 = arith.index_cast %scan3A_259 : i32 to index
      %get3A_465 = arith.constant 80 : index
      %get3A_466 = tpu.vector_load %arg31[%get3A_464, %get3A_465] {strides = array<i32>} : memref<64x128xf32, #tpu.memory_space<vmem>>, vector<16xf32>,
      %abs3A_467 = math.absf %get3A_466 : vector<16xf32>
      %get3A_468 = arith.index_cast %scan3A_259 : i32 to index
      %get3A_469 = arith.constant 16 : index
      %get3A_470 = tpu.vector_load %arg32[%get3A_468, %get3A_469] {strides = array<i32>} : memref<64x128xf32, #tpu.memory_space<vmem>>, vector<16xf32>,
      %get3A_471 = arith.index_cast %scan3A_259 : i32 to index
      %get3A_472 = arith.constant 80 : index
      %get3A_473 = tpu.vector_load %arg32[%get3A_471, %get3A_472] {strides = array<i32>} : memref<64x128xf32, #tpu.memory_space<vmem>>, vector<16xf32>,
      %abs3A_474 = math.absf %get3A_473 : vector<16xf32>
      %get3A_475 = arith.index_cast %scan3A_259 : i32 to index
      %get3A_476 = arith.constant 16 : index
      %get3A_477 = tpu.vector_load %arg33[%get3A_475, %get3A_476] {strides = array<i32>} : memref<64x128xf32, #tpu.memory_space<vmem>>, vector<16xf32>,
      %get3A_478 = arith.index_cast %scan3A_259 : i32 to index
      %get3A_479 = arith.constant 80 : index
      %get3A_480 = tpu.vector_load %arg33[%get3A_478, %get3A_479] {strides = array<i32>} : memref<64x128xf32, #tpu.memory_space<vmem>>, vector<16xf32>,
      %abs3A_481 = math.absf %get3A_480 : vector<16xf32>
      %sub3A_482 = arith.subf %get3A_463, %abs3A_467 : vector<16xf32>
      %sub3A_483 = arith.subf %get3A_470, %abs3A_474 : vector<16xf32>
      %max3A_484 = arith.maximumf %sub3A_482, %sub3A_483 : vector<16xf32>
      %add3A_485 = arith.addf %get3A_463, %abs3A_467 : vector<16xf32>
      %add3A_486 = arith.addf %get3A_470, %abs3A_474 : vector<16xf32>
      %min3A_487 = arith.minimumf %add3A_485, %add3A_486 : vector<16xf32>
      %add3A_488 = arith.addf %max3A_484, %min3A_487 : vector<16xf32>
      %mul3A_489 = arith.constant 5.000000e-01 : f32
      %mul3A_490 = vector.broadcast %mul3A_489 : f32 to vector<16xf32>
      %mul3A_491 = arith.mulf %add3A_488, %mul3A_490 : vector<16xf32>
      %sub3A_492 = arith.subf %min3A_487, %max3A_484 : vector<16xf32>
      %abs3A_493 = math.absf %sub3A_492 : vector<16xf32>
      %mul3A_494 = arith.constant 5.000000e-01 : f32
      %mul3A_495 = vector.broadcast %mul3A_494 : f32 to vector<16xf32>
      %mul3A_496 = arith.mulf %abs3A_493, %mul3A_495 : vector<16xf32>
      %sub3A_497 = arith.subf %mul3A_491, %get3A_477 : vector<16xf32>
      %abs3A_498 = math.absf %sub3A_497 : vector<16xf32>
      %add3A_499 = arith.addf %abs3A_498, %mul3A_496 : vector<16xf32>
      %sub3A_500 = arith.subf %add3A_499, %abs3A_481 : vector<16xf32>
      %sub3A_501 = arith.constant 1.000000e-01 : f32
      %sub3A_502 = vector.broadcast %sub3A_501 : f32 to vector<16xf32>
      %sub3A_503 = arith.subf %sub3A_500, %sub3A_502 : vector<16xf32>
      %max3A_504 = arith.constant 0.000000e+00 : f32
      %max3A_505 = vector.broadcast %max3A_504 : f32 to vector<16xf32>
      %max3A_506 = arith.maximumf %sub3A_503, %max3A_505 : vector<16xf32>
      %mul3A_507 = arith.mulf %max3A_506, %max3A_506 : vector<16xf32>
      %add3A_508 = arith.addf %add3A_360, %mul3A_507 : vector<16xf32>
      %sub3A_509 = arith.subf %max3A_484, %min3A_487 : vector<16xf32>
      %max3A_510 = arith.constant 0.000000e+00 : f32
      %max3A_511 = vector.broadcast %max3A_510 : f32 to vector<16xf32>
      %max3A_512 = arith.maximumf %sub3A_509, %max3A_511 : vector<16xf32>
      %mul3A_513 = arith.mulf %max3A_512, %max3A_512 : vector<16xf32>
      %add3A_514 = arith.addf %add3A_366, %mul3A_513 : vector<16xf32>
      %get3A_515 = arith.index_cast %scan3A_259 : i32 to index
      %get3A_516 = arith.constant 16 : index
      %get3A_517 = tpu.vector_load %arg34[%get3A_515, %get3A_516] {strides = array<i32>} : memref<64x128xf32, #tpu.memory_space<vmem>>, vector<16xf32>,
      %get3A_518 = arith.index_cast %scan3A_259 : i32 to index
      %get3A_519 = arith.constant 80 : index
      %get3A_520 = tpu.vector_load %arg34[%get3A_518, %get3A_519] {strides = array<i32>} : memref<64x128xf32, #tpu.memory_space<vmem>>, vector<16xf32>,
      %abs3A_521 = math.absf %get3A_520 : vector<16xf32>
      %get3A_522 = arith.index_cast %scan3A_259 : i32 to index
      %get3A_523 = arith.constant 16 : index
      %get3A_524 = tpu.vector_load %arg35[%get3A_522, %get3A_523] {strides = array<i32>} : memref<64x128xf32, #tpu.memory_space<vmem>>, vector<16xf32>,
      %get3A_525 = arith.index_cast %scan3A_259 : i32 to index
      %get3A_526 = arith.constant 80 : index
      %get3A_527 = tpu.vector_load %arg35[%get3A_525, %get3A_526] {strides = array<i32>} : memref<64x128xf32, #tpu.memory_space<vmem>>, vector<16xf32>,
      %abs3A_528 = math.absf %get3A_527 : vector<16xf32>
      %get3A_529 = arith.index_cast %scan3A_259 : i32 to index
      %get3A_530 = arith.constant 16 : index
      %get3A_531 = tpu.vector_load %arg38[%get3A_529, %get3A_530] {strides = array<i32>} : memref<64x128xf32, #tpu.memory_space<vmem>>, vector<16xf32>,
      %get3A_532 = arith.index_cast %scan3A_259 : i32 to index
      %get3A_533 = arith.constant 80 : index
      %get3A_534 = tpu.vector_load %arg38[%get3A_532, %get3A_533] {strides = array<i32>} : memref<64x128xf32, #tpu.memory_space<vmem>>, vector<16xf32>,
      %abs3A_535 = math.absf %get3A_534 : vector<16xf32>
      %get3A_536 = arith.index_cast %scan3A_259 : i32 to index
      %get3A_537 = arith.constant 16 : index
      %get3A_538 = tpu.vector_load %arg39[%get3A_536, %get3A_537] {strides = array<i32>} : memref<64x128xf32, #tpu.memory_space<vmem>>, vector<16xf32>,
      %get3A_539 = arith.index_cast %scan3A_259 : i32 to index
      %get3A_540 = arith.constant 80 : index
      %get3A_541 = tpu.vector_load %arg39[%get3A_539, %get3A_540] {strides = array<i32>} : memref<64x128xf32, #tpu.memory_space<vmem>>, vector<16xf32>,
      %abs3A_542 = math.absf %get3A_541 : vector<16xf32>
      %get3A_543 = arith.index_cast %scan3A_259 : i32 to index
      %get3A_544 = arith.constant 80 : index
      %get3A_545 = tpu.vector_load %arg36[%get3A_543, %get3A_544] {strides = array<i32>} : memref<64x128xf32, #tpu.memory_space<vmem>>, vector<16xf32>,
      %get3A_546 = arith.index_cast %scan3A_259 : i32 to index
      %get3A_547 = arith.constant 16 : index
      %get3A_548 = tpu.vector_load %arg36[%get3A_546, %get3A_547] {strides = array<i32>} : memref<64x128xf32, #tpu.memory_space<vmem>>, vector<16xf32>,
      %select_n3A_549 = arith.select %eq3A_284, %get3A_545, %get3A_548 : vector<16xi1>, vector<16xf32>
      %get3A_550 = arith.index_cast %scan3A_259 : i32 to index
      %get3A_551 = arith.constant 80 : index
      %get3A_552 = tpu.vector_load %arg37[%get3A_550, %get3A_551] {strides = array<i32>} : memref<64x128xf32, #tpu.memory_space<vmem>>, vector<16xf32>,
      %get3A_553 = arith.index_cast %scan3A_259 : i32 to index
      %get3A_554 = arith.constant 16 : index
      %get3A_555 = tpu.vector_load %arg37[%get3A_553, %get3A_554] {strides = array<i32>} : memref<64x128xf32, #tpu.memory_space<vmem>>, vector<16xf32>,
      %select_n3A_556 = arith.select %eq3A_290, %get3A_552, %get3A_555 : vector<16xi1>, vector<16xf32>
      %add3A_557 = arith.addf %get3A_517, %select_n3A_556 : vector<16xf32>
      %sub3A_558 = arith.subf %add3A_557, %get3A_531 : vector<16xf32>
      %abs3A_559 = math.absf %sub3A_558 : vector<16xf32>
      %add3A_560 = arith.addf %abs3A_559, %abs3A_521 : vector<16xf32>
      %sub3A_561 = arith.subf %add3A_560, %abs3A_535 : vector<16xf32>
      %sub3A_562 = arith.constant 1.000000e-01 : f32
      %sub3A_563 = vector.broadcast %sub3A_562 : f32 to vector<16xf32>
      %sub3A_564 = arith.subf %sub3A_561, %sub3A_563 : vector<16xf32>
      %max3A_565 = arith.constant 0.000000e+00 : f32
      %max3A_566 = vector.broadcast %max3A_565 : f32 to vector<16xf32>
      %max3A_567 = arith.maximumf %sub3A_564, %max3A_566 : vector<16xf32>
      %mul3A_568 = arith.mulf %max3A_567, %max3A_567 : vector<16xf32>
      %add3A_569 = arith.addf %add3A_421, %mul3A_568 : vector<16xf32>
      %add3A_570 = arith.addf %get3A_524, %select_n3A_549 : vector<16xf32>
      %sub3A_571 = arith.subf %add3A_570, %get3A_538 : vector<16xf32>
      %abs3A_572 = math.absf %sub3A_571 : vector<16xf32>
      %add3A_573 = arith.addf %abs3A_572, %abs3A_528 : vector<16xf32>
      %sub3A_574 = arith.subf %add3A_573, %abs3A_542 : vector<16xf32>
      %sub3A_575 = arith.constant 1.000000e-01 : f32
      %sub3A_576 = vector.broadcast %sub3A_575 : f32 to vector<16xf32>
      %sub3A_577 = arith.subf %sub3A_574, %sub3A_576 : vector<16xf32>
      %max3A_578 = arith.constant 0.000000e+00 : f32
      %max3A_579 = vector.broadcast %max3A_578 : f32 to vector<16xf32>
      %max3A_580 = arith.maximumf %sub3A_577, %max3A_579 : vector<16xf32>
      %mul3A_581 = arith.mulf %max3A_580, %max3A_580 : vector<16xf32>
      %add3A_582 = arith.addf %add3A_434, %mul3A_581 : vector<16xf32>
      %get3A_583 = arith.index_cast %scan3A_259 : i32 to index
      %get3A_584 = arith.constant 32 : index
      %get3A_585 = tpu.vector_load %arg29[%get3A_583, %get3A_584] {strides = array<i32>} : memref<64x128xf32, #tpu.memory_space<vmem>>, vector<16xf32>,
      %get3A_586 = arith.index_cast %scan3A_259 : i32 to index
      %get3A_587 = arith.constant 96 : index
      %get3A_588 = tpu.vector_load %arg29[%get3A_586, %get3A_587] {strides = array<i32>} : memref<64x128xf32, #tpu.memory_space<vmem>>, vector<16xf32>,
      %abs3A_589 = math.absf %get3A_588 : vector<16xf32>
      %get3A_590 = arith.index_cast %scan3A_259 : i32 to index
      %get3A_591 = arith.constant 32 : index
      %get3A_592 = tpu.vector_load %arg30[%get3A_590, %get3A_591] {strides = array<i32>} : memref<64x128xf32, #tpu.memory_space<vmem>>, vector<16xf32>,
      %get3A_593 = arith.index_cast %scan3A_259 : i32 to index
      %get3A_594 = arith.constant 96 : index
      %get3A_595 = tpu.vector_load %arg30[%get3A_593, %get3A_594] {strides = array<i32>} : memref<64x128xf32, #tpu.memory_space<vmem>>, vector<16xf32>,
      %abs3A_596 = math.absf %get3A_595 : vector<16xf32>
      %sub3A_597 = arith.subf %get3A_585, %get3A_592 : vector<16xf32>
      %abs3A_598 = math.absf %sub3A_597 : vector<16xf32>
      %add3A_599 = arith.addf %abs3A_598, %abs3A_589 : vector<16xf32>
      %sub3A_600 = arith.subf %add3A_599, %abs3A_596 : vector<16xf32>
      %sub3A_601 = arith.constant 1.000000e-01 : f32
      %sub3A_602 = vector.broadcast %sub3A_601 : f32 to vector<16xf32>
      %sub3A_603 = arith.subf %sub3A_600, %sub3A_602 : vector<16xf32>
      %max3A_604 = arith.constant 0.000000e+00 : f32
      %max3A_605 = vector.broadcast %max3A_604 : f32 to vector<16xf32>
      %max3A_606 = arith.maximumf %sub3A_603, %max3A_605 : vector<16xf32>
      %mul3A_607 = arith.mulf %max3A_606, %max3A_606 : vector<16xf32>
      %add3A_608 = arith.addf %add3A_460, %mul3A_607 : vector<16xf32>
      %get3A_609 = arith.index_cast %scan3A_259 : i32 to index
      %get3A_610 = arith.constant 32 : index
      %get3A_611 = tpu.vector_load %arg31[%get3A_609, %get3A_610] {strides = array<i32>} : memref<64x128xf32, #tpu.memory_space<vmem>>, vector<16xf32>,
      %get3A_612 = arith.index_cast %scan3A_259 : i32 to index
      %get3A_613 = arith.constant 96 : index
      %get3A_614 = tpu.vector_load %arg31[%get3A_612, %get3A_613] {strides = array<i32>} : memref<64x128xf32, #tpu.memory_space<vmem>>, vector<16xf32>,
      %abs3A_615 = math.absf %get3A_614 : vector<16xf32>
      %get3A_616 = arith.index_cast %scan3A_259 : i32 to index
      %get3A_617 = arith.constant 32 : index
      %get3A_618 = tpu.vector_load %arg32[%get3A_616, %get3A_617] {strides = array<i32>} : memref<64x128xf32, #tpu.memory_space<vmem>>, vector<16xf32>,
      %get3A_619 = arith.index_cast %scan3A_259 : i32 to index
      %get3A_620 = arith.constant 96 : index
      %get3A_621 = tpu.vector_load %arg32[%get3A_619, %get3A_620] {strides = array<i32>} : memref<64x128xf32, #tpu.memory_space<vmem>>, vector<16xf32>,
      %abs3A_622 = math.absf %get3A_621 : vector<16xf32>
      %get3A_623 = arith.index_cast %scan3A_259 : i32 to index
      %get3A_624 = arith.constant 32 : index
      %get3A_625 = tpu.vector_load %arg33[%get3A_623, %get3A_624] {strides = array<i32>} : memref<64x128xf32, #tpu.memory_space<vmem>>, vector<16xf32>,
      %get3A_626 = arith.index_cast %scan3A_259 : i32 to index
      %get3A_627 = arith.constant 96 : index
      %get3A_628 = tpu.vector_load %arg33[%get3A_626, %get3A_627] {strides = array<i32>} : memref<64x128xf32, #tpu.memory_space<vmem>>, vector<16xf32>,
      %abs3A_629 = math.absf %get3A_628 : vector<16xf32>
      %sub3A_630 = arith.subf %get3A_611, %abs3A_615 : vector<16xf32>
      %sub3A_631 = arith.subf %get3A_618, %abs3A_622 : vector<16xf32>
      %max3A_632 = arith.maximumf %sub3A_630, %sub3A_631 : vector<16xf32>
      %add3A_633 = arith.addf %get3A_611, %abs3A_615 : vector<16xf32>
      %add3A_634 = arith.addf %get3A_618, %abs3A_622 : vector<16xf32>
      %min3A_635 = arith.minimumf %add3A_633, %add3A_634 : vector<16xf32>
      %add3A_636 = arith.addf %max3A_632, %min3A_635 : vector<16xf32>
      %mul3A_637 = arith.constant 5.000000e-01 : f32
      %mul3A_638 = vector.broadcast %mul3A_637 : f32 to vector<16xf32>
      %mul3A_639 = arith.mulf %add3A_636, %mul3A_638 : vector<16xf32>
      %sub3A_640 = arith.subf %min3A_635, %max3A_632 : vector<16xf32>
      %abs3A_641 = math.absf %sub3A_640 : vector<16xf32>
      %mul3A_642 = arith.constant 5.000000e-01 : f32
      %mul3A_643 = vector.broadcast %mul3A_642 : f32 to vector<16xf32>
      %mul3A_644 = arith.mulf %abs3A_641, %mul3A_643 : vector<16xf32>
      %sub3A_645 = arith.subf %mul3A_639, %get3A_625 : vector<16xf32>
      %abs3A_646 = math.absf %sub3A_645 : vector<16xf32>
      %add3A_647 = arith.addf %abs3A_646, %mul3A_644 : vector<16xf32>
      %sub3A_648 = arith.subf %add3A_647, %abs3A_629 : vector<16xf32>
      %sub3A_649 = arith.constant 1.000000e-01 : f32
      %sub3A_650 = vector.broadcast %sub3A_649 : f32 to vector<16xf32>
      %sub3A_651 = arith.subf %sub3A_648, %sub3A_650 : vector<16xf32>
      %max3A_652 = arith.constant 0.000000e+00 : f32
      %max3A_653 = vector.broadcast %max3A_652 : f32 to vector<16xf32>
      %max3A_654 = arith.maximumf %sub3A_651, %max3A_653 : vector<16xf32>
      %mul3A_655 = arith.mulf %max3A_654, %max3A_654 : vector<16xf32>
      %add3A_656 = arith.addf %add3A_508, %mul3A_655 : vector<16xf32>
      %sub3A_657 = arith.subf %max3A_632, %min3A_635 : vector<16xf32>
      %max3A_658 = arith.constant 0.000000e+00 : f32
      %max3A_659 = vector.broadcast %max3A_658 : f32 to vector<16xf32>
      %max3A_660 = arith.maximumf %sub3A_657, %max3A_659 : vector<16xf32>
      %mul3A_661 = arith.mulf %max3A_660, %max3A_660 : vector<16xf32>
      %add3A_662 = arith.addf %add3A_514, %mul3A_661 : vector<16xf32>
      %get3A_663 = arith.index_cast %scan3A_259 : i32 to index
      %get3A_664 = arith.constant 32 : index
      %get3A_665 = tpu.vector_load %arg34[%get3A_663, %get3A_664] {strides = array<i32>} : memref<64x128xf32, #tpu.memory_space<vmem>>, vector<16xf32>,
      %get3A_666 = arith.index_cast %scan3A_259 : i32 to index
      %get3A_667 = arith.constant 96 : index
      %get3A_668 = tpu.vector_load %arg34[%get3A_666, %get3A_667] {strides = array<i32>} : memref<64x128xf32, #tpu.memory_space<vmem>>, vector<16xf32>,
      %abs3A_669 = math.absf %get3A_668 : vector<16xf32>
      %get3A_670 = arith.index_cast %scan3A_259 : i32 to index
      %get3A_671 = arith.constant 32 : index
      %get3A_672 = tpu.vector_load %arg35[%get3A_670, %get3A_671] {strides = array<i32>} : memref<64x128xf32, #tpu.memory_space<vmem>>, vector<16xf32>,
      %get3A_673 = arith.index_cast %scan3A_259 : i32 to index
      %get3A_674 = arith.constant 96 : index
      %get3A_675 = tpu.vector_load %arg35[%get3A_673, %get3A_674] {strides = array<i32>} : memref<64x128xf32, #tpu.memory_space<vmem>>, vector<16xf32>,
      %abs3A_676 = math.absf %get3A_675 : vector<16xf32>
      %get3A_677 = arith.index_cast %scan3A_259 : i32 to index
      %get3A_678 = arith.constant 32 : index
      %get3A_679 = tpu.vector_load %arg38[%get3A_677, %get3A_678] {strides = array<i32>} : memref<64x128xf32, #tpu.memory_space<vmem>>, vector<16xf32>,
      %get3A_680 = arith.index_cast %scan3A_259 : i32 to index
      %get3A_681 = arith.constant 96 : index
      %get3A_682 = tpu.vector_load %arg38[%get3A_680, %get3A_681] {strides = array<i32>} : memref<64x128xf32, #tpu.memory_space<vmem>>, vector<16xf32>,
      %abs3A_683 = math.absf %get3A_682 : vector<16xf32>
      %get3A_684 = arith.index_cast %scan3A_259 : i32 to index
      %get3A_685 = arith.constant 32 : index
      %get3A_686 = tpu.vector_load %arg39[%get3A_684, %get3A_685] {strides = array<i32>} : memref<64x128xf32, #tpu.memory_space<vmem>>, vector<16xf32>,
      %get3A_687 = arith.index_cast %scan3A_259 : i32 to index
      %get3A_688 = arith.constant 96 : index
      %get3A_689 = tpu.vector_load %arg39[%get3A_687, %get3A_688] {strides = array<i32>} : memref<64x128xf32, #tpu.memory_space<vmem>>, vector<16xf32>,
      %abs3A_690 = math.absf %get3A_689 : vector<16xf32>
      %get3A_691 = arith.index_cast %scan3A_259 : i32 to index
      %get3A_692 = arith.constant 96 : index
      %get3A_693 = tpu.vector_load %arg36[%get3A_691, %get3A_692] {strides = array<i32>} : memref<64x128xf32, #tpu.memory_space<vmem>>, vector<16xf32>,
      %get3A_694 = arith.index_cast %scan3A_259 : i32 to index
      %get3A_695 = arith.constant 32 : index
      %get3A_696 = tpu.vector_load %arg36[%get3A_694, %get3A_695] {strides = array<i32>} : memref<64x128xf32, #tpu.memory_space<vmem>>, vector<16xf32>,
      %select_n3A_697 = arith.select %eq3A_284, %get3A_693, %get3A_696 : vector<16xi1>, vector<16xf32>
      %get3A_698 = arith.index_cast %scan3A_259 : i32 to index
      %get3A_699 = arith.constant 96 : index
      %get3A_700 = tpu.vector_load %arg37[%get3A_698, %get3A_699] {strides = array<i32>} : memref<64x128xf32, #tpu.memory_space<vmem>>, vector<16xf32>,
      %get3A_701 = arith.index_cast %scan3A_259 : i32 to index
      %get3A_702 = arith.constant 32 : index
      %get3A_703 = tpu.vector_load %arg37[%get3A_701, %get3A_702] {strides = array<i32>} : memref<64x128xf32, #tpu.memory_space<vmem>>, vector<16xf32>,
      %select_n3A_704 = arith.select %eq3A_290, %get3A_700, %get3A_703 : vector<16xi1>, vector<16xf32>
      %add3A_705 = arith.addf %get3A_665, %select_n3A_704 : vector<16xf32>
      %sub3A_706 = arith.subf %add3A_705, %get3A_679 : vector<16xf32>
      %abs3A_707 = math.absf %sub3A_706 : vector<16xf32>
      %add3A_708 = arith.addf %abs3A_707, %abs3A_669 : vector<16xf32>
      %sub3A_709 = arith.subf %add3A_708, %abs3A_683 : vector<16xf32>
      %sub3A_710 = arith.constant 1.000000e-01 : f32
      %sub3A_711 = vector.broadcast %sub3A_710 : f32 to vector<16xf32>
      %sub3A_712 = arith.subf %sub3A_709, %sub3A_711 : vector<16xf32>
      %max3A_713 = arith.constant 0.000000e+00 : f32
      %max3A_714 = vector.broadcast %max3A_713 : f32 to vector<16xf32>
      %max3A_715 = arith.maximumf %sub3A_712, %max3A_714 : vector<16xf32>
      %mul3A_716 = arith.mulf %max3A_715, %max3A_715 : vector<16xf32>
      %add3A_717 = arith.addf %add3A_569, %mul3A_716 : vector<16xf32>
      %add3A_718 = arith.addf %get3A_672, %select_n3A_697 : vector<16xf32>
      %sub3A_719 = arith.subf %add3A_718, %get3A_686 : vector<16xf32>
      %abs3A_720 = math.absf %sub3A_719 : vector<16xf32>
      %add3A_721 = arith.addf %abs3A_720, %abs3A_676 : vector<16xf32>
      %sub3A_722 = arith.subf %add3A_721, %abs3A_690 : vector<16xf32>
      %sub3A_723 = arith.constant 1.000000e-01 : f32
      %sub3A_724 = vector.broadcast %sub3A_723 : f32 to vector<16xf32>
      %sub3A_725 = arith.subf %sub3A_722, %sub3A_724 : vector<16xf32>
      %max3A_726 = arith.constant 0.000000e+00 : f32
      %max3A_727 = vector.broadcast %max3A_726 : f32 to vector<16xf32>
      %max3A_728 = arith.maximumf %sub3A_725, %max3A_727 : vector<16xf32>
      %mul3A_729 = arith.mulf %max3A_728, %max3A_728 : vector<16xf32>
      %add3A_730 = arith.addf %add3A_582, %mul3A_729 : vector<16xf32>
      %get3A_731 = arith.index_cast %scan3A_259 : i32 to index
      %get3A_732 = arith.constant 48 : index
      %get3A_733 = tpu.vector_load %arg29[%get3A_731, %get3A_732] {strides = array<i32>} : memref<64x128xf32, #tpu.memory_space<vmem>>, vector<16xf32>,
      %get3A_734 = arith.index_cast %scan3A_259 : i32 to index
      %get3A_735 = arith.constant 112 : index
      %get3A_736 = tpu.vector_load %arg29[%get3A_734, %get3A_735] {strides = array<i32>} : memref<64x128xf32, #tpu.memory_space<vmem>>, vector<16xf32>,
      %abs3A_737 = math.absf %get3A_736 : vector<16xf32>
      %get3A_738 = arith.index_cast %scan3A_259 : i32 to index
      %get3A_739 = arith.constant 48 : index
      %get3A_740 = tpu.vector_load %arg30[%get3A_738, %get3A_739] {strides = array<i32>} : memref<64x128xf32, #tpu.memory_space<vmem>>, vector<16xf32>,
      %get3A_741 = arith.index_cast %scan3A_259 : i32 to index
      %get3A_742 = arith.constant 112 : index
      %get3A_743 = tpu.vector_load %arg30[%get3A_741, %get3A_742] {strides = array<i32>} : memref<64x128xf32, #tpu.memory_space<vmem>>, vector<16xf32>,
      %abs3A_744 = math.absf %get3A_743 : vector<16xf32>
      %sub3A_745 = arith.subf %get3A_733, %get3A_740 : vector<16xf32>
      %abs3A_746 = math.absf %sub3A_745 : vector<16xf32>
      %add3A_747 = arith.addf %abs3A_746, %abs3A_737 : vector<16xf32>
      %sub3A_748 = arith.subf %add3A_747, %abs3A_744 : vector<16xf32>
      %sub3A_749 = arith.constant 1.000000e-01 : f32
      %sub3A_750 = vector.broadcast %sub3A_749 : f32 to vector<16xf32>
      %sub3A_751 = arith.subf %sub3A_748, %sub3A_750 : vector<16xf32>
      %max3A_752 = arith.constant 0.000000e+00 : f32
      %max3A_753 = vector.broadcast %max3A_752 : f32 to vector<16xf32>
      %max3A_754 = arith.maximumf %sub3A_751, %max3A_753 : vector<16xf32>
      %mul3A_755 = arith.mulf %max3A_754, %max3A_754 : vector<16xf32>
      %add3A_756 = arith.addf %add3A_608, %mul3A_755 : vector<16xf32>
      %get3A_757 = arith.index_cast %scan3A_259 : i32 to index
      %get3A_758 = arith.constant 48 : index
      %get3A_759 = tpu.vector_load %arg31[%get3A_757, %get3A_758] {strides = array<i32>} : memref<64x128xf32, #tpu.memory_space<vmem>>, vector<16xf32>,
      %get3A_760 = arith.index_cast %scan3A_259 : i32 to index
      %get3A_761 = arith.constant 112 : index
      %get3A_762 = tpu.vector_load %arg31[%get3A_760, %get3A_761] {strides = array<i32>} : memref<64x128xf32, #tpu.memory_space<vmem>>, vector<16xf32>,
      %abs3A_763 = math.absf %get3A_762 : vector<16xf32>
      %get3A_764 = arith.index_cast %scan3A_259 : i32 to index
      %get3A_765 = arith.constant 48 : index
      %get3A_766 = tpu.vector_load %arg32[%get3A_764, %get3A_765] {strides = array<i32>} : memref<64x128xf32, #tpu.memory_space<vmem>>, vector<16xf32>,
      %get3A_767 = arith.index_cast %scan3A_259 : i32 to index
      %get3A_768 = arith.constant 112 : index
      %get3A_769 = tpu.vector_load %arg32[%get3A_767, %get3A_768] {strides = array<i32>} : memref<64x128xf32, #tpu.memory_space<vmem>>, vector<16xf32>,
      %abs3A_770 = math.absf %get3A_769 : vector<16xf32>
      %get3A_771 = arith.index_cast %scan3A_259 : i32 to index
      %get3A_772 = arith.constant 48 : index
      %get3A_773 = tpu.vector_load %arg33[%get3A_771, %get3A_772] {strides = array<i32>} : memref<64x128xf32, #tpu.memory_space<vmem>>, vector<16xf32>,
      %get3A_774 = arith.index_cast %scan3A_259 : i32 to index
      %get3A_775 = arith.constant 112 : index
      %get3A_776 = tpu.vector_load %arg33[%get3A_774, %get3A_775] {strides = array<i32>} : memref<64x128xf32, #tpu.memory_space<vmem>>, vector<16xf32>,
      %abs3A_777 = math.absf %get3A_776 : vector<16xf32>
      %sub3A_778 = arith.subf %get3A_759, %abs3A_763 : vector<16xf32>
      %sub3A_779 = arith.subf %get3A_766, %abs3A_770 : vector<16xf32>
      %max3A_780 = arith.maximumf %sub3A_778, %sub3A_779 : vector<16xf32>
      %add3A_781 = arith.addf %get3A_759, %abs3A_763 : vector<16xf32>
      %add3A_782 = arith.addf %get3A_766, %abs3A_770 : vector<16xf32>
      %min3A_783 = arith.minimumf %add3A_781, %add3A_782 : vector<16xf32>
      %add3A_784 = arith.addf %max3A_780, %min3A_783 : vector<16xf32>
      %mul3A_785 = arith.constant 5.000000e-01 : f32
      %mul3A_786 = vector.broadcast %mul3A_785 : f32 to vector<16xf32>
      %mul3A_787 = arith.mulf %add3A_784, %mul3A_786 : vector<16xf32>
      %sub3A_788 = arith.subf %min3A_783, %max3A_780 : vector<16xf32>
      %abs3A_789 = math.absf %sub3A_788 : vector<16xf32>
      %mul3A_790 = arith.constant 5.000000e-01 : f32
      %mul3A_791 = vector.broadcast %mul3A_790 : f32 to vector<16xf32>
      %mul3A_792 = arith.mulf %abs3A_789, %mul3A_791 : vector<16xf32>
      %sub3A_793 = arith.subf %mul3A_787, %get3A_773 : vector<16xf32>
      %abs3A_794 = math.absf %sub3A_793 : vector<16xf32>
      %add3A_795 = arith.addf %abs3A_794, %mul3A_792 : vector<16xf32>
      %sub3A_796 = arith.subf %add3A_795, %abs3A_777 : vector<16xf32>
      %sub3A_797 = arith.constant 1.000000e-01 : f32
      %sub3A_798 = vector.broadcast %sub3A_797 : f32 to vector<16xf32>
      %sub3A_799 = arith.subf %sub3A_796, %sub3A_798 : vector<16xf32>
      %max3A_800 = arith.constant 0.000000e+00 : f32
      %max3A_801 = vector.broadcast %max3A_800 : f32 to vector<16xf32>
      %max3A_802 = arith.maximumf %sub3A_799, %max3A_801 : vector<16xf32>
      %mul3A_803 = arith.mulf %max3A_802, %max3A_802 : vector<16xf32>
      %add3A_804 = arith.addf %add3A_656, %mul3A_803 : vector<16xf32>
      %sub3A_805 = arith.subf %max3A_780, %min3A_783 : vector<16xf32>
      %max3A_806 = arith.constant 0.000000e+00 : f32
      %max3A_807 = vector.broadcast %max3A_806 : f32 to vector<16xf32>
      %max3A_808 = arith.maximumf %sub3A_805, %max3A_807 : vector<16xf32>
      %mul3A_809 = arith.mulf %max3A_808, %max3A_808 : vector<16xf32>
      %add3A_810 = arith.addf %add3A_662, %mul3A_809 : vector<16xf32>
      %get3A_811 = arith.index_cast %scan3A_259 : i32 to index
      %get3A_812 = arith.constant 48 : index
      %get3A_813 = tpu.vector_load %arg34[%get3A_811, %get3A_812] {strides = array<i32>} : memref<64x128xf32, #tpu.memory_space<vmem>>, vector<16xf32>,
      %get3A_814 = arith.index_cast %scan3A_259 : i32 to index
      %get3A_815 = arith.constant 112 : index
      %get3A_816 = tpu.vector_load %arg34[%get3A_814, %get3A_815] {strides = array<i32>} : memref<64x128xf32, #tpu.memory_space<vmem>>, vector<16xf32>,
      %abs3A_817 = math.absf %get3A_816 : vector<16xf32>
      %get3A_818 = arith.index_cast %scan3A_259 : i32 to index
      %get3A_819 = arith.constant 48 : index
      %get3A_820 = tpu.vector_load %arg35[%get3A_818, %get3A_819] {strides = array<i32>} : memref<64x128xf32, #tpu.memory_space<vmem>>, vector<16xf32>,
      %get3A_821 = arith.index_cast %scan3A_259 : i32 to index
      %get3A_822 = arith.constant 112 : index
      %get3A_823 = tpu.vector_load %arg35[%get3A_821, %get3A_822] {strides = array<i32>} : memref<64x128xf32, #tpu.memory_space<vmem>>, vector<16xf32>,
      %abs3A_824 = math.absf %get3A_823 : vector<16xf32>
      %get3A_825 = arith.index_cast %scan3A_259 : i32 to index
      %get3A_826 = arith.constant 48 : index
      %get3A_827 = tpu.vector_load %arg38[%get3A_825, %get3A_826] {strides = array<i32>} : memref<64x128xf32, #tpu.memory_space<vmem>>, vector<16xf32>,
      %get3A_828 = arith.index_cast %scan3A_259 : i32 to index
      %get3A_829 = arith.constant 112 : index
      %get3A_830 = tpu.vector_load %arg38[%get3A_828, %get3A_829] {strides = array<i32>} : memref<64x128xf32, #tpu.memory_space<vmem>>, vector<16xf32>,
      %abs3A_831 = math.absf %get3A_830 : vector<16xf32>
      %get3A_832 = arith.index_cast %scan3A_259 : i32 to index
      %get3A_833 = arith.constant 48 : index
      %get3A_834 = tpu.vector_load %arg39[%get3A_832, %get3A_833] {strides = array<i32>} : memref<64x128xf32, #tpu.memory_space<vmem>>, vector<16xf32>,
      %get3A_835 = arith.index_cast %scan3A_259 : i32 to index
      %get3A_836 = arith.constant 112 : index
      %get3A_837 = tpu.vector_load %arg39[%get3A_835, %get3A_836] {strides = array<i32>} : memref<64x128xf32, #tpu.memory_space<vmem>>, vector<16xf32>,
      %abs3A_838 = math.absf %get3A_837 : vector<16xf32>
      %get3A_839 = arith.index_cast %scan3A_259 : i32 to index
      %get3A_840 = arith.constant 112 : index
      %get3A_841 = tpu.vector_load %arg36[%get3A_839, %get3A_840] {strides = array<i32>} : memref<64x128xf32, #tpu.memory_space<vmem>>, vector<16xf32>,
      %get3A_842 = arith.index_cast %scan3A_259 : i32 to index
      %get3A_843 = arith.constant 48 : index
      %get3A_844 = tpu.vector_load %arg36[%get3A_842, %get3A_843] {strides = array<i32>} : memref<64x128xf32, #tpu.memory_space<vmem>>, vector<16xf32>,
      %select_n3A_845 = arith.select %eq3A_284, %get3A_841, %get3A_844 : vector<16xi1>, vector<16xf32>
      %get3A_846 = arith.index_cast %scan3A_259 : i32 to index
      %get3A_847 = arith.constant 112 : index
      %get3A_848 = tpu.vector_load %arg37[%get3A_846, %get3A_847] {strides = array<i32>} : memref<64x128xf32, #tpu.memory_space<vmem>>, vector<16xf32>,
      %get3A_849 = arith.index_cast %scan3A_259 : i32 to index
      %get3A_850 = arith.constant 48 : index
      %get3A_851 = tpu.vector_load %arg37[%get3A_849, %get3A_850] {strides = array<i32>} : memref<64x128xf32, #tpu.memory_space<vmem>>, vector<16xf32>,
      %select_n3A_852 = arith.select %eq3A_290, %get3A_848, %get3A_851 : vector<16xi1>, vector<16xf32>
      %add3A_853 = arith.addf %get3A_813, %select_n3A_852 : vector<16xf32>
      %sub3A_854 = arith.subf %add3A_853, %get3A_827 : vector<16xf32>
      %abs3A_855 = math.absf %sub3A_854 : vector<16xf32>
      %add3A_856 = arith.addf %abs3A_855, %abs3A_817 : vector<16xf32>
      %sub3A_857 = arith.subf %add3A_856, %abs3A_831 : vector<16xf32>
      %sub3A_858 = arith.constant 1.000000e-01 : f32
      %sub3A_859 = vector.broadcast %sub3A_858 : f32 to vector<16xf32>
      %sub3A_860 = arith.subf %sub3A_857, %sub3A_859 : vector<16xf32>
      %max3A_861 = arith.constant 0.000000e+00 : f32
      %max3A_862 = vector.broadcast %max3A_861 : f32 to vector<16xf32>
      %max3A_863 = arith.maximumf %sub3A_860, %max3A_862 : vector<16xf32>
      %mul3A_864 = arith.mulf %max3A_863, %max3A_863 : vector<16xf32>
      %add3A_865 = arith.addf %add3A_717, %mul3A_864 : vector<16xf32>
      %add3A_866 = arith.addf %get3A_820, %select_n3A_845 : vector<16xf32>
      %sub3A_867 = arith.subf %add3A_866, %get3A_834 : vector<16xf32>
      %abs3A_868 = math.absf %sub3A_867 : vector<16xf32>
      %add3A_869 = arith.addf %abs3A_868, %abs3A_824 : vector<16xf32>
      %sub3A_870 = arith.subf %add3A_869, %abs3A_838 : vector<16xf32>
      %sub3A_871 = arith.constant 1.000000e-01 : f32
      %sub3A_872 = vector.broadcast %sub3A_871 : f32 to vector<16xf32>
      %sub3A_873 = arith.subf %sub3A_870, %sub3A_872 : vector<16xf32>
      %max3A_874 = arith.constant 0.000000e+00 : f32
      %max3A_875 = vector.broadcast %max3A_874 : f32 to vector<16xf32>
      %max3A_876 = arith.maximumf %sub3A_873, %max3A_875 : vector<16xf32>
      %mul3A_877 = arith.mulf %max3A_876, %max3A_876 : vector<16xf32>
      %add3A_878 = arith.addf %add3A_730, %mul3A_877 : vector<16xf32>
      %swap3A_879 = arith.index_cast %scan3A_259 : i32 to index
      %swap3A_880 = arith.constant 0 : index
      %swap3A_881 = tpu.vector_load %arg40[%swap3A_879, %swap3A_880] {strides = array<i32>} : memref<64x16xf32, #tpu.memory_space<vmem>>, vector<16xf32>,
      tpu.vector_store %arg40[%swap3A_879, %swap3A_880], %add3A_756 {strides = array<i32>} : memref<64x16xf32, #tpu.memory_space<vmem>>, vector<16xf32>,
      %swap3A_882 = arith.index_cast %scan3A_259 : i32 to index
      %swap3A_883 = arith.constant 0 : index
      %swap3A_884 = tpu.vector_load %arg41[%swap3A_882, %swap3A_883] {strides = array<i32>} : memref<64x16xf32, #tpu.memory_space<vmem>>, vector<16xf32>,
      tpu.vector_store %arg41[%swap3A_882, %swap3A_883], %add3A_804 {strides = array<i32>} : memref<64x16xf32, #tpu.memory_space<vmem>>, vector<16xf32>,
      %swap3A_885 = arith.index_cast %scan3A_259 : i32 to index
      %swap3A_886 = arith.constant 0 : index
      %swap3A_887 = tpu.vector_load %arg42[%swap3A_885, %swap3A_886] {strides = array<i32>} : memref<64x16xf32, #tpu.memory_space<vmem>>, vector<16xf32>,
      tpu.vector_store %arg42[%swap3A_885, %swap3A_886], %add3A_810 {strides = array<i32>} : memref<64x16xf32, #tpu.memory_space<vmem>>, vector<16xf32>,
      %swap3A_888 = arith.index_cast %scan3A_259 : i32 to index
      %swap3A_889 = arith.constant 0 : index
      %swap3A_890 = tpu.vector_load %arg43[%swap3A_888, %swap3A_889] {strides = array<i32>} : memref<64x16xf32, #tpu.memory_space<vmem>>, vector<16xf32>,
      tpu.vector_store %arg43[%swap3A_888, %swap3A_889], %add3A_865 {strides = array<i32>} : memref<64x16xf32, #tpu.memory_space<vmem>>, vector<16xf32>,
      %swap3A_891 = arith.index_cast %scan3A_259 : i32 to index
      %swap3A_892 = arith.constant 0 : index
      %swap3A_893 = tpu.vector_load %arg44[%swap3A_891, %swap3A_892] {strides = array<i32>} : memref<64x16xf32, #tpu.memory_space<vmem>>, vector<16xf32>,
      tpu.vector_store %arg44[%swap3A_891, %swap3A_892], %add3A_878 {strides = array<i32>} : memref<64x16xf32, #tpu.memory_space<vmem>>, vector<16xf32>,
    }
    %scan3A_258 = arith.constant 64 : i32
    "tpu.region"() ({
      %run_scoped3A = tpu.sem_alloc : memref<!tpu.dma_semaphore, #tpu.memory_space<semaphore_mem>>
      %dma_start3A_259 = arith.constant 0 : i32
      %dma_start3A_260 = tpu.memref_slice %arg14[%add3A_130, %dma_start3A_259] : memref<4096x16xf32, #tpu.memory_space<hbm>> -> memref<64x16xf32, #tpu.memory_space<hbm>>
      %dma_start3A_261 = arith.constant 0 : i32
      %dma_start3A_262 = tpu.memref_slice %arg14[%add3A_130, %dma_start3A_261] : memref<4096x16xf32, #tpu.memory_space<hbm>> -> memref<64x16xf32, #tpu.memory_space<hbm>>
      tpu.enqueue_dma source(%arg40 : memref<64x16xf32, #tpu.memory_space<vmem>>) target(%dma_start3A_262 : memref<64x16xf32, #tpu.memory_space<hbm>>) target_semaphore(%run_scoped3A : memref<!tpu.dma_semaphore, #tpu.memory_space<semaphore_mem>>)
      %dma_wait3A_263 = arith.constant 0 : i32
      %dma_wait3A_264 = tpu.memref_slice %arg14[%add3A_130, %dma_wait3A_263] : memref<4096x16xf32, #tpu.memory_space<hbm>> -> memref<64x16xf32, #tpu.memory_space<hbm>>
      %dma_wait3A_265 = arith.constant 0 : i32
      %dma_wait3A_266 = tpu.memref_slice %arg14[%add3A_130, %dma_wait3A_265] : memref<4096x16xf32, #tpu.memory_space<hbm>> -> memref<64x16xf32, #tpu.memory_space<hbm>>
      tpu.wait_dma2 semaphore(%run_scoped3A : memref<!tpu.dma_semaphore, #tpu.memory_space<semaphore_mem>>) src(%arg40 : memref<64x16xf32, #tpu.memory_space<vmem>>) dst(%dma_wait3A_266 : memref<64x16xf32, #tpu.memory_space<hbm>>)
      tpu.yield
    }) : () -> ()
    "tpu.region"() ({
      %run_scoped3A = tpu.sem_alloc : memref<!tpu.dma_semaphore, #tpu.memory_space<semaphore_mem>>
      %dma_start3A_259 = arith.constant 0 : i32
      %dma_start3A_260 = tpu.memref_slice %arg15[%add3A_130, %dma_start3A_259] : memref<4096x16xf32, #tpu.memory_space<hbm>> -> memref<64x16xf32, #tpu.memory_space<hbm>>
      %dma_start3A_261 = arith.constant 0 : i32
      %dma_start3A_262 = tpu.memref_slice %arg15[%add3A_130, %dma_start3A_261] : memref<4096x16xf32, #tpu.memory_space<hbm>> -> memref<64x16xf32, #tpu.memory_space<hbm>>
      tpu.enqueue_dma source(%arg41 : memref<64x16xf32, #tpu.memory_space<vmem>>) target(%dma_start3A_262 : memref<64x16xf32, #tpu.memory_space<hbm>>) target_semaphore(%run_scoped3A : memref<!tpu.dma_semaphore, #tpu.memory_space<semaphore_mem>>)
      %dma_wait3A_263 = arith.constant 0 : i32
      %dma_wait3A_264 = tpu.memref_slice %arg15[%add3A_130, %dma_wait3A_263] : memref<4096x16xf32, #tpu.memory_space<hbm>> -> memref<64x16xf32, #tpu.memory_space<hbm>>
      %dma_wait3A_265 = arith.constant 0 : i32
      %dma_wait3A_266 = tpu.memref_slice %arg15[%add3A_130, %dma_wait3A_265] : memref<4096x16xf32, #tpu.memory_space<hbm>> -> memref<64x16xf32, #tpu.memory_space<hbm>>
      tpu.wait_dma2 semaphore(%run_scoped3A : memref<!tpu.dma_semaphore, #tpu.memory_space<semaphore_mem>>) src(%arg41 : memref<64x16xf32, #tpu.memory_space<vmem>>) dst(%dma_wait3A_266 : memref<64x16xf32, #tpu.memory_space<hbm>>)
      tpu.yield
    }) : () -> ()
    "tpu.region"() ({
      %run_scoped3A = tpu.sem_alloc : memref<!tpu.dma_semaphore, #tpu.memory_space<semaphore_mem>>
      %dma_start3A_259 = arith.constant 0 : i32
      %dma_start3A_260 = tpu.memref_slice %arg16[%add3A_130, %dma_start3A_259] : memref<4096x16xf32, #tpu.memory_space<hbm>> -> memref<64x16xf32, #tpu.memory_space<hbm>>
      %dma_start3A_261 = arith.constant 0 : i32
      %dma_start3A_262 = tpu.memref_slice %arg16[%add3A_130, %dma_start3A_261] : memref<4096x16xf32, #tpu.memory_space<hbm>> -> memref<64x16xf32, #tpu.memory_space<hbm>>
      tpu.enqueue_dma source(%arg42 : memref<64x16xf32, #tpu.memory_space<vmem>>) target(%dma_start3A_262 : memref<64x16xf32, #tpu.memory_space<hbm>>) target_semaphore(%run_scoped3A : memref<!tpu.dma_semaphore, #tpu.memory_space<semaphore_mem>>)
      %dma_wait3A_263 = arith.constant 0 : i32
      %dma_wait3A_264 = tpu.memref_slice %arg16[%add3A_130, %dma_wait3A_263] : memref<4096x16xf32, #tpu.memory_space<hbm>> -> memref<64x16xf32, #tpu.memory_space<hbm>>
      %dma_wait3A_265 = arith.constant 0 : i32
      %dma_wait3A_266 = tpu.memref_slice %arg16[%add3A_130, %dma_wait3A_265] : memref<4096x16xf32, #tpu.memory_space<hbm>> -> memref<64x16xf32, #tpu.memory_space<hbm>>
      tpu.wait_dma2 semaphore(%run_scoped3A : memref<!tpu.dma_semaphore, #tpu.memory_space<semaphore_mem>>) src(%arg42 : memref<64x16xf32, #tpu.memory_space<vmem>>) dst(%dma_wait3A_266 : memref<64x16xf32, #tpu.memory_space<hbm>>)
      tpu.yield
    }) : () -> ()
    "tpu.region"() ({
      %run_scoped3A = tpu.sem_alloc : memref<!tpu.dma_semaphore, #tpu.memory_space<semaphore_mem>>
      %dma_start3A_259 = arith.constant 0 : i32
      %dma_start3A_260 = tpu.memref_slice %arg17[%add3A_130, %dma_start3A_259] : memref<4096x16xf32, #tpu.memory_space<hbm>> -> memref<64x16xf32, #tpu.memory_space<hbm>>
      %dma_start3A_261 = arith.constant 0 : i32
      %dma_start3A_262 = tpu.memref_slice %arg17[%add3A_130, %dma_start3A_261] : memref<4096x16xf32, #tpu.memory_space<hbm>> -> memref<64x16xf32, #tpu.memory_space<hbm>>
      tpu.enqueue_dma source(%arg43 : memref<64x16xf32, #tpu.memory_space<vmem>>) target(%dma_start3A_262 : memref<64x16xf32, #tpu.memory_space<hbm>>) target_semaphore(%run_scoped3A : memref<!tpu.dma_semaphore, #tpu.memory_space<semaphore_mem>>)
      %dma_wait3A_263 = arith.constant 0 : i32
      %dma_wait3A_264 = tpu.memref_slice %arg17[%add3A_130, %dma_wait3A_263] : memref<4096x16xf32, #tpu.memory_space<hbm>> -> memref<64x16xf32, #tpu.memory_space<hbm>>
      %dma_wait3A_265 = arith.constant 0 : i32
      %dma_wait3A_266 = tpu.memref_slice %arg17[%add3A_130, %dma_wait3A_265] : memref<4096x16xf32, #tpu.memory_space<hbm>> -> memref<64x16xf32, #tpu.memory_space<hbm>>
      tpu.wait_dma2 semaphore(%run_scoped3A : memref<!tpu.dma_semaphore, #tpu.memory_space<semaphore_mem>>) src(%arg43 : memref<64x16xf32, #tpu.memory_space<vmem>>) dst(%dma_wait3A_266 : memref<64x16xf32, #tpu.memory_space<hbm>>)
      tpu.yield
    }) : () -> ()
    "tpu.region"() ({
      %run_scoped3A = tpu.sem_alloc : memref<!tpu.dma_semaphore, #tpu.memory_space<semaphore_mem>>
      %dma_start3A_259 = arith.constant 0 : i32
      %dma_start3A_260 = tpu.memref_slice %arg18[%add3A_130, %dma_start3A_259] : memref<4096x16xf32, #tpu.memory_space<hbm>> -> memref<64x16xf32, #tpu.memory_space<hbm>>
      %dma_start3A_261 = arith.constant 0 : i32
      %dma_start3A_262 = tpu.memref_slice %arg18[%add3A_130, %dma_start3A_261] : memref<4096x16xf32, #tpu.memory_space<hbm>> -> memref<64x16xf32, #tpu.memory_space<hbm>>
      tpu.enqueue_dma source(%arg44 : memref<64x16xf32, #tpu.memory_space<vmem>>) target(%dma_start3A_262 : memref<64x16xf32, #tpu.memory_space<hbm>>) target_semaphore(%run_scoped3A : memref<!tpu.dma_semaphore, #tpu.memory_space<semaphore_mem>>)
      %dma_wait3A_263 = arith.constant 0 : i32
      %dma_wait3A_264 = tpu.memref_slice %arg18[%add3A_130, %dma_wait3A_263] : memref<4096x16xf32, #tpu.memory_space<hbm>> -> memref<64x16xf32, #tpu.memory_space<hbm>>
      %dma_wait3A_265 = arith.constant 0 : i32
      %dma_wait3A_266 = tpu.memref_slice %arg18[%add3A_130, %dma_wait3A_265] : memref<4096x16xf32, #tpu.memory_space<hbm>> -> memref<64x16xf32, #tpu.memory_space<hbm>>
      tpu.wait_dma2 semaphore(%run_scoped3A : memref<!tpu.dma_semaphore, #tpu.memory_space<semaphore_mem>>) src(%arg44 : memref<64x16xf32, #tpu.memory_space<vmem>>) dst(%dma_wait3A_266 : memref<64x16xf32, #tpu.memory_space<hbm>>)
      tpu.yield
    }) : () -> ()
    return
  }
}

module attributes {stable_mosaic.version = 14 : i64} {
  func.func @_finish_body(%arg0: memref<4096x16xf32, #tpu.memory_space<vmem>>, %arg1: memref<4096x16xf32, #tpu.memory_space<vmem>>, %arg2: memref<4096x16xf32, #tpu.memory_space<vmem>>, %arg3: memref<4096x16xf32, #tpu.memory_space<vmem>>, %arg4: memref<4096x16xf32, #tpu.memory_space<vmem>>, %arg5: memref<1x1xf32, #tpu.memory_space<smem>>) attributes {dimension_semantics = [], scalar_prefetch = 0 : i64, scratch_operands = 0 : i64, tpu.core_type = #tpu.core_type<tc>} {
    %get3A = arith.constant 0 : index
    %get3A_0 = arith.constant 0 : index
    %get3A_1 = vector.load %arg0[%get3A, %get3A_0] : memref<4096x16xf32, #tpu.memory_space<vmem>>, vector<4096x16xf32>
    %reduce_sum3A = vector.shape_cast %get3A_1 : vector<4096x16xf32> to vector<1x4096x16xf32>
    %reduce_sum3A_2 = arith.constant dense<0.000000e+00> : vector<1xf32>
    %reduce_sum3A_3 = vector.multi_reduction <add>, %reduce_sum3A, %reduce_sum3A_2 [1, 2] : vector<1x4096x16xf32> to vector<1xf32>
    %reduce_sum3A_4 = vector.shape_cast %reduce_sum3A_3 : vector<1xf32> to vector<1x1x1xf32>
    %reduce_sum3A_5 = vector.extract %reduce_sum3A_4[0, 0, 0] : f32 from vector<1x1x1xf32>
    %mul3A = arith.constant 2.44140625E-4 : f32
    %mul3A_6 = arith.mulf %reduce_sum3A_5, %mul3A : f32
    %get3A_7 = arith.constant 0 : index
    %get3A_8 = arith.constant 0 : index
    %get3A_9 = vector.load %arg1[%get3A_7, %get3A_8] : memref<4096x16xf32, #tpu.memory_space<vmem>>, vector<4096x16xf32>
    %reduce_sum3A_10 = arith.constant dense<0.000000e+00> : vector<4096xf32>
    %reduce_sum3A_11 = vector.multi_reduction <add>, %get3A_9, %reduce_sum3A_10 [1] : vector<4096x16xf32> to vector<4096xf32>
    %get3A_12 = arith.constant 0 : index
    %get3A_13 = arith.constant 0 : index
    %get3A_14 = vector.load %arg2[%get3A_12, %get3A_13] : memref<4096x16xf32, #tpu.memory_space<vmem>>, vector<4096x16xf32>
    %reduce_sum3A_15 = arith.constant dense<0.000000e+00> : vector<4096xf32>
    %reduce_sum3A_16 = vector.multi_reduction <add>, %get3A_14, %reduce_sum3A_15 [1] : vector<4096x16xf32> to vector<4096xf32>
    %reduce_sum3A_17 = vector.shape_cast %reduce_sum3A_11 : vector<4096xf32> to vector<1x4096xf32>
    %reduce_sum3A_18 = arith.constant dense<0.000000e+00> : vector<1xf32>
    %reduce_sum3A_19 = vector.multi_reduction <add>, %reduce_sum3A_17, %reduce_sum3A_18 [1] : vector<1x4096xf32> to vector<1xf32>
    %reduce_sum3A_20 = vector.shape_cast %reduce_sum3A_19 : vector<1xf32> to vector<1x1xf32>
    %reduce_sum3A_21 = vector.extract %reduce_sum3A_20[0, 0] : f32 from vector<1x1xf32>
    %reduce_sum3A_22 = vector.shape_cast %reduce_sum3A_16 : vector<4096xf32> to vector<1x4096xf32>
    %reduce_sum3A_23 = arith.constant dense<0.000000e+00> : vector<1xf32>
    %reduce_sum3A_24 = vector.multi_reduction <add>, %reduce_sum3A_22, %reduce_sum3A_23 [1] : vector<1x4096xf32> to vector<1xf32>
    %reduce_sum3A_25 = vector.shape_cast %reduce_sum3A_24 : vector<1xf32> to vector<1x1xf32>
    %reduce_sum3A_26 = vector.extract %reduce_sum3A_25[0, 0] : f32 from vector<1x1xf32>
    %add3A = arith.addf %reduce_sum3A_21, %reduce_sum3A_26 : f32
    %mul3A_27 = arith.constant 2.44140625E-4 : f32
    %mul3A_28 = arith.mulf %add3A, %mul3A_27 : f32
    %sqrt3A = math.sqrt %reduce_sum3A_11 : vector<4096xf32>
    %reduce_sum3A_29 = vector.shape_cast %sqrt3A : vector<4096xf32> to vector<1x4096xf32>
    %reduce_sum3A_30 = arith.constant dense<0.000000e+00> : vector<1xf32>
    %reduce_sum3A_31 = vector.multi_reduction <add>, %reduce_sum3A_29, %reduce_sum3A_30 [1] : vector<1x4096xf32> to vector<1xf32>
    %reduce_sum3A_32 = vector.shape_cast %reduce_sum3A_31 : vector<1xf32> to vector<1x1xf32>
    %reduce_sum3A_33 = vector.extract %reduce_sum3A_32[0, 0] : f32 from vector<1x1xf32>
    %mul3A_34 = arith.constant 2.44140625E-4 : f32
    %mul3A_35 = arith.mulf %reduce_sum3A_33, %mul3A_34 : f32
    %mul3A_36 = arith.constant 2.000000e+00 : f32
    %mul3A_37 = arith.mulf %mul3A_36, %mul3A_35 : f32
    %sqrt3A_38 = math.sqrt %reduce_sum3A_16 : vector<4096xf32>
    %reduce_sum3A_39 = vector.shape_cast %sqrt3A_38 : vector<4096xf32> to vector<1x4096xf32>
    %reduce_sum3A_40 = arith.constant dense<0.000000e+00> : vector<1xf32>
    %reduce_sum3A_41 = vector.multi_reduction <add>, %reduce_sum3A_39, %reduce_sum3A_40 [1] : vector<1x4096xf32> to vector<1xf32>
    %reduce_sum3A_42 = vector.shape_cast %reduce_sum3A_41 : vector<1xf32> to vector<1x1xf32>
    %reduce_sum3A_43 = vector.extract %reduce_sum3A_42[0, 0] : f32 from vector<1x1xf32>
    %mul3A_44 = arith.constant 2.44140625E-4 : f32
    %mul3A_45 = arith.mulf %reduce_sum3A_43, %mul3A_44 : f32
    %mul3A_46 = arith.mulf %mul3A_37, %mul3A_45 : f32
    %add3A_47 = arith.addf %mul3A_28, %mul3A_46 : f32
    %get3A_48 = arith.constant 0 : index
    %get3A_49 = arith.constant 0 : index
    %get3A_50 = vector.load %arg3[%get3A_48, %get3A_49] : memref<4096x16xf32, #tpu.memory_space<vmem>>, vector<4096x16xf32>
    %reduce_sum3A_51 = arith.constant dense<0.000000e+00> : vector<4096xf32>
    %reduce_sum3A_52 = vector.multi_reduction <add>, %get3A_50, %reduce_sum3A_51 [1] : vector<4096x16xf32> to vector<4096xf32>
    %sqrt3A_53 = math.sqrt %reduce_sum3A_52 : vector<4096xf32>
    %get3A_54 = arith.constant 0 : index
    %get3A_55 = arith.constant 0 : index
    %get3A_56 = vector.load %arg4[%get3A_54, %get3A_55] : memref<4096x16xf32, #tpu.memory_space<vmem>>, vector<4096x16xf32>
    %reduce_sum3A_57 = arith.constant dense<0.000000e+00> : vector<4096xf32>
    %reduce_sum3A_58 = vector.multi_reduction <add>, %get3A_56, %reduce_sum3A_57 [1] : vector<4096x16xf32> to vector<4096xf32>
    %sqrt3A_59 = math.sqrt %reduce_sum3A_58 : vector<4096xf32>
    %add3A_60 = arith.addf %sqrt3A_53, %sqrt3A_59 : vector<4096xf32>
    %add3A_61 = arith.addf %sqrt3A_53, %sqrt3A_59 : vector<4096xf32>
    %mul3A_62 = arith.mulf %add3A_60, %add3A_61 : vector<4096xf32>
    %reduce_sum3A_63 = vector.shape_cast %mul3A_62 : vector<4096xf32> to vector<1x4096xf32>
    %reduce_sum3A_64 = arith.constant dense<0.000000e+00> : vector<1xf32>
    %reduce_sum3A_65 = vector.multi_reduction <add>, %reduce_sum3A_63, %reduce_sum3A_64 [1] : vector<1x4096xf32> to vector<1xf32>
    %reduce_sum3A_66 = vector.shape_cast %reduce_sum3A_65 : vector<1xf32> to vector<1x1xf32>
    %reduce_sum3A_67 = vector.extract %reduce_sum3A_66[0, 0] : f32 from vector<1x1xf32>
    %mul3A_68 = arith.constant 6.10351563E-5 : f32
    %mul3A_69 = arith.mulf %reduce_sum3A_67, %mul3A_68 : f32
    %add3A_70 = arith.addf %mul3A_6, %add3A_47 : f32
    %add3A_71 = arith.addf %add3A_70, %mul3A_69 : f32
    %swap3A = arith.constant 0 : index
    %swap3A_72 = arith.constant 0 : index
    %swap3A_73 = memref.load %arg5[%swap3A, %swap3A_72] : memref<1x1xf32, #tpu.memory_space<smem>>
    memref.store %add3A_71, %arg5[%swap3A, %swap3A_72] : memref<1x1xf32, #tpu.memory_space<smem>>
    return
  }
}

</mosaic_0001>

<sc_bundles>
// kernel: kernel.4.cloned.1.call-start
scs
__scs_entry_jumppad:
0x0: {  	(pc) =	sbr.rel $0x88, $3  }
0x1: {  	(tag) =	ssettag $0x0;
	lr =	simm.s32 $0x1  }
0x2: {  	[smem:$0x3F9A] =	sst lr;
	_ =	strace $0xD0000000  }
0x3: {  	_ = 	snop  }
0x4: {  	_ = 	snop  }
0x5: {  	_ = 	snop  }
0x6: {  	_ = 	snop  }
0x7: {  	_ = 	snop  }
__scs_overlays_trampoline_lowered:
0x8: {  	[smem:$0x3FA9] =	sst s0  }
0x9: {  	[smem:$0x3FAA] =	sst s1  }
0xa: {  	[smem:$0x3FAB] =	sst s2  }
0xb: {  	[smem:$0x3FAC] =	sst s3  }
0xc: {  	[smem:$0x3FAD] =	sst s4  }
0xd: {  	[smem:$0x3FAE] =	sst s5  }
0xe: {  	[smem:$0x3FAF] =	sst s6  }
0xf: {  	[smem:$0x3FB0] =	sst s7  }
0x10: {  	[smem:$0x3FB1] =	sst s8  }
0x11: {  	[smem:$0x3FB2] =	sst s9;
	s0 =	simm.s32 @!p0 $0x0  }
0x12: {  	s1 =	sld [smem:$0x3F98];
	s0 =	simm.s32 @p0 $0x1  }
0x13: {  	[smem:$0x3FB3] =	sst s0;
	s0 =	simm.s32 @!p1 $0x0  }
0x14: {  	s2 =	sld [smem:$0x3F97];
	s0 =	simm.s32 @p1 $0x1  }
0x15: {  	[smem:$0x3FB4] =	sst s0;
	s0 =	simm.s32 @!p2 $0x0  }
0x16: {  	s3 =	sld [smem:$0x3FDB];
	s0 =	simm.s32 @p2 $0x1  }
0x17: {  	s4 =	simm.s32 $0x1BF5;
	[smem:$0x3FB6] =	sst s0  }
0x18: {  	s0 =	sld [smem:$0x3F99];
	_ =	swait.ge [sflag:s4], $0x0  }
0x19: {  	s7 =	sld [smem:$0x3F9A]  }
0x1a: {  	s8 =	sadd.s32 $0xFFFFE003, lr  }
0x1b: {  	s9 =	sadd.s32 $0xFFFFFEF7, lr;
	s5 =	simm.s32 $0xFFFFFFFF;
	p2 =	slt.u32 s8, $0xFFFFF086  }
0x1c: {  	p1 =	slt.u32 s9, $0xF7A;
	s5 =	simm.s32 @!p2 $0x0  }
0x1d: {  	s5 =	simm.s32 @p1 $0x1;
	p0 =	seq.s32 s7, s2  }
0x1e: {  	s7 =	smul.u32 @!p0 $0xF7A, s2;
	p2 =	seq.s32 @!p0 s5, $0x0  }
0x1f: {  	s9 =	smul.u32 $0xF7A, s1;
	s8 =	simm.s32 @!p0 $0x1BF5;
	p2 =	por !p2, p0  }
0x20: {  	[sflag:s8] =	ssyncset.s32 @!p0 $0xFFFFF086;
	s6 =	sadd.s32 @!p0 s3, s7;
	s7 =	simm.s32 @!p0 $0x108  }
0x21: {  	s3 =	sadd.s32 s3, s9;
	s6 =	sadd.s32 @!p0 $0x88, s6;
	s7 =	simm.s32 @p2 $0x1082  }
0x22: {  	[simem:s7], [sflag:s8] =	dma.local @!p0 [hbm:s6], $0xF7A  }
0x23: {  	s9 =	sor.u32 $0xD0000000, s2;
	s6 =	simm.s32 $0x108;
	_ =	swait.ge @!p0 [sflag:s8], $0x0  }
0x24: {  	s3 =	sadd.s32 $0x88, s3;
	s6 =	simm.s32 @!p1 $0x1082;
	[sflag:s4] =	ssyncset.s32 $0xFFFFF086  }
0x25: {  	[simem:s6], [sflag:s4] =	dma.local [hbm:s3], $0xF7A  }
0x26: {  	[smem:$0x3F9A] =	sst s1;
	(tag) =	ssettag s2;
	_ =	strace s9  }
0x27: {  	s1 =	sld [smem:$0x3FAA]  }
0x28: {  	s2 =	sld [smem:$0x3FAB]  }
0x29: {  	s4 =	sld [smem:$0x3FAD]  }
0x2a: {  	p0 =	seq.s32 s5, $0x0;
	s5 =	sld [smem:$0x3FAE]  }
0x2b: {  	s6 =	sld [smem:$0x3FAF]  }
0x2c: {  	s7 =	sld [smem:$0x3FB0]  }
0x2d: {  	s3 =	simm.s32 $0x108;
	s8 =	sld [smem:$0x3FB1]  }
0x2e: {  	s3 =	simm.s32 @!p0 $0x1082;
	s9 =	sld [smem:$0x3FB2]  }
0x2f: {  	lr =	sadd.s32 s0, s3;
	s0 =	sld [smem:$0x3FA9]  }
0x30: {  	s3 =	sld [smem:$0x3FAC]  }
0x31: {  	[smem:$0x3FB5] =	sst s10  }
0x32: {  	s10 =	sld [smem:$0x3FB3];
	_ =	sdelay $0x3  }
0x33: {  	p0 =	seq.s32 s10, $0x1;
	s10 =	sld [smem:$0x3FB5];
	_ =	sdelay $0x3  }
0x34: {  	[smem:$0x3FB5] =	sst s10  }
0x35: {  	s10 =	sld [smem:$0x3FB4];
	_ =	sdelay $0x3  }
0x36: {  	p1 =	seq.s32 s10, $0x1;
	s10 =	sld [smem:$0x3FB5];
	_ =	sdelay $0x3  }
0x37: {  	[smem:$0x3FB5] =	sst s10  }
0x38: {  	s10 =	sld [smem:$0x3FB6]  }
0x39: {  	_ = 	snop;
	(pc) =	sbr.ind lr, $3  }
0x3a: {  	_ = 	snop  }
0x3b: {  	_ = 	snop  }
0x3c: {  	p2 =	seq.s32 s10, $0x1;
	s10 =	sld [smem:$0x3FB5]  }
0x3d: {  	_ =	shalt  }
0x3e: {  	_ =	shalt  }
0x3f: {  	_ =	shalt  }
0x40: {  	_ =	shalt  }
0x41: {  	_ =	shalt  }
0x42: {  	_ =	shalt  }
0x43: {  	_ =	shalt  }
0x44: {  	_ =	shalt  }
0x45: {  	_ =	shalt  }
0x46: {  	_ =	shalt  }
0x47: {  	_ =	shalt  }
0x48: {  	_ =	shalt  }
0x49: {  	_ =	shalt  }
0x4a: {  	_ =	shalt  }
0x4b: {  	_ =	shalt  }
0x4c: {  	_ =	shalt  }
0x4d: {  	_ =	shalt  }
0x4e: {  	_ =	shalt  }
0x4f: {  	_ =	shalt  }
0x50: {  	_ =	shalt  }
0x51: {  	_ =	shalt  }
0x52: {  	_ =	shalt  }
0x53: {  	_ =	shalt  }
0x54: {  	_ =	shalt  }
0x55: {  	_ =	shalt  }
0x56: {  	_ =	shalt  }
0x57: {  	_ =	shalt  }
0x58: {  	_ =	shalt  }
0x59: {  	_ =	shalt  }
0x5a: {  	_ =	shalt  }
0x5b: {  	_ =	shalt  }
0x5c: {  	_ =	shalt  }
0x5d: {  	_ =	shalt  }
0x5e: {  	_ =	shalt  }
0x5f: {  	_ =	shalt  }
0x60: {  	_ =	shalt  }
0x61: {  	_ =	shalt  }
0x62: {  	_ =	shalt  }
0x63: {  	_ =	shalt  }
0x64: {  	_ =	shalt  }
0x65: {  	_ =	shalt  }
0x66: {  	_ =	shalt  }
0x67: {  	_ =	shalt  }
0x68: {  	_ =	shalt  }
0x69: {  	_ =	shalt  }
0x6a: {  	_ =	shalt  }
0x6b: {  	_ =	shalt  }
0x6c: {  	_ =	shalt  }
0x6d: {  	_ =	shalt  }
0x6e: {  	_ =	shalt  }
0x6f: {  	_ =	shalt  }
0x70: {  	_ =	shalt  }
0x71: {  	_ =	shalt  }
0x72: {  	_ =	shalt  }
0x73: {  	_ =	shalt  }
0x74: {  	_ =	shalt  }
0x75: {  	_ =	shalt  }
0x76: {  	_ =	shalt  }
0x77: {  	_ =	shalt  }
0x78: {  	_ =	shalt  }
0x79: {  	_ =	shalt  }
0x7a: {  	_ =	shalt  }
0x7b: {  	_ =	shalt  }
0x7c: {  	_ =	shalt  }
0x7d: {  	_ =	shalt  }
0x7e: {  	_ =	shalt  }
0x7f: {  	_ =	shalt  }
0x80: {  	_ =	shalt  }
0x81: {  	_ =	shalt  }
0x82: {  	_ =	shalt  }
0x83: {  	_ =	shalt  }
0x84: {  	_ =	shalt  }
0x85: {  	_ =	shalt  }
0x86: {  	_ =	shalt  }
0x87: {  	_ =	shalt  }
.Lfunc_end0:
.L_simem_size_0:
called_computation_lowered:
.L_overlay_start_0:
0x88: {  	s2 =	sld [smem:$0x3FD9]  }
0x89: {  	s3 =	sld [smem:$0x3FFE];
	_ =	sdelay $0x1  }
0x8a: {  	s1 =	srdreg.scid  }
0x8b: {  	s0 =	sand.u32 $0x1, s1  }
0x8c: {  	s17 =	sshll.u32 s0, $0xA;
	s2 =	sadd.s32 s3, s2  }
0x8d: {  	s2 =	sadd.s32 s2, s17  }
0x8e: {  	[smem:$0x3FC1] =	sst s2  }
0x8f: {  	_ = 	snop  }
0x90: {  	s2 =	sld [smem:$0x3FC6]  }
0x91: {  	s18 =	sld [smem:$0x3FC4]  }
0x92: {  	s4 =	sld [smem:$0x3FC3];
	(tm) =	ssettm $0x1  }
0x93: {  	s5 =	sld [smem:$0x3FFB];
	_ =	sdelay $0x3  }
0x94: {  	_ =	strace s5  }
0x95: {  	s5 =	sld [smem:$0x3FFC];
	_ =	sdelay $0x3  }
0x96: {  	_ =	strace s5  }
0x97: {  	s5 =	sld [smem:$0x3FFD];
	_ =	sdelay $0x3  }
0x98: {  	_ =	strace s5  }
0x99: {  	_ =	strace $0x8FFFFFFF  }
0x9a: {  	s19 =	sld [smem:$0x3FDB];
	_ =	sdelay $0x1  }
0x9b: {  	s6 =	simm.s32 $_scs_section_size  }
0x9c: {  	s7 =	simm.s32 $_size__tile_overlayer_lowered;
	s8 =	simm.s32 $_tile_overlayer_lowered  }
0x9d: {  	s22 =	simm.s32 $0x1BFF;
	s21 =	sshll.u32 s8, $0x1;
	s5 =	sadd.s32 s6, s19  }
0x9e: {  	s9 =	simm.s32 $0x0;
	s20 =	sshll.u32 s7, $0x1;
	s7 =	sadd.s32 s21, s5  }
0x9f: {  	[timem:s9], [sflag:s22] =	dma.local [hbm:s7], s20  }
0xa0: {  	_ =	swait.ge [sflag:s22], s20  }
0xa1: {  	s6 =	ssub.s32 $0x0, s20;
	[sflag:s22] =	ssyncset.done $0x0  }
0xa2: {  	[sflag:s22] =	ssyncadd.s32 s6;
	_ =	sdelay $0x1  }
0xa3: {  	s23 =	simm.s32 $0x1B8B  }
0xa4: {  	_ =	swait.ge [sflag:s23], $0x1  }
0xa5: {  	[sflag:s23] =	ssyncset.done $0x0  }
0xa6: {  	s25 =	simm.s32 $0x1B8E;
	s24 =	sld [smem:$0x3FFE];
	[sflag:s23] =	ssyncadd.s32 $0xFFFFFFFF  }
0xa7: {  	s26 =	simm.s32 $execute0_lowered;
	[smem:$0x3FD2] =	sst s25  }
0xa8: {  	s7 =	sshll.u32 s26, $0x1;
	_ =	strace $0x80000046;
	[dreg:$0x1] =	wrdreg $0xFFFFFFFF  }
0xa9: {  	s28 =	simm.s32 $_size_execute0_lowered;
	s5 =	sadd.s32 s5, s7;
	[dreg:$0x0] =	wrdreg $0x0  }
0xaa: {  	s7 =	sshll.u32 s28, $0x1;
	[dreg:$0x2] =	wrdreg s5  }
0xab: {  	[dreg:$0x3] =	wrdreg s7  }
0xac: {  	[dreg:$0x4] =	wrdreg $0xC0  }
0xad: {  	_ =	task [dreg:s9], $0x5FFFF  }
0xae: {  	[dreg:$0x1] =	wrdreg $0xFFFFFFFF  }
0xaf: {  	[dreg:$0x0] =	wrdreg $0x60  }
0xb0: {  	[dreg:$0x2] =	wrdreg s24  }
0xb1: {  	[dreg:$0x3] =	wrdreg s2  }
0xb2: {  	[dreg:$0x4] =	wrdreg s18  }
0xb3: {  	[dreg:$0x5] =	wrdreg s4  }
0xb4: {  	[dreg:$0x6] =	wrdreg $0x9  }
0xb5: {  	_ =	task.clear_ibuf [dreg:s9], $0x7FFFF;
	_ =	strace $0x90000046  }
0xb6: {  	s29 =	simm.s32 $0x9;
	_ =	strace $0x80000048  }
0xb7: {  	_ =	swait.ge [sflag:s29], $0x1  }
0xb8: {  	[sflag:s29] =	ssyncadd.s32 $0xFFFFFFFF  }
0xb9: {  	_ =	strace $0x90000048  }
0xba: {  	_ =	sfence  }
0xbb: {  	s30 =	sld [smem:$0x0];
	_ =	sdelay $0x2  }
0xbc: {  	s31 =	sshll.u32 s1, $0xD;
	s1 =	sshrl.u32 s1, $0x2  }
0xbd: {  	s3 =	sand.u32 $0x4000, s31;
	s1 =	sadd.s32 s1, s30  }
0xbe: {  	s0 =	sor.u32 s3, s0;
	s1 =	sshll.u32 s1, $0x11  }
0xbf: {  	s0 =	sor.u32 s1, s0  }
0xc0: {  	s0 =	sadd.s32 $0x8F2B, s0  }
0xc1: {  	[sflag:s0] =	ssyncadd.remote.s32 $0x1  }
0xc2: {  	_ =	sfence.sel $0xFFFF  }
0xc3: {  	[dreg:$0x0] =	wrdreg $0xFFFFFFFF;
	(pc) =	sbr.abs _section_cstart, $3  }
0xc4: {  	[dreg:$0x1] =	wrdreg $0xFFFFFFFF  }
0xc5: {  	_ =	task.clear_ibuf [dreg:s9], $0x2FFFF;
	_ =	strace $0x9FFFFFFF  }
0xc6: {  	(tm) =	ssettm $0x7FFFFFFF  }
0xc7: {  	_ =	shalt  }
tec
execute0_lowered:
.L_overlay_start_1:
0x0: {  	(tag) =	ssettag $0x1  }
0x1: {  	s1 =	rddreg [dreg:$0x0];
	s7 =	srdreg.scid  }
0x2: {  	s0 =	rddreg [dreg:$0x1];
	s10 =	stileid.u32;
	s7 =	sand.u32 $0x1, s7  }
0x3: {  	s2 =	simm.s32 $0x0;
	s10 =	sshll.u32 s10, $0x8;
	s11 =	sshll.u32 s7, $0x7  }
0x4: {  	[smem:$0x7FF] =	sst s2;
	s10 =	sor.u32 s11, s10  }
0x5: {  	s3 =	sadd.s32 $0x1800, s1;
	s4 =	sadd.s32 $0x1600, s1;
	s14 =	sshrl.u32 s10, $0x3  }
0x6: {  	s5 =	sadd.s32 $0x1E00, s1;
	s6 =	sadd.s32 $0x1C00, s1;
	s23 =	sadd.s32 s3, s14  }
0x7: {  	s8 =	sadd.s32 $0x1A00, s1;
	s24 =	sadd.s32 s4, s14;
	[dreg:$0x5] =	wrdreg s23  }
0x8: {  	s9 =	sadd.s32 $0x2400, s1;
	s25 =	sadd.s32 s5, s14;
	[dreg:$0x6] =	wrdreg s24  }
0x9: {  	s12 =	sadd.s32 $0x2200, s1;
	s26 =	sadd.s32 s6, s14;
	[dreg:$0x7] =	wrdreg s25  }
0xa: {  	s22 =	sadd.s32 $0x2000, s1;
	s28 =	sadd.s32 s8, s14;
	[dreg:$0x8] =	wrdreg s26  }
0xb: {  	s15 =	sadd.s32 $0x4600, s1;
	s29 =	sadd.s32 s9, s14;
	[dreg:$0x9] =	wrdreg s28  }
0xc: {  	s30 =	sor.u32 $0x40, s10;
	s16 =	sadd.s32 s12, s14;
	[dreg:$0xa] =	wrdreg s29  }
0xd: {  	s18 =	sshll.u32 s10, $0x1;
	s14 =	sadd.s32 s22, s14;
	[dreg:$0xb] =	wrdreg s16  }
0xe: {  	s31 =	sshrl.u32 s30, $0x3;
	s10 =	sadd.s32 s15, s18;
	[dreg:$0xc] =	wrdreg s14  }
0xf: {  	s17 =	sadd.s32 $0x2600, s1;
	s3 =	sadd.s32 s3, s31;
	[dreg:$0x15] =	wrdreg s10  }
0x10: {  	s20 =	sadd.s32 $0x6600, s1;
	s4 =	sadd.s32 s4, s31;
	[dreg:$0xd] =	wrdreg s3  }
0x11: {  	s21 =	sadd.s32 $0x8600, s1;
	s5 =	sadd.s32 s5, s31;
	[dreg:$0xe] =	wrdreg s4  }
0x12: {  	s7 =	ssub.s32 $0x2, s7;
	s6 =	sadd.s32 s6, s31;
	[dreg:$0xf] =	wrdreg s5  }
0x13: {  	s13 =	sshrl.u32 s7, $0x1;
	s8 =	sadd.s32 s8, s31;
	[dreg:$0x10] =	wrdreg s6  }
0x14: {  	s11 =	simm.s32 $0x1C0;
	s9 =	sadd.s32 s9, s31;
	[dreg:$0x11] =	wrdreg s8  }
0x15: {  	s7 =	ssub.s32 s7, s13;
	s12 =	sadd.s32 s12, s31;
	[dreg:$0x12] =	wrdreg s9  }
0x16: {  	s19 =	sshll.u32 s30, $0x1;
	s16 =	sadd.s32 s22, s31;
	[dreg:$0x13] =	wrdreg s12  }
0x17: {  	s22 =	sadd.s32 $0xA600, s1;
	s23 =	sadd.s32 s17, s18;
	[dreg:$0x14] =	wrdreg s16  }
0x18: {  	s24 =	sadd.s32 s20, s18;
	s25 =	sadd.s32 s21, s18;
	[dreg:$0x16] =	wrdreg s23  }
0x19: {  	s26 =	sadd.s32 s15, s19;
	s28 =	sadd.s32 s20, s19;
	[dreg:$0x17] =	wrdreg s24  }
0x1a: {  	s29 =	sadd.s32 s21, s19;
	s31 =	smax.u32 s7, $0x1;
	[dreg:$0x18] =	wrdreg s25  }
0x1b: {  	s7 =	simm.s32 $0xC0;
	s10 =	simm.s32 $0x180;
	[dreg:$0x1a] =	wrdreg s26  }
0x1c: {  	s20 =	simm.s32 $0x240;
	s21 =	simm.s32 $0x10280;
	[dreg:$0x1c] =	wrdreg s28  }
0x1d: {  	s4 =	sadd.s32 s22, s18;
	s3 =	sadd.s32 s17, s19;
	[dreg:$0x1d] =	wrdreg s29  }
0x1e: {  	s30 =	sadd.s32 s22, s19;
	s5 =	simm.s32 $0x40;
	s6 =	simm.s32 $0x80  }
0x1f: {  	s8 =	simm.s32 $0x100;
	s9 =	simm.s32 $0x140;
	s18 =	simm.s32 $0x200  }
0x20: {  	s19 =	simm.s32 $0xE280;
	s22 =	simm.s32 $0x12280;
	[dreg:$0x19] =	wrdreg s4  }
0x21: {  	s24 =	simm.s32 $0x14280;
	s25 =	simm.s32 $0x1;
	[dreg:$0x1b] =	wrdreg s3  }
0x22: {  	s26 =	simm.s32 $0x0;
	[dreg:$0x1e] =	wrdreg s30;
	s3 =	sadd.s32 $0x189000, s1  }
0x23: {  	v0 =	vlaneseq.u32;
	s4 =	simm.s32 $0x2;
	_ =	strace $0x80000047;
	[dreg:$0x1f] =	wrdreg s31  }
.LBB2_1:
0x24: {  	s1 =	rddreg [dreg:$0x5]  }
0x25: {  	[tilespmem:s2], [sflag:$0x2] =	stream.linear.gather [hbm4b:s1+s2], $0x40, $0x38;
	[tilespmem:$0x17680] =	vst v63  }
0x26: {  	_ =	swait.ge [sflag:s4], $0x40  }
0x27: {  	[sflag:s4] =	ssyncset.done $0x0  }
0x28: {  	s12 =	rddreg [dreg:$0x6];
	[sflag:s4] =	ssyncadd.s32 $0xFFFFFFC0  }
0x29: {  	[tilespmem:s5], [sflag:$0x2] =	stream.linear.gather [hbm4b:s12+s2], $0x40, $0x38;
	[tilespmem:$0x17680] =	vst v63  }
0x2a: {  	_ =	swait.ge [sflag:s4], $0x40  }
0x2b: {  	[sflag:s4] =	ssyncset.done $0x0  }
0x2c: {  	s13 =	rddreg [dreg:$0x7];
	[sflag:s4] =	ssyncadd.s32 $0xFFFFFFC0  }
0x2d: {  	[tilespmem:s6], [sflag:$0x2] =	stream.linear.gather [hbm4b:s13+s2], $0x40, $0x38;
	[tilespmem:$0x17680] =	vst v63  }
0x2e: {  	_ =	swait.ge [sflag:s4], $0x40  }
0x2f: {  	[sflag:s4] =	ssyncset.done $0x0  }
0x30: {  	s14 =	rddreg [dreg:$0x8];
	[sflag:s4] =	ssyncadd.s32 $0xFFFFFFC0  }
0x31: {  	[tilespmem:s7], [sflag:$0x2] =	stream.linear.gather [hbm4b:s14+s2], $0x40, $0x38;
	[tilespmem:$0x17680] =	vst v63  }
0x32: {  	_ =	swait.ge [sflag:s4], $0x40  }
0x33: {  	[sflag:s4] =	ssyncset.done $0x0  }
0x34: {  	s15 =	rddreg [dreg:$0x9];
	[sflag:s4] =	ssyncadd.s32 $0xFFFFFFC0  }
0x35: {  	[tilespmem:s8], [sflag:$0x2] =	stream.linear.gather [hbm4b:s15+s2], $0x40, $0x38;
	[tilespmem:$0x17680] =	vst v63  }
0x36: {  	_ =	swait.ge [sflag:s4], $0x40  }
0x37: {  	[sflag:s4] =	ssyncset.done $0x0  }
0x38: {  	s16 =	rddreg [dreg:$0xa];
	[sflag:s4] =	ssyncadd.s32 $0xFFFFFFC0  }
0x39: {  	[tilespmem:s9], [sflag:$0x2] =	stream.linear.gather [hbm4b:s16+s2], $0x40, $0x38;
	[tilespmem:$0x17680] =	vst v63  }
0x3a: {  	_ =	swait.ge [sflag:s4], $0x40  }
0x3b: {  	[sflag:s4] =	ssyncset.done $0x0  }
0x3c: {  	s17 =	rddreg [dreg:$0xb];
	[sflag:s4] =	ssyncadd.s32 $0xFFFFFFC0  }
0x3d: {  	[tilespmem:s10], [sflag:$0x2] =	stream.linear.gather [hbm4b:s17+s2], $0x40, $0x38;
	[tilespmem:$0x17680] =	vst v63  }
0x3e: {  	_ =	swait.ge [sflag:s4], $0x40  }
0x3f: {  	[sflag:s4] =	ssyncset.done $0x0  }
0x40: {  	s23 =	rddreg [dreg:$0xc];
	[sflag:s4] =	ssyncadd.s32 $0xFFFFFFC0  }
0x41: {  	[tilespmem:s11], [sflag:$0x2] =	stream.linear.gather [hbm4b:s23+s2], $0x40, $0x38;
	[tilespmem:$0x17680] =	vst v63  }
0x42: {  	_ =	swait.ge [sflag:s4], $0x40  }
0x43: {  	[sflag:s4] =	ssyncset.done $0x0  }
0x44: {  	[sflag:s4] =	ssyncadd.s32 $0xFFFFFFC0  }
0x45: {  	v1 =	vld [tilespmem:$0x140]  }
0x46: {  	v2 =	vld [tilespmem:$0x1C0]  }
0x47: {  	v3 =	vld [tilespmem:$0x150]  }
0x48: {  	v4 =	vld [tilespmem:$0x1D0]  }
0x49: {  	v5 =	vld [tilespmem:$0x160]  }
0x4a: {  	v6 =	vld [tilespmem:$0x1E0];
	v1 =	vshrl.u32 v1, $0x1  }
0x4b: {  	[tilespmem:$0x200] =	vst v1;
	v1 =	vshrl.u32 v2, $0x1;
	v2 =	vld [tilespmem:$0x170]  }
0x4c: {  	[tilespmem:$0x240] =	vst v1;
	v1 =	vshrl.u32 v3, $0x1;
	v3 =	vld [tilespmem:$0x1F0]  }
0x4d: {  	[tilespmem:$0x210] =	vst v1;
	v1 =	vshrl.u32 v4, $0x1  }
0x4e: {  	[tilespmem:$0x250] =	vst v1;
	v1 =	vshrl.u32 v5, $0x1  }
0x4f: {  	[tilespmem:$0x220] =	vst v1;
	v1 =	vshrl.u32 v6, $0x1  }
0x50: {  	[tilespmem:$0x260] =	vst v1;
	v1 =	vshrl.u32 v2, $0x1  }
0x51: {  	[tilespmem:$0x230] =	vst v1;
	v1 =	vshrl.u32 v3, $0x1  }
0x52: {  	s28 =	simm.s32 $0x280;
	[tilespmem:$0x270] =	vst v1  }
0x53: {  	[tilespmem:s28], [sflag:$0x1] =	stream.indirect.gather [hbm4b:s0+s5], $0x80, s2, s5, $0xb8;
	[tilespmem:$0x17680] =	vst v63  }
0x54: {  	s12 =	simm.s32 $0x2280  }
0x55: {  	[tilespmem:s12], [sflag:$0x1] =	stream.indirect.gather [hbm4b:s0+s5], $0x80, s5, s5, $0xb8;
	[tilespmem:$0x17680] =	vst v63  }
0x56: {  	s13 =	simm.s32 $0x4280  }
0x57: {  	[tilespmem:s13], [sflag:$0x1] =	stream.indirect.gather [hbm4b:s0+s5], $0x80, s6, s5, $0xb8;
	[tilespmem:$0x17680] =	vst v63  }
0x58: {  	s14 =	simm.s32 $0x6280  }
0x59: {  	[tilespmem:s14], [sflag:$0x1] =	stream.indirect.gather [hbm4b:s0+s5], $0x80, s7, s5, $0xb8;
	[tilespmem:$0x17680] =	vst v63  }
0x5a: {  	s15 =	simm.s32 $0x8280  }
0x5b: {  	[tilespmem:s15], [sflag:$0x1] =	stream.indirect.gather [hbm4b:s0+s5], $0x80, s8, s5, $0xb8;
	[tilespmem:$0x17680] =	vst v63  }
0x5c: {  	s16 =	simm.s32 $0xA280  }
0x5d: {  	[tilespmem:s16], [sflag:$0x1] =	stream.indirect.gather [hbm4b:s0+s5], $0x80, s9, s5, $0xb8;
	[tilespmem:$0x17680] =	vst v63  }
0x5e: {  	s17 =	simm.s32 $0xC280  }
0x5f: {  	[tilespmem:s17], [sflag:$0x1] =	stream.indirect.gather [hbm4b:s0+s5], $0x80, s11, s5, $0xb8;
	[tilespmem:$0x17680] =	vst v63  }
0x60: {  	_ = 	snop  }
0x61: {  	[tilespmem:s19], [sflag:$0x1] =	stream.indirect.gather [hbm4b:s3+s5], $0x80, s18, s5, $0xb8;
	[tilespmem:$0x17680] =	vst v63  }
0x62: {  	_ = 	snop  }
0x63: {  	[tilespmem:s21], [sflag:$0x1] =	stream.indirect.gather [hbm4b:s3+s5], $0x80, s20, s5, $0xb8;
	[tilespmem:$0x17680] =	vst v63  }
0x64: {  	s23 =	rddreg [dreg:$0x2]  }
0x65: {  	[tilespmem:s22], [sflag:$0x1] =	stream.indirect.gather [hbm4b:s23+s5], $0x80, s10, s5, $0xb8;
	[tilespmem:$0x17680] =	vst v63  }
0x66: {  	s28 =	rddreg [dreg:$0x3]  }
0x67: {  	[tilespmem:s24], [sflag:$0x1] =	stream.indirect.gather [hbm4b:s28+s5], $0x80, s10, s5, $0xb8;
	[tilespmem:$0x17680] =	vst v63  }
0x68: {  	_ =	swait.ge [sflag:s25], $0x2000  }
0x69: {  	[sflag:s25] =	ssyncset.done $0x0  }
0x6a: {  	[sflag:s25] =	ssyncadd.s32 $0xFFFFE000  }
0x6b: {  	_ =	swait.ge [sflag:s25], $0x2000  }
0x6c: {  	[sflag:s25] =	ssyncset.done $0x0  }
0x6d: {  	[sflag:s25] =	ssyncadd.s32 $0xFFFFE000  }
0x6e: {  	_ =	swait.ge [sflag:s25], $0x2000  }
0x6f: {  	[sflag:s25] =	ssyncset.done $0x0  }
0x70: {  	[sflag:s25] =	ssyncadd.s32 $0xFFFFE000  }
0x71: {  	_ =	swait.ge [sflag:s25], $0x2000  }
0x72: {  	[sflag:s25] =	ssyncset.done $0x0  }
0x73: {  	[sflag:s25] =	ssyncadd.s32 $0xFFFFE000  }
0x74: {  	_ =	swait.ge [sflag:s25], $0x2000  }
0x75: {  	[sflag:s25] =	ssyncset.done $0x0  }
0x76: {  	[sflag:s25] =	ssyncadd.s32 $0xFFFFE000  }
0x77: {  	_ =	swait.ge [sflag:s25], $0x2000  }
0x78: {  	[sflag:s25] =	ssyncset.done $0x0  }
0x79: {  	[sflag:s25] =	ssyncadd.s32 $0xFFFFE000  }
0x7a: {  	_ =	swait.ge [sflag:s25], $0x2000  }
0x7b: {  	[sflag:s25] =	ssyncset.done $0x0  }
0x7c: {  	[sflag:s25] =	ssyncadd.s32 $0xFFFFE000  }
0x7d: {  	_ =	swait.ge [sflag:s25], $0x2000  }
0x7e: {  	[sflag:s25] =	ssyncset.done $0x0  }
0x7f: {  	[sflag:s25] =	ssyncadd.s32 $0xFFFFE000  }
0x80: {  	_ =	swait.ge [sflag:s25], $0x2000  }
0x81: {  	[sflag:s25] =	ssyncset.done $0x0  }
0x82: {  	[sflag:s25] =	ssyncadd.s32 $0xFFFFE000  }
0x83: {  	_ =	swait.ge [sflag:s25], $0x2000  }
0x84: {  	[sflag:s25] =	ssyncset.done $0x0  }
0x85: {  	s29 =	simm.s32 $0x16680;
	[sflag:s25] =	ssyncadd.s32 $0xFFFFE000  }
0x86: {  	s30 =	simm.s32 $0x16280;
	s31 =	simm.s32 $0x0;
	_ =	swait.ge [sflag:s25], $0x2000  }
0x87: {  	s12 =	simm.s32 $0x17280;
	s13 =	simm.s32 $0x16E80;
	[sflag:s25] =	ssyncset.done $0x0  }
0x88: {  	s14 =	simm.s32 $0x16A80;
	s15 =	simm.s32 $0x0;
	[sflag:s25] =	ssyncadd.s32 $0xFFFFE000  }
.LBB2_2:
0x89: {  	s23 =	sand.u32 $0x30, s15;
	s28 =	sand.u32 $0xF, s15  }
0x8a: {  	v1 =	vld [tilespmem:s23+$0x140];
	v2 =	vmov s28  }
0x8b: {  	vm0 =	veq.s32 v2, v0;
	v2 =	vld [tilespmem:s23+$0x1C0];
	s23 =	sshra.s32 s31, $0x2  }
0x8c: {  	v3 =	vld [tilespmem:s23+$0x2C0]  }
0x8d: {  	v4 =	vld [tilespmem:s23+$0x42C0]  }
0x8e: {  	v5 =	vld [tilespmem:s23+$0x62C0]  }
0x8f: {  	v6 =	vld [tilespmem:s23+$0x6280]  }
0x90: {  	v7 =	vld [tilespmem:s23+$0x2280]  }
0x91: {  	v8 =	vld [tilespmem:s23+$0x22C0]  }
0x92: {  	v9 =	vld [tilespmem:s23+$0x8280]  }
0x93: {  	v10 =	vld [tilespmem:s23+$0x82C0]  }
0x94: {  	v13 =	vld [tilespmem:s23+$0xA280]  }
0x95: {  	v40 =	vld [tilespmem:s23+$0xA2C0]  }
0x96: {  	v41 =	vld [tilespmem:s23+$0xC280]  }
0x97: {  	v42 =	vld [tilespmem:s23+$0xC2C0]  }
0x98: {  	v14 =	vld [tilespmem:s23+$0x12280]  }
0x99: {  	v15 =	vld [tilespmem:s23+$0x122C0]  }
0x9a: {  	v17 =	vld [tilespmem:s23+$0x4290]  }
0x9b: {  	v45 =	vld [tilespmem:s23+$0x42D0];
	v1 =	vnsel vm0, $0x0, v1  }
0x9c: {  	v46 =	vld [tilespmem:s23+$0x62D0];
	(xrf0) =	vadd.scan.msk.s32 $0xffff, v1;
	v1 =	vnsel vm0, $0x0, v2  }
0x9d: {  	v18 =	vld [tilespmem:s23+$0x6290];
	(xrf0) =	vadd.scan.msk.s32 $0xffff, v1  }
0x9e: {  	v49 =	vld [tilespmem:s23+$0x290]  }
0x9f: {  	v50 =	vld [tilespmem:s23+$0x2290]  }
0xa0: {  	v19 =	vld [tilespmem:s23+$0x2D0]  }
0xa1: {  	v57 =	vld [tilespmem:s23+$0x82D0]  }
0xa2: {  	v32 =	vld [tilespmem:s23+$0x42E0];
	v1, _, _ =	vpop (xrf0)  }
0xa3: {  	(v2sf) =	vpush v1, $0xF;
	v1 =	vld [tilespmem:s23+$0x280];
	v2, _, _ =	vpop (xrf0)  }
0xa4: {  	(v2sf) =	vpush v2, $0xF;
	v2 =	vld [tilespmem:s23+$0x4280]  }
0xa5: {  	v31 =	vld [tilespmem:s23+$0x42A0];
	v4 =	vand.u32 $0x7FFFFFFF, v4;
	v5 =	vand.u32 $0x7FFFFFFF, v5;
	v3 =	vand.u32 $0x7FFFFFFF, v3  }
0xa6: {  	v51 =	vld [tilespmem:s23+$0x14280];
	v8 =	vand.u32 $0x7FFFFFFF, v8;
	v48 =	vand.u32 $0x7FFFFFFF, v10;
	v56 =	vand.u32 $0x7FFFFFFF, v19  }
0xa7: {  	v52 =	vld [tilespmem:s23+$0x142C0];
	v26 =	vand.u32 $0x7FFFFFFF, v57;
	v15 =	vand.u32 $0x7FFFFFFF, v15;
	v12 =	vsub.f32 v6, v5  }
0xa8: {  	v60 =	vld [tilespmem:s23+$0xA2D0];
	v39 =	vadd.f32 v5, v6;
	v5 =	vand.u32 $0x7FFFFFFF, v40;
	v1 =	vsub.f32 v1, v7  }
0xa9: {  	v53 =	vld [tilespmem:s23+$0x8290];
	v40 =	vand.u32 $0x7FFFFFFF, v32;
	v11 =	vsub.f32 v2, v4;
	v2 =	vadd.f32 v4, v2  }
0xaa: {  	v54 =	vld [tilespmem:s23+$0x22D0];
	v4 =	vand.u32 $0x7FFFFFFF, v42;
	v42 =	vsub.f32 v31, v40;
	v1 =	vand.u32 $0x7FFFFFFF, v1  }
0xab: {  	v59 =	vld [tilespmem:s23+$0xA290];
	v11 =	vmax.f32 v11, v12;
	v2 =	vmin.f32 v2, v39;
	v1 =	vadd.f32 v1, v3  }
0xac: {  	v61 =	vld [tilespmem:s23+$0xC290];
	v29 =	vand.u32 $0x7FFFFFFF, v52;
	v12 =	vadd.f32 v2, v11;
	v44 =	vsub.f32 v2, v11  }
0xad: {  	v63 =	vld [tilespmem:s23+$0xC2D0];
	v37 =	vand.u32 $0x7FFFFFFF, v60;
	v2 =	vsub.f32 v11, v2;
	v1 =	vsub.f32 v1, v8  }
0xae: {  	v33 =	vld [tilespmem:s23+$0x62E0];
	v8 =	vsub.f32 v49, v50;
	v43 =	vmul.f32 $5.000000000e-01, v12;
	v12 =	vand.u32 $0x7FFFFFFF, v44  }
0xaf: {  	v34 =	vld [tilespmem:s23+$0x62A0];
	v11 =	vadd.f32 v40, v31;
	v2 =	vmax.f32 v2, $0.0e+00;
	v3 =	vmul.f32 $5.000000000e-01, v12  }
0xb0: {  	v24 =	vld [tilespmem:s23+$0x12290];
	v1 =	vadd.f32 $-1.000000010e-01, v1;
	v12 =	vand.u32 $0x7FFFFFFF, v46;
	v8 =	vand.u32 $0x7FFFFFFF, v8  }
0xb1: {  	v25 =	vld [tilespmem:s23+$0x122D0];
	v2 =	vmul.f32 v2, v2;
	v7 =	vsub.f32 v43, v9;
	v21 =	vsub.f32 v18, v12  }
0xb2: {  	v35 =	vld [tilespmem:s23+$0x142D0];
	v9 =	vand.u32 $0x7FFFFFFF, v45;
	v12 =	vadd.f32 v12, v18;
	v8 =	vadd.f32 v8, v56  }
0xb3: {  	v38 =	vld [tilespmem:s23+$0x2A0];
	v18 =	vand.u32 $0x7FFFFFFF, v33;
	v20 =	vsub.f32 v17, v9;
	v9 =	vadd.f32 v9, v17  }
0xb4: {  	v39 =	vld [tilespmem:s23+$0x22A0];
	v43 =	vand.u32 $0x7FFFFFFF, v63;
	v1 =	vmax.f32 v1, $0.0e+00;
	v44 =	vsub.f32 v34, v18;
	s17 =	spop (v2sf)  }
0xb5: {  	v27 =	vld [tilespmem:s23+$0x14290];
	v7 =	vand.u32 $0x7FFFFFFF, v7;
	s28 =	sand.u32 $0x1, s17;
	v20 =	vmax.f32 v20, v21;
	v9 =	vmin.f32 v9, v12  }
0xb6: {  	s16 =	sadd.s32 $0xE280, s23;
	v56 =	vld [tilespmem:s23+$0xC2E0];
	v3 =	vadd.f32 v7, v3;
	v12 =	vand.u32 $0x7FFFFFFF, v54;
	p0 =	seq.s32 s28, $0x1;
	s28 =	sadd.s32 $0xE2C0, s23;
	v55 =	vadd.f32 v9, v20  }
0xb7: {  	v45 =	vld [tilespmem:s23+$0x22E0];
	v17 =	vand.u32 $0x7FFFFFFF, v25;
	v58 =	vsub.f32 v9, v20;
	v8 =	vsub.f32 v8, v12;
	s16 =	smov.u32 @p0 s28;
	s28 =	spop (v2sf)  }
0xb8: {  	v1 =	vmul.f32 v1, v1;
	v36 =	vsub.f32 v20, v9;
	v3 =	vsub.f32 v3, v48;
	v16 =	vld [tilespmem:s16+$0x0];
	s16 =	sand.u32 $0x1, s28  }
0xb9: {  	v21 =	vand.u32 $0x7FFFFFFF, v35;
	v48 =	vsub.f32 v38, v39;
	s28 =	sadd.s32 $0x10280, s23;
	v8 =	vadd.f32 $-1.000000010e-01, v8;
	p1 =	seq.s32 s16, $0x1;
	s16 =	sadd.s32 $0x102C0, s23  }
0xba: {  	v39 =	vld [tilespmem:s23+$0x82F0];
	v10 =	vmul.f32 $5.000000000e-01, v55;
	v19 =	vand.u32 $0x7FFFFFFF, v58;
	v3 =	vadd.f32 $-1.000000010e-01, v3;
	s28 =	smov.u32 @p1 s16  }
0xbb: {  	v40 =	vand.u32 $0x7FFFFFFF, v56;
	v62 =	vmul.f32 $5.000000000e-01, v19;
	v8 =	vmax.f32 v8, $0.0e+00;
	v47 =	vld [tilespmem:s28+$0x0]  }
0xbc: {  	v52 =	vld [tilespmem:s23+$0xA2E0];
	v10 =	vsub.f32 v10, v53;
	v3 =	vmax.f32 v3, $0.0e+00;
	v8 =	vmul.f32 v8, v8  }
0xbd: {  	v50 =	vld [tilespmem:s23+$0xA2A0];
	v19 =	vmax.f32 v42, v44;
	s16 =	sadd.s32 $0xE2D0, s23;
	s28 =	sadd.s32 $0xE290, s23;
	v3 =	vmul.f32 v3, v3;
	v6 =	vadd.f32 v16, v41  }
0xbe: {  	v10 =	vand.u32 $0x7FFFFFFF, v10;
	s28 =	smov.u32 @p0 s16;
	v1 =	vadd.f32 v8, v1;
	v41 =	vld [tilespmem:s23+$0x2E0];
	v8 =	vadd.f32 v18, v34  }
0xbf: {  	s17 =	sadd.s32 $0x10290, s23;
	s16 =	sadd.s32 $0x102D0, s23;
	v56 =	vand.u32 $0x7FFFFFFF, v39;
	v10 =	vadd.f32 v10, v62;
	v28 =	vld [tilespmem:s28+$0x0];
	v18 =	vand.u32 $0x7FFFFFFF, v45  }
0xc0: {  	v46 =	vld [tilespmem:s23+$0x82A0];
	s17 =	smov.u32 @p1 s16;
	v6 =	vsub.f32 v6, v51;
	v8 =	vmin.f32 v11, v8;
	v7 =	vadd.f32 v47, v13  }
0xc1: {  	s16 =	sadd.s32 $0x102E0, s23;
	v30 =	vld [tilespmem:s17+$0x0];
	s17 =	sadd.s32 $0x102A0, s23;
	v11 =	vand.u32 $0x7FFFFFFF, v48;
	v49 =	vadd.f32 v8, v19;
	v53 =	vsub.f32 v8, v19  }
0xc2: {  	v58 =	vld [tilespmem:s23+$0x122E0];
	s17 =	smov.u32 @p1 s16;
	v8 =	vsub.f32 v19, v8;
	v6 =	vand.u32 $0x7FFFFFFF, v6;
	v7 =	vsub.f32 v7, v14  }
0xc3: {  	v55 =	vld [tilespmem:s17+$0x0];
	v4 =	vadd.f32 v6, v4;
	v6 =	vsub.f32 v10, v26;
	v51 =	vand.u32 $0x7FFFFFFF, v41  }
0xc4: {  	v57 =	vld [tilespmem:s23+$0x122A0];
	s16 =	sadd.s32 $0xE2E0, s23;
	s17 =	sadd.s32 $0xE2A0, s23;
	v10 =	vadd.f32 v28, v61;
	v13 =	vmul.f32 $5.000000000e-01, v49;
	v11 =	vadd.f32 v11, v51  }
0xc5: {  	v60 =	vld [tilespmem:s23+$0x142E0];
	s17 =	smov.u32 @p0 s16;
	v7 =	vand.u32 $0x7FFFFFFF, v7;
	v4 =	vsub.f32 v4, v29;
	v6 =	vadd.f32 $-1.000000010e-01, v6  }
0xc6: {  	v16 =	vand.u32 $0x7FFFFFFF, v52;
	v63 =	vld [tilespmem:s17+$0x0];
	v5 =	vadd.f32 v7, v5;
	v7 =	vsub.f32 v10, v27  }
0xc7: {  	v31 =	vmax.f32 v8, $0.0e+00;
	v51 =	vld [tilespmem:s23+$0xA2F0];
	v10 =	vsub.f32 v13, v46;
	v11 =	vsub.f32 v11, v18  }
0xc8: {  	s16 =	sadd.s32 $0x102F0, s23;
	v28 =	vld [tilespmem:s23+$0x42F0];
	s17 =	sadd.s32 $0x102B0, s23;
	v14 =	vadd.f32 v55, v50;
	v18 =	vand.u32 $0x7FFFFFFF, v58;
	v6 =	vmax.f32 v6, $0.0e+00  }
0xc9: {  	v41 =	vld [tilespmem:s23+$0xA2B0];
	s17 =	smov.u32 @p1 s16;
	v4 =	vadd.f32 $-1.000000010e-01, v4;
	v5 =	vsub.f32 v5, v15;
	v6 =	vmul.f32 v6, v6  }
0xca: {  	v44 =	vld [tilespmem:s17+$0x0];
	v15 =	vadd.f32 v30, v59;
	v7 =	vand.u32 $0x7FFFFFFF, v7;
	v10 =	vand.u32 $0x7FFFFFFF, v10  }
0xcb: {  	v27 =	vld [tilespmem:s23+$0x42B0];
	v11 =	vadd.f32 $-1.000000010e-01, v11;
	v23 =	vsub.f32 v14, v57;
	v4 =	vmax.f32 v4, $0.0e+00  }
0xcc: {  	v55 =	vld [tilespmem:s23+$0x142F0];
	v7 =	vadd.f32 v7, v43;
	v14 =	vand.u32 $0x7FFFFFFF, v51;
	v5 =	vadd.f32 $-1.000000010e-01, v5  }
0xcd: {  	v3 =	vadd.f32 v6, v3;
	v12 =	vsub.f32 v15, v24;
	v4 =	vmul.f32 v4, v4  }
0xce: {  	v6 =	vmax.f32 v36, $0.0e+00;
	v11 =	vmax.f32 v11, $0.0e+00;
	v36 =	vand.u32 $0x7FFFFFFF, v28  }
0xcf: {  	v15 =	vand.u32 $0x7FFFFFFF, v60;
	v13 =	vadd.f32 v44, v41;
	v12 =	vand.u32 $0x7FFFFFFF, v12  }
0xd0: {  	v47 =	vld [tilespmem:s23+$0x82E0];
	v7 =	vsub.f32 v7, v21;
	v6 =	vmul.f32 v6, v6;
	v9 =	vadd.f32 v12, v37  }
0xd1: {  	v35 =	vld [tilespmem:s23+$0x22F0];
	v11 =	vmul.f32 v11, v11;
	v21 =	vsub.f32 v27, v36;
	v57 =	vand.u32 $0x7FFFFFFF, v55  }
0xd2: {  	v48 =	vld [tilespmem:s23+$0x122B0];
	v5 =	vmax.f32 v5, $0.0e+00;
	v9 =	vsub.f32 v9, v17;
	v17 =	vand.u32 $0x7FFFFFFF, v53  }
0xd3: {  	v54 =	vld [tilespmem:s23+$0xC2A0];
	v5 =	vmul.f32 v5, v5;
	v7 =	vadd.f32 $-1.000000010e-01, v7;
	v17 =	vmul.f32 $5.000000000e-01, v17  }
0xd4: {  	v29 =	vld [tilespmem:s23+$0x62F0];
	v2 =	vadd.f32 v6, v2;
	v6 =	vmul.f32 v31, v31;
	v9 =	vadd.f32 $-1.000000010e-01, v9  }
0xd5: {  	v30 =	vld [tilespmem:s23+$0x62B0];
	v12 =	vand.u32 $0x7FFFFFFF, v47;
	v1 =	vadd.f32 v11, v1;
	v10 =	vadd.f32 v10, v17  }
0xd6: {  	v11 =	vand.u32 $0x7FFFFFFF, v35;
	v2 =	vadd.f32 v6, v2;
	v9 =	vmax.f32 v9, $0.0e+00  }
0xd7: {  	v59 =	vld [tilespmem:s23+$0x142A0];
	v53 =	vsub.f32 v13, v48;
	v61 =	vmul.f32 v9, v9;
	v62 =	vsub.f32 v10, v12  }
0xd8: {  	s1 =	sadd.s32 $0xE2B0, s23;
	v33 =	vld [tilespmem:s23+$0x2F0];
	s28 =	sadd.s32 $0xE2F0, s23;
	v12 =	vand.u32 $0x7FFFFFFF, v23;
	v10 =	vadd.f32 v63, v54;
	v9 =	vadd.f32 v36, v27  }
0xd9: {  	v34 =	vld [tilespmem:s23+$0x22B0];
	s1 =	smov.u32 @p0 s28;
	v12 =	vadd.f32 v12, v16;
	v16 =	vand.u32 $0x7FFFFFFF, v29;
	v5 =	vadd.f32 v61, v5  }
0xda: {  	v45 =	vld [tilespmem:s1+$0x0];
	v7 =	vmax.f32 v7, $0.0e+00;
	v26 =	vadd.f32 $-1.000000010e-01, v62;
	v38 =	vsub.f32 v30, v16  }
0xdb: {  	v24 =	vld [tilespmem:s23+$0x2B0];
	v25 =	vmul.f32 v7, v7;
	v16 =	vadd.f32 v16, v30;
	v32 =	vsub.f32 v12, v18  }
0xdc: {  	v43 =	vld [tilespmem:s23+$0xC2B0];
	v10 =	vsub.f32 v10, v59;
	v7 =	vmax.f32 v26, $0.0e+00;
	v42 =	vmax.f32 v21, v38  }
0xdd: {  	v37 =	vld [tilespmem:s23+$0x82B0];
	v9 =	vmin.f32 v9, v16;
	v7 =	vmul.f32 v7, v7;
	v8 =	vadd.f32 $-1.000000010e-01, v32  }
0xde: {  	v12 =	vand.u32 $0x7FFFFFFF, v33;
	v10 =	vand.u32 $0x7FFFFFFF, v10;
	v18 =	vadd.f32 v9, v42  }
0xdf: {  	v49 =	vld [tilespmem:s23+$0x142B0];
	v47 =	vsub.f32 v9, v42;
	v3 =	vadd.f32 v7, v3;
	v8 =	vmax.f32 v8, $0.0e+00  }
0xe0: {  	v54 =	vld [tilespmem:s23+$0x122F0];
	v7 =	vsub.f32 v24, v34;
	v46 =	vmul.f32 $5.000000000e-01, v18;
	v8 =	vmul.f32 v8, v8  }
0xe1: {  	v6 =	vadd.f32 v10, v40;
	v10 =	vadd.f32 v45, v43;
	v50 =	vand.u32 $0x7FFFFFFF, v47  }
0xe2: {  	v52 =	vld [tilespmem:s23+$0xC2F0];
	v7 =	vand.u32 $0x7FFFFFFF, v7;
	v5 =	vadd.f32 v8, v5;
	v8 =	vsub.f32 v46, v37  }
0xe3: {  	v4 =	vadd.f32 v25, v4;
	v7 =	vadd.f32 v7, v12;
	v12 =	vmul.f32 $5.000000000e-01, v50  }
0xe4: {  	v9 =	vsub.f32 v42, v9;
	v10 =	vsub.f32 v10, v49;
	v8 =	vand.u32 $0x7FFFFFFF, v8  }
0xe5: {  	v13 =	vand.u32 $0x7FFFFFFF, v54;
	v6 =	vsub.f32 v6, v15;
	v8 =	vadd.f32 v8, v12  }
0xe6: {  	v10 =	vand.u32 $0x7FFFFFFF, v10;
	v7 =	vsub.f32 v7, v11;
	v12 =	vand.u32 $0x7FFFFFFF, v53  }
0xe7: {  	v11 =	vand.u32 $0x7FFFFFFF, v52;
	v12 =	vadd.f32 v12, v14;
	v8 =	vsub.f32 v8, v56  }
0xe8: {  	v9 =	vmax.f32 v9, $0.0e+00;
	v10 =	vadd.f32 v10, v11;
	v7 =	vadd.f32 $-1.000000010e-01, v7  }
0xe9: {  	v59 =	vmul.f32 v9, v9;
	v12 =	vsub.f32 v12, v13;
	v8 =	vadd.f32 $-1.000000010e-01, v8  }
0xea: {  	v6 =	vadd.f32 $-1.000000010e-01, v6;
	v10 =	vsub.f32 v10, v57;
	v7 =	vmax.f32 v7, $0.0e+00  }
0xeb: {  	v7 =	vmul.f32 v7, v7;
	v58 =	vadd.f32 $-1.000000010e-01, v12;
	v8 =	vmax.f32 v8, $0.0e+00  }
0xec: {  	v6 =	vmax.f32 v6, $0.0e+00;
	v10 =	vadd.f32 $-1.000000010e-01, v10;
	v8 =	vmul.f32 v8, v8  }
0xed: {  	v6 =	vmul.f32 v6, v6;
	v1 =	vadd.f32 v7, v1;
	v60 =	vmax.f32 v58, $0.0e+00  }
0xee: {  	p0 =	sne.s32 s31, $0x7E00;
	v62 =	vmax.f32 v10, $0.0e+00;
	v61 =	vmul.f32 v60, v60;
	v3 =	vadd.f32 v8, v3  }
.Ltmp0:
0xef: {  	v2 =	vadd.f32 v59, v2;
	v4 =	vadd.f32 v6, v4;
	v63 =	vmul.f32 v62, v62;
	[tilespmem:s30+$0x0] =	vst v1;
	(pc) =	sbr.rel @p0 .LBB2_2-.Ltmp0, $4  }
0xf0: {  	v1 =	vadd.f32 v61, v5;
	[tilespmem:s29+$0x0] =	vst v3  }
0xf1: {  	s15 =	sadd.s32 $0x1, s15;
	v3 =	vadd.f32 v63, v4;
	[tilespmem:s14+$0x0] =	vst v2  }
0xf2: {  	s31 =	sadd.s32 $0x200, s31;
	s30 =	sadd.s32 $0x10, s30;
	s29 =	sadd.s32 $0x10, s29;
	[tilespmem:s13+$0x0] =	vst v1  }
0xf3: {  	s14 =	sadd.s32 $0x10, s14;
	s13 =	sadd.s32 $0x10, s13;
	[tilespmem:s12+$0x0] =	vst v3;
	s12 =	sadd.s32 $0x10, s12  }
0xf4: {  	s12 =	simm.s32 $0x0;
	s29 =	simm.s32 $0x16280;
	s1 =	rddreg [dreg:$0x15]  }
0xf5: {  	[hbm4b:s1+s12] =	stream.linear.scatter [tilespmem:s29], [sflag:$0x2], $0x400, $0x38;
	[tilespmem:$0x17680] =	vst v63  }
0xf6: {  	_ =	swait.ge [sflag:s4], $0x400  }
0xf7: {  	[sflag:s4] =	ssyncset.done $0x0  }
0xf8: {  	s13 =	simm.s32 $0x16680;
	s14 =	rddreg [dreg:$0x16];
	[sflag:s4] =	ssyncadd.s32 $0xFFFFFC00  }
0xf9: {  	[hbm4b:s14+s12] =	stream.linear.scatter [tilespmem:s13], [sflag:$0x2], $0x400, $0x38;
	[tilespmem:$0x17680] =	vst v63  }
0xfa: {  	_ =	swait.ge [sflag:s4], $0x400  }
0xfb: {  	[sflag:s4] =	ssyncset.done $0x0  }
0xfc: {  	s30 =	simm.s32 $0x16A80;
	s15 =	rddreg [dreg:$0x17];
	[sflag:s4] =	ssyncadd.s32 $0xFFFFFC00  }
0xfd: {  	[hbm4b:s15+s12] =	stream.linear.scatter [tilespmem:s30], [sflag:$0x2], $0x400, $0x38;
	[tilespmem:$0x17680] =	vst v63  }
0xfe: {  	_ =	swait.ge [sflag:s4], $0x400  }
0xff: {  	[sflag:s4] =	ssyncset.done $0x0  }
0x100: {  	s14 =	simm.s32 $0x16E80;
	s16 =	rddreg [dreg:$0x18];
	[sflag:s4] =	ssyncadd.s32 $0xFFFFFC00  }
0x101: {  	[hbm4b:s16+s12] =	stream.linear.scatter [tilespmem:s14], [sflag:$0x2], $0x400, $0x38;
	[tilespmem:$0x17680] =	vst v63  }
0x102: {  	_ =	swait.ge [sflag:s4], $0x400  }
0x103: {  	[sflag:s4] =	ssyncset.done $0x0  }
0x104: {  	s31 =	simm.s32 $0x17280;
	s17 =	rddreg [dreg:$0x19];
	[sflag:s4] =	ssyncadd.s32 $0xFFFFFC00  }
0x105: {  	[hbm4b:s17+s12] =	stream.linear.scatter [tilespmem:s31], [sflag:$0x2], $0x400, $0x38;
	[tilespmem:$0x17680] =	vst v63  }
0x106: {  	_ =	swait.ge [sflag:s4], $0x400  }
0x107: {  	[sflag:s4] =	ssyncset.done $0x0  }
0x108: {  	s23 =	rddreg [dreg:$0xd];
	[sflag:s4] =	ssyncadd.s32 $0xFFFFFC00  }
0x109: {  	[tilespmem:s12], [sflag:$0x2] =	stream.linear.gather [hbm4b:s23+s12], $0x40, $0x38;
	[tilespmem:$0x17680] =	vst v63  }
0x10a: {  	_ =	swait.ge [sflag:s4], $0x40  }
0x10b: {  	[sflag:s4] =	ssyncset.done $0x0  }
0x10c: {  	s28 =	rddreg [dreg:$0xe];
	[sflag:s4] =	ssyncadd.s32 $0xFFFFFFC0  }
0x10d: {  	[tilespmem:s5], [sflag:$0x2] =	stream.linear.gather [hbm4b:s28+s12], $0x40, $0x38;
	[tilespmem:$0x17680] =	vst v63  }
0x10e: {  	_ =	swait.ge [sflag:s4], $0x40  }
0x10f: {  	[sflag:s4] =	ssyncset.done $0x0  }
0x110: {  	s15 =	rddreg [dreg:$0xf];
	[sflag:s4] =	ssyncadd.s32 $0xFFFFFFC0  }
0x111: {  	[tilespmem:s6], [sflag:$0x2] =	stream.linear.gather [hbm4b:s15+s12], $0x40, $0x38;
	[tilespmem:$0x17680] =	vst v63  }
0x112: {  	_ =	swait.ge [sflag:s4], $0x40  }
0x113: {  	[sflag:s4] =	ssyncset.done $0x0  }
0x114: {  	s16 =	rddreg [dreg:$0x10];
	[sflag:s4] =	ssyncadd.s32 $0xFFFFFFC0  }
0x115: {  	[tilespmem:s7], [sflag:$0x2] =	stream.linear.gather [hbm4b:s16+s12], $0x40, $0x38;
	[tilespmem:$0x17680] =	vst v63  }
0x116: {  	_ =	swait.ge [sflag:s4], $0x40  }
0x117: {  	[sflag:s4] =	ssyncset.done $0x0  }
0x118: {  	s17 =	rddreg [dreg:$0x11];
	[sflag:s4] =	ssyncadd.s32 $0xFFFFFFC0  }
0x119: {  	[tilespmem:s8], [sflag:$0x2] =	stream.linear.gather [hbm4b:s17+s12], $0x40, $0x38;
	[tilespmem:$0x17680] =	vst v63  }
0x11a: {  	_ =	swait.ge [sflag:s4], $0x40  }
0x11b: {  	[sflag:s4] =	ssyncset.done $0x0  }
0x11c: {  	s23 =	rddreg [dreg:$0x12];
	[sflag:s4] =	ssyncadd.s32 $0xFFFFFFC0  }
0x11d: {  	[tilespmem:s9], [sflag:$0x2] =	stream.linear.gather [hbm4b:s23+s12], $0x40, $0x38;
	[tilespmem:$0x17680] =	vst v63  }
0x11e: {  	_ =	swait.ge [sflag:s4], $0x40  }
0x11f: {  	[sflag:s4] =	ssyncset.done $0x0  }
0x120: {  	s28 =	rddreg [dreg:$0x13];
	[sflag:s4] =	ssyncadd.s32 $0xFFFFFFC0  }
0x121: {  	[tilespmem:s10], [sflag:$0x2] =	stream.linear.gather [hbm4b:s28+s12], $0x40, $0x38;
	[tilespmem:$0x17680] =	vst v63  }
0x122: {  	_ =	swait.ge [sflag:s4], $0x40  }
0x123: {  	[sflag:s4] =	ssyncset.done $0x0  }
0x124: {  	s15 =	rddreg [dreg:$0x14];
	[sflag:s4] =	ssyncadd.s32 $0xFFFFFFC0  }
0x125: {  	[tilespmem:s11], [sflag:$0x2] =	stream.linear.gather [hbm4b:s15+s12], $0x40, $0x38;
	[tilespmem:$0x17680] =	vst v63  }
0x126: {  	_ =	swait.ge [sflag:s4], $0x40  }
0x127: {  	[sflag:s4] =	ssyncset.done $0x0  }
0x128: {  	[sflag:s4] =	ssyncadd.s32 $0xFFFFFFC0  }
0x129: {  	v1 =	vld [tilespmem:$0x140]  }
0x12a: {  	v2 =	vld [tilespmem:$0x1C0]  }
0x12b: {  	v3 =	vld [tilespmem:$0x150]  }
0x12c: {  	v4 =	vld [tilespmem:$0x1D0]  }
0x12d: {  	v5 =	vld [tilespmem:$0x160]  }
0x12e: {  	v6 =	vld [tilespmem:$0x1E0];
	v1 =	vshrl.u32 v1, $0x1  }
0x12f: {  	[tilespmem:$0x200] =	vst v1;
	v1 =	vshrl.u32 v2, $0x1;
	v2 =	vld [tilespmem:$0x170]  }
0x130: {  	[tilespmem:$0x240] =	vst v1;
	v1 =	vshrl.u32 v3, $0x1;
	v3 =	vld [tilespmem:$0x1F0]  }
0x131: {  	[tilespmem:$0x210] =	vst v1;
	v1 =	vshrl.u32 v4, $0x1  }
0x132: {  	[tilespmem:$0x250] =	vst v1;
	v1 =	vshrl.u32 v5, $0x1  }
0x133: {  	[tilespmem:$0x220] =	vst v1;
	v1 =	vshrl.u32 v6, $0x1  }
0x134: {  	[tilespmem:$0x260] =	vst v1;
	v1 =	vshrl.u32 v2, $0x1  }
0x135: {  	[tilespmem:$0x230] =	vst v1;
	v1 =	vshrl.u32 v3, $0x1  }
0x136: {  	s16 =	simm.s32 $0x280;
	[tilespmem:$0x270] =	vst v1  }
0x137: {  	[tilespmem:s16], [sflag:$0x1] =	stream.indirect.gather [hbm4b:s0+s5], $0x80, s12, s5, $0xb8;
	[tilespmem:$0x17680] =	vst v63  }
0x138: {  	s17 =	simm.s32 $0x2280  }
0x139: {  	[tilespmem:s17], [sflag:$0x1] =	stream.indirect.gather [hbm4b:s0+s5], $0x80, s5, s5, $0xb8;
	[tilespmem:$0x17680] =	vst v63  }
0x13a: {  	s23 =	simm.s32 $0x4280  }
0x13b: {  	[tilespmem:s23], [sflag:$0x1] =	stream.indirect.gather [hbm4b:s0+s5], $0x80, s6, s5, $0xb8;
	[tilespmem:$0x17680] =	vst v63  }
0x13c: {  	s28 =	simm.s32 $0x6280  }
0x13d: {  	[tilespmem:s28], [sflag:$0x1] =	stream.indirect.gather [hbm4b:s0+s5], $0x80, s7, s5, $0xb8;
	[tilespmem:$0x17680] =	vst v63  }
0x13e: {  	s15 =	simm.s32 $0x8280  }
0x13f: {  	[tilespmem:s15], [sflag:$0x1] =	stream.indirect.gather [hbm4b:s0+s5], $0x80, s8, s5, $0xb8;
	[tilespmem:$0x17680] =	vst v63  }
0x140: {  	s16 =	simm.s32 $0xA280  }
0x141: {  	[tilespmem:s16], [sflag:$0x1] =	stream.indirect.gather [hbm4b:s0+s5], $0x80, s9, s5, $0xb8;
	[tilespmem:$0x17680] =	vst v63  }
0x142: {  	s17 =	simm.s32 $0xC280  }
0x143: {  	[tilespmem:s17], [sflag:$0x1] =	stream.indirect.gather [hbm4b:s0+s5], $0x80, s11, s5, $0xb8;
	[tilespmem:$0x17680] =	vst v63  }
0x144: {  	_ = 	snop  }
0x145: {  	[tilespmem:s19], [sflag:$0x1] =	stream.indirect.gather [hbm4b:s3+s5], $0x80, s18, s5, $0xb8;
	[tilespmem:$0x17680] =	vst v63  }
0x146: {  	_ = 	snop  }
0x147: {  	[tilespmem:s21], [sflag:$0x1] =	stream.indirect.gather [hbm4b:s3+s5], $0x80, s20, s5, $0xb8;
	[tilespmem:$0x17680] =	vst v63  }
0x148: {  	s23 =	rddreg [dreg:$0x2]  }
0x149: {  	[tilespmem:s22], [sflag:$0x1] =	stream.indirect.gather [hbm4b:s23+s5], $0x80, s10, s5, $0xb8;
	[tilespmem:$0x17680] =	vst v63  }
0x14a: {  	s28 =	rddreg [dreg:$0x3]  }
0x14b: {  	[tilespmem:s24], [sflag:$0x1] =	stream.indirect.gather [hbm4b:s28+s5], $0x80, s10, s5, $0xb8;
	[tilespmem:$0x17680] =	vst v63  }
0x14c: {  	_ =	swait.ge [sflag:s25], $0x2000  }
0x14d: {  	[sflag:s25] =	ssyncset.done $0x0  }
0x14e: {  	[sflag:s25] =	ssyncadd.s32 $0xFFFFE000  }
0x14f: {  	_ =	swait.ge [sflag:s25], $0x2000  }
0x150: {  	[sflag:s25] =	ssyncset.done $0x0  }
0x151: {  	[sflag:s25] =	ssyncadd.s32 $0xFFFFE000  }
0x152: {  	_ =	swait.ge [sflag:s25], $0x2000  }
0x153: {  	[sflag:s25] =	ssyncset.done $0x0  }
0x154: {  	[sflag:s25] =	ssyncadd.s32 $0xFFFFE000  }
0x155: {  	_ =	swait.ge [sflag:s25], $0x2000  }
0x156: {  	[sflag:s25] =	ssyncset.done $0x0  }
0x157: {  	[sflag:s25] =	ssyncadd.s32 $0xFFFFE000  }
0x158: {  	_ =	swait.ge [sflag:s25], $0x2000  }
0x159: {  	[sflag:s25] =	ssyncset.done $0x0  }
0x15a: {  	[sflag:s25] =	ssyncadd.s32 $0xFFFFE000  }
0x15b: {  	_ =	swait.ge [sflag:s25], $0x2000  }
0x15c: {  	[sflag:s25] =	ssyncset.done $0x0  }
0x15d: {  	[sflag:s25] =	ssyncadd.s32 $0xFFFFE000  }
0x15e: {  	_ =	swait.ge [sflag:s25], $0x2000  }
0x15f: {  	[sflag:s25] =	ssyncset.done $0x0  }
0x160: {  	[sflag:s25] =	ssyncadd.s32 $0xFFFFE000  }
0x161: {  	_ =	swait.ge [sflag:s25], $0x2000  }
0x162: {  	[sflag:s25] =	ssyncset.done $0x0  }
0x163: {  	[sflag:s25] =	ssyncadd.s32 $0xFFFFE000  }
0x164: {  	_ =	swait.ge [sflag:s25], $0x2000  }
0x165: {  	[sflag:s25] =	ssyncset.done $0x0  }
0x166: {  	[sflag:s25] =	ssyncadd.s32 $0xFFFFE000  }
0x167: {  	_ =	swait.ge [sflag:s25], $0x2000  }
0x168: {  	[sflag:s25] =	ssyncset.done $0x0  }
0x169: {  	[sflag:s25] =	ssyncadd.s32 $0xFFFFE000  }
0x16a: {  	_ =	swait.ge [sflag:s25], $0x2000  }
0x16b: {  	[sflag:s25] =	ssyncset.done $0x0  }
0x16c: {  	s15 =	simm.s32 $0x0;
	[sflag:s25] =	ssyncadd.s32 $0xFFFFE000  }
.LBB2_4:
0x16d: {  	s1 =	sand.u32 $0x30, s15  }
0x16e: {  	s23 =	sshra.s32 s12, $0x2;
	v1 =	vld [tilespmem:s1+$0x140]  }
0x16f: {  	v3 =	vld [tilespmem:s23+$0x2C0]  }
0x170: {  	v4 =	vld [tilespmem:s23+$0x42C0]  }
0x171: {  	v5 =	vld [tilespmem:s23+$0x62C0]  }
0x172: {  	v6 =	vld [tilespmem:s23+$0x6280]  }
0x173: {  	v7 =	vld [tilespmem:s23+$0x2280]  }
0x174: {  	v8 =	vld [tilespmem:s23+$0x22C0]  }
0x175: {  	v9 =	vld [tilespmem:s23+$0x8280]  }
0x176: {  	v10 =	vld [tilespmem:s23+$0x82C0]  }
0x177: {  	v13 =	vld [tilespmem:s23+$0xA280]  }
0x178: {  	v40 =	vld [tilespmem:s23+$0xA2C0]  }
0x179: {  	v41 =	vld [tilespmem:s23+$0xC280]  }
0x17a: {  	s16 =	sand.u32 $0xF, s15;
	v42 =	vld [tilespmem:s23+$0xC2C0]  }
0x17b: {  	v2 =	vmov s16;
	v14 =	vld [tilespmem:s23+$0x12280]  }
0x17c: {  	vm0 =	veq.s32 v2, v0;
	v2 =	vld [tilespmem:s1+$0x1C0]  }
0x17d: {  	v15 =	vld [tilespmem:s23+$0x122C0]  }
0x17e: {  	v17 =	vld [tilespmem:s23+$0x4290]  }
0x17f: {  	v45 =	vld [tilespmem:s23+$0x42D0]  }
0x180: {  	v46 =	vld [tilespmem:s23+$0x62D0];
	v1 =	vnsel vm0, $0x0, v1  }
0x181: {  	v18 =	vld [tilespmem:s23+$0x6290];
	(xrf0) =	vadd.scan.msk.s32 $0xffff, v1;
	v1 =	vnsel vm0, $0x0, v2  }
0x182: {  	v49 =	vld [tilespmem:s23+$0x290];
	(xrf0) =	vadd.scan.msk.s32 $0xffff, v1  }
0x183: {  	v50 =	vld [tilespmem:s23+$0x2290]  }
0x184: {  	v19 =	vld [tilespmem:s23+$0x2D0]  }
0x185: {  	v51 =	vld [tilespmem:s23+$0x14280]  }
0x186: {  	v57 =	vld [tilespmem:s23+$0x82D0]  }
0x187: {  	v32 =	vld [tilespmem:s23+$0x42E0];
	v1, _, _ =	vpop (xrf0)  }
0x188: {  	(v2sf) =	vpush v1, $0xF;
	v1 =	vld [tilespmem:s23+$0x280];
	v2, _, _ =	vpop (xrf0)  }
0x189: {  	(v2sf) =	vpush v2, $0xF;
	v2 =	vld [tilespmem:s23+$0x4280]  }
0x18a: {  	v31 =	vld [tilespmem:s23+$0x42A0];
	v4 =	vand.u32 $0x7FFFFFFF, v4;
	v5 =	vand.u32 $0x7FFFFFFF, v5;
	v3 =	vand.u32 $0x7FFFFFFF, v3  }
0x18b: {  	v52 =	vld [tilespmem:s23+$0x142C0];
	v8 =	vand.u32 $0x7FFFFFFF, v8;
	v48 =	vand.u32 $0x7FFFFFFF, v10;
	v56 =	vand.u32 $0x7FFFFFFF, v19  }
0x18c: {  	v53 =	vld [tilespmem:s23+$0x8290];
	v26 =	vand.u32 $0x7FFFFFFF, v57;
	v15 =	vand.u32 $0x7FFFFFFF, v15;
	v12 =	vsub.f32 v6, v5  }
0x18d: {  	v60 =	vld [tilespmem:s23+$0xA2D0];
	v39 =	vadd.f32 v5, v6;
	v5 =	vand.u32 $0x7FFFFFFF, v40;
	v1 =	vsub.f32 v1, v7  }
0x18e: {  	v54 =	vld [tilespmem:s23+$0x22D0];
	v40 =	vand.u32 $0x7FFFFFFF, v32;
	v11 =	vsub.f32 v2, v4;
	v2 =	vadd.f32 v4, v2  }
0x18f: {  	v59 =	vld [tilespmem:s23+$0xA290];
	v4 =	vand.u32 $0x7FFFFFFF, v42;
	v42 =	vsub.f32 v31, v40;
	v1 =	vand.u32 $0x7FFFFFFF, v1  }
0x190: {  	v61 =	vld [tilespmem:s23+$0xC290];
	v11 =	vmax.f32 v11, v12;
	v2 =	vmin.f32 v2, v39;
	v1 =	vadd.f32 v1, v3  }
0x191: {  	v63 =	vld [tilespmem:s23+$0xC2D0];
	v29 =	vand.u32 $0x7FFFFFFF, v52;
	v12 =	vadd.f32 v2, v11;
	v44 =	vsub.f32 v2, v11  }
0x192: {  	v24 =	vld [tilespmem:s23+$0x12290];
	v37 =	vand.u32 $0x7FFFFFFF, v60;
	v2 =	vsub.f32 v11, v2;
	v1 =	vsub.f32 v1, v8  }
0x193: {  	v33 =	vld [tilespmem:s23+$0x62E0];
	v8 =	vsub.f32 v49, v50;
	v43 =	vmul.f32 $5.000000000e-01, v12;
	v12 =	vand.u32 $0x7FFFFFFF, v44  }
0x194: {  	v34 =	vld [tilespmem:s23+$0x62A0];
	v11 =	vadd.f32 v40, v31;
	v2 =	vmax.f32 v2, $0.0e+00;
	v3 =	vmul.f32 $5.000000000e-01, v12  }
0x195: {  	v25 =	vld [tilespmem:s23+$0x122D0];
	v1 =	vadd.f32 $-1.000000010e-01, v1;
	v12 =	vand.u32 $0x7FFFFFFF, v46;
	v8 =	vand.u32 $0x7FFFFFFF, v8  }
0x196: {  	v27 =	vld [tilespmem:s23+$0x14290];
	v2 =	vmul.f32 v2, v2;
	v7 =	vsub.f32 v43, v9;
	v21 =	vsub.f32 v18, v12  }
0x197: {  	v35 =	vld [tilespmem:s23+$0x142D0];
	v9 =	vand.u32 $0x7FFFFFFF, v45;
	v12 =	vadd.f32 v12, v18;
	v8 =	vadd.f32 v8, v56  }
0x198: {  	v38 =	vld [tilespmem:s23+$0x2A0];
	v18 =	vand.u32 $0x7FFFFFFF, v33;
	v20 =	vsub.f32 v17, v9;
	v9 =	vadd.f32 v9, v17  }
0x199: {  	v39 =	vld [tilespmem:s23+$0x22A0];
	v43 =	vand.u32 $0x7FFFFFFF, v63;
	v1 =	vmax.f32 v1, $0.0e+00;
	v44 =	vsub.f32 v34, v18;
	s17 =	spop (v2sf)  }
0x19a: {  	v52 =	vld [tilespmem:s23+$0xA2E0];
	v7 =	vand.u32 $0x7FFFFFFF, v7;
	s1 =	sand.u32 $0x1, s17;
	v20 =	vmax.f32 v20, v21;
	v9 =	vmin.f32 v9, v12  }
0x19b: {  	s16 =	sadd.s32 $0xE280, s23;
	v56 =	vld [tilespmem:s23+$0xC2E0];
	v3 =	vadd.f32 v7, v3;
	v12 =	vand.u32 $0x7FFFFFFF, v54;
	p0 =	seq.s32 s1, $0x1;
	s1 =	sadd.s32 $0xE2C0, s23;
	v55 =	vadd.f32 v9, v20  }
0x19c: {  	v45 =	vld [tilespmem:s23+$0x22E0];
	v17 =	vand.u32 $0x7FFFFFFF, v25;
	s28 =	spop (v2sf);
	v58 =	vsub.f32 v9, v20;
	v8 =	vsub.f32 v8, v12;
	s16 =	smov.u32 @p0 s1  }
0x19d: {  	v1 =	vmul.f32 v1, v1;
	v36 =	vsub.f32 v20, v9;
	s1 =	sand.u32 $0x1, s28;
	v3 =	vsub.f32 v3, v48;
	v16 =	vld [tilespmem:s16+$0x0]  }
0x19e: {  	v21 =	vand.u32 $0x7FFFFFFF, v35;
	v48 =	vsub.f32 v38, v39;
	p1 =	seq.s32 s1, $0x1;
	s1 =	sadd.s32 $0x102C0, s23;
	s16 =	sadd.s32 $0x10280, s23;
	v8 =	vadd.f32 $-1.000000010e-01, v8  }
0x19f: {  	v39 =	vld [tilespmem:s23+$0x82F0];
	v10 =	vmul.f32 $5.000000000e-01, v55;
	v19 =	vand.u32 $0x7FFFFFFF, v58;
	s16 =	smov.u32 @p1 s1;
	v3 =	vadd.f32 $-1.000000010e-01, v3  }
0x1a0: {  	v40 =	vand.u32 $0x7FFFFFFF, v56;
	v62 =	vmul.f32 $5.000000000e-01, v19;
	s1 =	sadd.s32 $0xE2D0, s23;
	v47 =	vld [tilespmem:s16+$0x0];
	s16 =	sadd.s32 $0xE290, s23;
	v8 =	vmax.f32 v8, $0.0e+00  }
0x1a1: {  	v57 =	vld [tilespmem:s23+$0x122A0];
	v10 =	vsub.f32 v10, v53;
	v3 =	vmax.f32 v3, $0.0e+00;
	s16 =	smov.u32 @p0 s1;
	v8 =	vmul.f32 v8, v8  }
0x1a2: {  	s17 =	sadd.s32 $0x10290, s23;
	v19 =	vmax.f32 v42, v44;
	s1 =	sadd.s32 $0x102D0, s23;
	v3 =	vmul.f32 v3, v3;
	v28 =	vld [tilespmem:s16+$0x0];
	v6 =	vadd.f32 v16, v41  }
0x1a3: {  	v10 =	vand.u32 $0x7FFFFFFF, v10;
	s17 =	smov.u32 @p1 s1;
	s1 =	sadd.s32 $0x102E0, s23;
	s16 =	sadd.s32 $0x102A0, s23;
	v1 =	vadd.f32 v8, v1;
	v41 =	vld [tilespmem:s23+$0x2E0];
	v8 =	vadd.f32 v18, v34  }
0x1a4: {  	v50 =	vld [tilespmem:s23+$0xA2A0];
	v56 =	vand.u32 $0x7FFFFFFF, v39;
	v10 =	vadd.f32 v10, v62;
	s16 =	smov.u32 @p1 s1;
	v18 =	vand.u32 $0x7FFFFFFF, v45  }
0x1a5: {  	v55 =	vld [tilespmem:s16+$0x0];
	v7 =	vadd.f32 v47, v13;
	v6 =	vsub.f32 v6, v51;
	v8 =	vmin.f32 v11, v8  }
0x1a6: {  	v60 =	vld [tilespmem:s23+$0x142E0];
	v11 =	vand.u32 $0x7FFFFFFF, v48;
	v49 =	vadd.f32 v8, v19;
	v53 =	vsub.f32 v8, v19  }
0x1a7: {  	v46 =	vld [tilespmem:s23+$0x82A0];
	v8 =	vsub.f32 v19, v8;
	v7 =	vsub.f32 v7, v14;
	v6 =	vand.u32 $0x7FFFFFFF, v6  }
0x1a8: {  	v58 =	vld [tilespmem:s23+$0x122E0];
	s1 =	sadd.s32 $0xE2E0, s23;
	s16 =	sadd.s32 $0xE2A0, s23;
	v4 =	vadd.f32 v6, v4;
	v6 =	vsub.f32 v10, v26;
	v51 =	vand.u32 $0x7FFFFFFF, v41  }
0x1a9: {  	v30 =	vld [tilespmem:s17+$0x0];
	s16 =	smov.u32 @p0 s1;
	v10 =	vadd.f32 v28, v61;
	v7 =	vand.u32 $0x7FFFFFFF, v7;
	v11 =	vadd.f32 v11, v51  }
0x1aa: {  	s1 =	sadd.s32 $0x102F0, s23;
	v63 =	vld [tilespmem:s16+$0x0];
	s16 =	sadd.s32 $0x102B0, s23;
	v13 =	vmul.f32 $5.000000000e-01, v49;
	v14 =	vadd.f32 v55, v50;
	v5 =	vadd.f32 v7, v5  }
0x1ab: {  	v16 =	vand.u32 $0x7FFFFFFF, v52;
	s16 =	smov.u32 @p1 s1;
	v41 =	vld [tilespmem:s23+$0xA2B0];
	v4 =	vsub.f32 v4, v29;
	v6 =	vadd.f32 $-1.000000010e-01, v6  }
0x1ac: {  	v31 =	vmax.f32 v8, $0.0e+00;
	v44 =	vld [tilespmem:s16+$0x0];
	v7 =	vsub.f32 v10, v27;
	v10 =	vsub.f32 v13, v46  }
0x1ad: {  	v51 =	vld [tilespmem:s23+$0xA2F0];
	v11 =	vsub.f32 v11, v18;
	v23 =	vsub.f32 v14, v57;
	v18 =	vand.u32 $0x7FFFFFFF, v58  }
0x1ae: {  	v55 =	vld [tilespmem:s23+$0x142F0];
	v5 =	vsub.f32 v5, v15;
	v4 =	vadd.f32 $-1.000000010e-01, v4;
	v6 =	vmax.f32 v6, $0.0e+00  }
0x1af: {  	v15 =	vadd.f32 v30, v59;
	v7 =	vand.u32 $0x7FFFFFFF, v7;
	v10 =	vand.u32 $0x7FFFFFFF, v10  }
0x1b0: {  	v28 =	vld [tilespmem:s23+$0x42F0];
	v6 =	vmul.f32 v6, v6;
	v7 =	vadd.f32 v7, v43;
	v11 =	vadd.f32 $-1.000000010e-01, v11  }
0x1b1: {  	v13 =	vadd.f32 v44, v41;
	v5 =	vadd.f32 $-1.000000010e-01, v5;
	v4 =	vmax.f32 v4, $0.0e+00  }
0x1b2: {  	v27 =	vld [tilespmem:s23+$0x42B0];
	v12 =	vsub.f32 v15, v24;
	v15 =	vand.u32 $0x7FFFFFFF, v60;
	v14 =	vand.u32 $0x7FFFFFFF, v51  }
0x1b3: {  	v57 =	vand.u32 $0x7FFFFFFF, v55;
	v3 =	vadd.f32 v6, v3;
	v4 =	vmul.f32 v4, v4  }
0x1b4: {  	v47 =	vld [tilespmem:s23+$0x82E0];
	v7 =	vsub.f32 v7, v21;
	v6 =	vmax.f32 v36, $0.0e+00;
	v12 =	vand.u32 $0x7FFFFFFF, v12  }
0x1b5: {  	v35 =	vld [tilespmem:s23+$0x22F0];
	v11 =	vmax.f32 v11, $0.0e+00;
	v36 =	vand.u32 $0x7FFFFFFF, v28;
	v9 =	vadd.f32 v12, v37  }
0x1b6: {  	v48 =	vld [tilespmem:s23+$0x122B0];
	v5 =	vmax.f32 v5, $0.0e+00;
	v6 =	vmul.f32 v6, v6;
	v11 =	vmul.f32 v11, v11  }
0x1b7: {  	v21 =	vsub.f32 v27, v36;
	v9 =	vsub.f32 v9, v17;
	v17 =	vand.u32 $0x7FFFFFFF, v53  }
0x1b8: {  	v54 =	vld [tilespmem:s23+$0xC2A0];
	v5 =	vmul.f32 v5, v5;
	v7 =	vadd.f32 $-1.000000010e-01, v7;
	v17 =	vmul.f32 $5.000000000e-01, v17  }
0x1b9: {  	v29 =	vld [tilespmem:s23+$0x62F0];
	v12 =	vand.u32 $0x7FFFFFFF, v47;
	v2 =	vadd.f32 v6, v2;
	v9 =	vadd.f32 $-1.000000010e-01, v9  }
0x1ba: {  	v30 =	vld [tilespmem:s23+$0x62B0];
	v1 =	vadd.f32 v11, v1;
	v6 =	vmul.f32 v31, v31;
	v10 =	vadd.f32 v10, v17  }
0x1bb: {  	v11 =	vand.u32 $0x7FFFFFFF, v35;
	v53 =	vsub.f32 v13, v48;
	v9 =	vmax.f32 v9, $0.0e+00  }
0x1bc: {  	v59 =	vld [tilespmem:s23+$0x142A0];
	v2 =	vadd.f32 v6, v2;
	v61 =	vmul.f32 v9, v9;
	v62 =	vsub.f32 v10, v12  }
0x1bd: {  	v33 =	vld [tilespmem:s23+$0x2F0];
	s28 =	sadd.s32 $0xE2B0, s23;
	s17 =	sadd.s32 $0xE2F0, s23;
	v12 =	vand.u32 $0x7FFFFFFF, v23;
	v10 =	vadd.f32 v63, v54;
	v9 =	vadd.f32 v36, v27  }
0x1be: {  	v34 =	vld [tilespmem:s23+$0x22B0];
	s28 =	smov.u32 @p0 s17;
	v12 =	vadd.f32 v12, v16;
	v16 =	vand.u32 $0x7FFFFFFF, v29;
	v5 =	vadd.f32 v61, v5  }
0x1bf: {  	v45 =	vld [tilespmem:s28+$0x0];
	v7 =	vmax.f32 v7, $0.0e+00;
	v26 =	vadd.f32 $-1.000000010e-01, v62;
	v38 =	vsub.f32 v30, v16  }
0x1c0: {  	v24 =	vld [tilespmem:s23+$0x2B0];
	v25 =	vmul.f32 v7, v7;
	v16 =	vadd.f32 v16, v30;
	v32 =	vsub.f32 v12, v18  }
0x1c1: {  	v43 =	vld [tilespmem:s23+$0xC2B0];
	v10 =	vsub.f32 v10, v59;
	v7 =	vmax.f32 v26, $0.0e+00;
	v42 =	vmax.f32 v21, v38  }
0x1c2: {  	v37 =	vld [tilespmem:s23+$0x82B0];
	v9 =	vmin.f32 v9, v16;
	v7 =	vmul.f32 v7, v7;
	v8 =	vadd.f32 $-1.000000010e-01, v32  }
0x1c3: {  	v12 =	vand.u32 $0x7FFFFFFF, v33;
	v10 =	vand.u32 $0x7FFFFFFF, v10;
	v18 =	vadd.f32 v9, v42  }
0x1c4: {  	v49 =	vld [tilespmem:s23+$0x142B0];
	v47 =	vsub.f32 v9, v42;
	v3 =	vadd.f32 v7, v3;
	v8 =	vmax.f32 v8, $0.0e+00  }
0x1c5: {  	v54 =	vld [tilespmem:s23+$0x122F0];
	v7 =	vsub.f32 v24, v34;
	v46 =	vmul.f32 $5.000000000e-01, v18;
	v8 =	vmul.f32 v8, v8  }
0x1c6: {  	v6 =	vadd.f32 v10, v40;
	v10 =	vadd.f32 v45, v43;
	v50 =	vand.u32 $0x7FFFFFFF, v47  }
0x1c7: {  	v52 =	vld [tilespmem:s23+$0xC2F0];
	v7 =	vand.u32 $0x7FFFFFFF, v7;
	v5 =	vadd.f32 v8, v5;
	v8 =	vsub.f32 v46, v37  }
0x1c8: {  	v4 =	vadd.f32 v25, v4;
	v7 =	vadd.f32 v7, v12;
	v12 =	vmul.f32 $5.000000000e-01, v50  }
0x1c9: {  	v9 =	vsub.f32 v42, v9;
	v10 =	vsub.f32 v10, v49;
	v8 =	vand.u32 $0x7FFFFFFF, v8  }
0x1ca: {  	v13 =	vand.u32 $0x7FFFFFFF, v54;
	v6 =	vsub.f32 v6, v15;
	v8 =	vadd.f32 v8, v12  }
0x1cb: {  	v10 =	vand.u32 $0x7FFFFFFF, v10;
	v7 =	vsub.f32 v7, v11;
	v12 =	vand.u32 $0x7FFFFFFF, v53  }
0x1cc: {  	v11 =	vand.u32 $0x7FFFFFFF, v52;
	v12 =	vadd.f32 v12, v14;
	v8 =	vsub.f32 v8, v56  }
0x1cd: {  	v9 =	vmax.f32 v9, $0.0e+00;
	v10 =	vadd.f32 v10, v11;
	v7 =	vadd.f32 $-1.000000010e-01, v7  }
0x1ce: {  	v59 =	vmul.f32 v9, v9;
	v12 =	vsub.f32 v12, v13;
	v8 =	vadd.f32 $-1.000000010e-01, v8  }
0x1cf: {  	v6 =	vadd.f32 $-1.000000010e-01, v6;
	v10 =	vsub.f32 v10, v57;
	v7 =	vmax.f32 v7, $0.0e+00  }
0x1d0: {  	v7 =	vmul.f32 v7, v7;
	v58 =	vadd.f32 $-1.000000010e-01, v12;
	v8 =	vmax.f32 v8, $0.0e+00  }
0x1d1: {  	v6 =	vmax.f32 v6, $0.0e+00;
	v10 =	vadd.f32 $-1.000000010e-01, v10;
	v8 =	vmul.f32 v8, v8  }
0x1d2: {  	v6 =	vmul.f32 v6, v6;
	v1 =	vadd.f32 v7, v1;
	v60 =	vmax.f32 v58, $0.0e+00  }
0x1d3: {  	p0 =	sne.s32 s12, $0x7E00;
	v62 =	vmax.f32 v10, $0.0e+00;
	v61 =	vmul.f32 v60, v60;
	v3 =	vadd.f32 v8, v3  }
.Ltmp1:
0x1d4: {  	v2 =	vadd.f32 v59, v2;
	v4 =	vadd.f32 v6, v4;
	v63 =	vmul.f32 v62, v62;
	[tilespmem:s29+$0x0] =	vst v1;
	(pc) =	sbr.rel @p0 .LBB2_4-.Ltmp1, $4  }
0x1d5: {  	v1 =	vadd.f32 v61, v5;
	[tilespmem:s13+$0x0] =	vst v3  }
0x1d6: {  	s15 =	sadd.s32 $0x1, s15;
	v3 =	vadd.f32 v63, v4;
	[tilespmem:s30+$0x0] =	vst v2  }
0x1d7: {  	s12 =	sadd.s32 $0x200, s12;
	s29 =	sadd.s32 $0x10, s29;
	s13 =	sadd.s32 $0x10, s13;
	[tilespmem:s14+$0x0] =	vst v1  }
0x1d8: {  	s30 =	sadd.s32 $0x10, s30;
	s14 =	sadd.s32 $0x10, s14;
	[tilespmem:s31+$0x0] =	vst v3;
	s31 =	sadd.s32 $0x10, s31  }
0x1d9: {  	s1 =	rddreg [dreg:$0x1a];
	s12 =	simm.s32 $0x16280  }
0x1da: {  	[hbm4b:s1+s2] =	stream.linear.scatter [tilespmem:s12], [sflag:$0x2], $0x400, $0x38;
	[tilespmem:$0x17680] =	vst v63  }
0x1db: {  	_ =	swait.ge [sflag:s4], $0x400  }
0x1dc: {  	[sflag:s4] =	ssyncset.done $0x0  }
0x1dd: {  	s15 =	simm.s32 $0x16680;
	s14 =	rddreg [dreg:$0x1b];
	[sflag:s4] =	ssyncadd.s32 $0xFFFFFC00  }
0x1de: {  	[hbm4b:s14+s2] =	stream.linear.scatter [tilespmem:s15], [sflag:$0x2], $0x400, $0x38;
	[tilespmem:$0x17680] =	vst v63  }
0x1df: {  	_ =	swait.ge [sflag:s4], $0x400  }
0x1e0: {  	[sflag:s4] =	ssyncset.done $0x0  }
0x1e1: {  	s17 =	simm.s32 $0x16A80;
	s16 =	rddreg [dreg:$0x1c];
	[sflag:s4] =	ssyncadd.s32 $0xFFFFFC00  }
0x1e2: {  	[hbm4b:s16+s2] =	stream.linear.scatter [tilespmem:s17], [sflag:$0x2], $0x400, $0x38;
	[tilespmem:$0x17680] =	vst v63  }
0x1e3: {  	_ =	swait.ge [sflag:s4], $0x400  }
0x1e4: {  	[sflag:s4] =	ssyncset.done $0x0  }
0x1e5: {  	s28 =	simm.s32 $0x16E80;
	s23 =	rddreg [dreg:$0x1d];
	[sflag:s4] =	ssyncadd.s32 $0xFFFFFC00  }
0x1e6: {  	[hbm4b:s23+s2] =	stream.linear.scatter [tilespmem:s28], [sflag:$0x2], $0x400, $0x38;
	[tilespmem:$0x17680] =	vst v63  }
0x1e7: {  	_ =	swait.ge [sflag:s4], $0x400  }
0x1e8: {  	[sflag:s4] =	ssyncset.done $0x0  }
0x1e9: {  	s30 =	simm.s32 $0x17280;
	s29 =	rddreg [dreg:$0x1e];
	[sflag:s4] =	ssyncadd.s32 $0xFFFFFC00  }
0x1ea: {  	[hbm4b:s29+s2] =	stream.linear.scatter [tilespmem:s30], [sflag:$0x2], $0x400, $0x38;
	[tilespmem:$0x17680] =	vst v63  }
0x1eb: {  	_ =	swait.ge [sflag:s4], $0x400  }
0x1ec: {  	s26 =	sadd.s32 $0x1, s26;
	s31 =	rddreg [dreg:$0x1f]  }
0x1ed: {  	p0 =	sne.s32 s26, s31  }
.Ltmp2:
0x1ee: {  	_ = 	snop;
	(pc) =	sbr.rel @p0 .LBB2_1-.Ltmp2, $3  }
0x1ef: {  	_ =	sdelay $0x1  }
0x1f0: {  	[sflag:s4] =	ssyncset.done $0x0  }
0x1f1: {  	[sflag:s4] =	ssyncadd.s32 $0xFFFFFC00  }
0x1f2: {  	_ =	sfence.sel $0x180000  }
0x1f3: {  	[bflag:$0x0] =	sbarrier.arrive $0xFFFF  }
0x1f4: {  	_ =	strace $0x90000047  }
0x1f5: {  	s0 =	stileid.u32;
	[bflag:$0x2] =	sbarrier.arrive $0xFFFF  }
0x1f6: {  	p0 =	sne.s32 s0, $0x0;
	s0 =	rddreg [dreg:$0x4]  }
0x1f7: {  	s0 =	sadd.s32 @!p0 $0x100000, s0  }
0x1f8: {  	[sflag:s0] =	ssyncadd.tile.s32 @!p0 $0x1;
	_ =	shalt  }
.Lfunc_end2:
_tile_overlayer_lowered:
.L_overlay_start_2:
0x1f9: {  	(tag) =	ssettag $0x2  }
0x1fa: {  	s0 =	rddreg [dreg:$0x0];
	s2 =	stileid.u32  }
0x1fb: {  	s1 =	rddreg [dreg:$0x1];
	p0 =	sne.s32 s2, $0x0  }
0x1fc: {  	s3 =	rddreg [dreg:$0x2];
	[bflag:$0x3] =	sbarrier.arrive $0xFFFF;
	s2 =	simm.s32 @!p0 $0x1C02  }
0x1fd: {  	[timem:s3], [sflag:s2] =	dma.local @!p0 [hbm:s0], s1  }
0x1fe: {  	s0 =	simm.s32 @!p0 $0x2  }
0x1ff: {  	_ =	swait.ge @!p0 [sflag:s0], s1  }
0x200: {  	s1 =	ssub.s32 @!p0 $0x0, s1;
	[sflag:s0] =	ssyncset.done @!p0 $0x0  }
0x201: {  	[sflag:s0] =	ssyncadd.s32 @!p0 s1  }
0x202: {  	[bflag:$0x3] =	sbarrier.arrive $0xFFFF  }
0x203: {  	_ =	shalt  }

</sc_bundles>
